<compile_context>
chip_gen: v7x
topology: tpu7x:2x2x1
jax: 0.10.2.dev20260603
libtpu: 0.0.44.dev20260713+nightly
codegen_flags: <defaults>
</compile_context>

<pallas_src>
import functools
import math

import jax
import jax.numpy as jnp
import numpy as np
from jax import lax
from jax.experimental import pallas as pl
from jax.experimental.pallas import tpu as pltpu, tpu_sc as plsc

NBINS = 9
POOL = 8
GW = 16
H = W = 224
HP = WP = H // POOL
NCELL = HP * WP
FEAT = NCELL * NBINS
NTILES = 32
SC_IMGS = 32

_COS = [math.cos(k * math.pi / NBINS) for k in range(1, NBINS)]
_SIN = [math.sin(k * math.pi / NBINS) for k in range(1, NBINS)]



def _bf16_round(v):
    bits = plsc.bitcast(v, jnp.int32)
    rb = bits + jnp.int32(0x7FFF) + ((bits >> 16) & jnp.int32(1))
    return plsc.bitcast(rb & jnp.int32(-65536), jnp.float32)


def _rsqrt2(v):
    bits = plsc.bitcast(v, jnp.int32)
    y = plsc.bitcast(jnp.int32(0x5F3759DF) - (bits >> 1), jnp.float32)
    for _ in range(2):
        y = y * (1.5 - 0.5 * v * y * y)
    return y


def _sc_body(x_hbm, gkt_hbm, dbase_hbm, out_hbm,
             xs, stage, hist, vsrow, vdrow, gkb, dbase, outb):
    wid = lax.axis_index("s") * 2 + lax.axis_index("c")
    pltpu.sync_copy(gkt_hbm, gkb)
    pltpu.sync_copy(dbase_hbm, dbase)
    iot = lax.iota(jnp.int32, 16)
    zvec = jnp.zeros((16,), jnp.float32)

    b = (64 - SC_IMGS) + wid

    pltpu.sync_copy(x_hbm.at[b, 0], xs)
    for c in range(1, 3):
        for hh in range(2):
            pltpu.sync_copy(x_hbm.at[b, c, pl.ds(hh * 112, 112)], stage)

            def row1(rr, _):
                r = hh * 112 + rr

                def vec1(j, _):
                    off = pl.ds(j * 16, 16)
                    prev = xs[r, off]
                    if c == 1:
                        prev = _bf16_round(prev)
                    xs[r, off] = prev + _bf16_round(stage[rr, off])
                    return 0
                lax.fori_loop(0, 14, vec1, 0, unroll=2)
                return 0
            lax.fori_loop(0, 112, row1, 0)

    def zh(i, _):
        hist[pl.ds(i * 16, 16)] = zvec
        return 0
    lax.fori_loop(0, FEAT // 16, zh, 0)

    edge_src = jnp.where(iot == 0, 2, W - 1)
    edge_dst = jnp.where(iot == 0, 0, W + 1)
    edge_msk = iot < 2
    one = jnp.ones((16,), jnp.int32)
    czero = jnp.zeros((16,), jnp.int32)

    def row2(r, _):
        rm = jnp.where(r == 0, 1, r - 1)
        rp = jnp.where(r == H - 1, H - 2, r + 1)
        grow = r & 15
        base = (r >> 3) * WP

        def vec2a(j, _):
            off = pl.ds(j * 16, 16)
            offp = pl.ds(j * 16 + 1, 16)
            a = xs[rm, off]
            c0 = xs[r, off]
            bb = xs[rp, off]
            vsrow[offp] = a + 2.0 * c0 + bb
            vdrow[offp] = a - bb
            return 0
        lax.fori_loop(0, 14, vec2a, 0, unroll=2)
        plsc.store_scatter(vsrow, [edge_dst],
                           plsc.load_gather(vsrow, [edge_src]), mask=edge_msk)
        plsc.store_scatter(vdrow, [edge_dst],
                           plsc.load_gather(vdrow, [edge_src]), mask=edge_msk)

        def vec2b(j, _):
            w0 = j * 16
            gx = vsrow[pl.ds(w0, 16)] - vsrow[pl.ds(w0 + 2, 16)]
            gy = (vdrow[pl.ds(w0, 16)] + 2.0 * vdrow[pl.ds(w0 + 1, 16)]
                  + vdrow[pl.ds(w0 + 2, 16)])
            g2 = gx * gx + gy * gy
            wn = g2 * _rsqrt2(g2) * gkb[grow, pl.ds(w0, 16)]
            flip = (gx < 0.0) | ((gx == 0.0) & (gy < 0.0))
            fx = jnp.where(flip, -gx, gx)
            fy = jnp.where(flip, -gy, gy)
            cnt = jnp.zeros((16,), jnp.int32)
            for k in range(4):
                p = fx * _COS[k]
                q = fy * _SIN[k]
                cnt = cnt + jnp.where(p - q >= 0.0, one, czero)
                cnt = cnt + jnp.where(p + q <= 0.0, one, czero)
            cell = base + ((w0 + iot) >> 3)
            plsc.addupdate_scatter(hist, [cnt * NCELL + cell], wn)
            return 0
        lax.fori_loop(0, 14, vec2b, 0, unroll=2)
        return 0
    lax.fori_loop(0, H, row2, 0)

    def cellvec(v, _):
        off = pl.ds(v * 16, 16)
        hk = [hist[pl.ds(k * NCELL + v * 16, 16)] for k in range(NBINS)]
        s = zvec
        for k in range(NBINS):
            s = s + hk[k] * hk[k]
        y = _rsqrt2(s)
        db = dbase[off]
        for k in range(NBINS):
            plsc.store_scatter(outb, [db + 4 * k], hk[k] * y)
        return 0
    lax.fori_loop(0, NCELL // 16, cellvec, 0)

    pltpu.sync_copy(outb, out_hbm.at[wid])



def _tc_body(x_ref, gk_ref, pool_ref, out_ref):
    xb0 = x_ref[0, 0].astype(jnp.bfloat16).astype(jnp.float32)
    xb1 = x_ref[0, 1].astype(jnp.bfloat16).astype(jnp.float32)
    xb2 = x_ref[0, 2].astype(jnp.bfloat16).astype(jnp.float32)
    xs = xb0 + xb1 + xb2

    xp = jnp.concatenate([xs[1:2], xs, xs[H - 2:H - 1]], axis=0)
    xp = jnp.concatenate([xp[:, 1:2], xp, xp[:, W - 2:W - 1]], axis=1)

    vs = xp[:-2] + 2.0 * xp[1:-1] + xp[2:]
    vd = xp[:-2] - xp[2:]
    gx = vs[:, :-2] - vs[:, 2:]
    gy = vd[:, :-2] + 2.0 * vd[:, 1:-1] + vd[:, 2:]

    norm = jnp.sqrt(gx * gx + gy * gy) * gk_ref[...]

    flip = (gx < 0.0) | ((gx == 0.0) & (gy < 0.0))
    fx = jnp.where(flip, -gx, gx)
    fy = jnp.where(flip, -gy, gy)
    binv = jnp.zeros(fx.shape, dtype=jnp.int32)
    for k in range(1, NBINS):
        beta = k * math.pi / NBINS
        t = fx * math.cos(beta) - fy * math.sin(beta)
        binv = binv + jnp.where(t >= 0.0, 1, 0).astype(jnp.int32)

    p = pool_ref[...]
    hist = []
    for k in range(NBINS):
        m = jnp.where(binv == k, norm, 0.0)
        pm = jax.lax.dot_general(p, m, (((1,), (0,)), ((), ())),
                                 preferred_element_type=jnp.float32,
                                 precision=jax.lax.Precision.HIGHEST)
        hist.append(jax.lax.dot_general(pm, p, (((1,), (1,)), ((), ())),
                                        preferred_element_type=jnp.float32,
                                        precision=jax.lax.Precision.HIGHEST))
    h3 = jnp.stack(hist, axis=0)

    n2 = jnp.sqrt(jnp.sum(h3 * h3, axis=0, keepdims=True))
    out_ref[0] = h3 / jnp.maximum(n2, 1e-12)



def kernel(x, weight_x, weight_y, gaussian_kernel):
    b = x.shape[0]
    tc_n = b - SC_IMGS
    rep = H // GW

    gk224 = jnp.tile(gaussian_kernel, (rep, rep))
    pool_mat = jnp.asarray(
        np.repeat(np.eye(HP, dtype=np.float32), POOL, axis=1))
    normed = pl.pallas_call(
        _tc_body,
        grid=(tc_n,),
        in_specs=[
            pl.BlockSpec((1, 3, H, W), lambda i: (i, 0, 0, 0)),
            pl.BlockSpec((H, W), lambda i: (0, 0)),
            pl.BlockSpec((HP, H), lambda i: (0, 0)),
        ],
        out_specs=pl.BlockSpec((1, NBINS, HP, WP), lambda i: (i, 0, 0, 0)),
        out_shape=jax.ShapeDtypeStruct((tc_n, NBINS, HP, WP), jnp.float32),
    )(x, gk224, pool_mat)
    feat_tc = normed.transpose(0, 2, 3, 1)
    feat_tc = feat_tc.reshape(tc_n, 14, 2, 14, 2, NBINS)
    feat_tc = feat_tc.transpose(0, 1, 3, 5, 2, 4)
    feat_tc = feat_tc.reshape(tc_n, 196, 36)

    gkt = jnp.tile(gaussian_kernel, (1, W // 16))
    hc, wc = np.meshgrid(np.arange(HP), np.arange(WP), indexing="ij")
    dest = ((hc >> 1) * 14 + (wc >> 1)) * 36 + (hc & 1) * 2 + (wc & 1)
    dbase = jnp.asarray(dest.reshape(-1).astype(np.int32))

    mesh = plsc.VectorSubcoreMesh(core_axis_name="c", subcore_axis_name="s")
    sc_run = functools.partial(
        pl.kernel, mesh=mesh,
        out_type=jax.ShapeDtypeStruct((SC_IMGS, FEAT), jnp.float32),
        scratch_types=[
            pltpu.VMEM((H, W), jnp.float32),
            pltpu.VMEM((112, W), jnp.float32),
            pltpu.VMEM((FEAT,), jnp.float32),
            pltpu.VMEM((W + 2,), jnp.float32),
            pltpu.VMEM((W + 2,), jnp.float32),
            pltpu.VMEM((16, W), jnp.float32),
            pltpu.VMEM((NCELL,), jnp.int32),
            pltpu.VMEM((FEAT,), jnp.float32),
        ],
        compiler_params=pltpu.CompilerParams(needs_layout_passes=False),
    )(_sc_body)
    feat_sc = sc_run(x, gkt, dbase).reshape(SC_IMGS, 196, 36)

    return jnp.concatenate([feat_tc, feat_sc], axis=0)

# --- scband reference (transcript-rebuilt; emitter-appended) ---
"""Pipeline reference for scband-hoggenerator-3547642986702 (READ-ONLY COPY).

The authoritative reference and input builder live on the scoring server;
editing this copy changes nothing except your own understanding.
"""

import math
import jax, jax.numpy as jnp
import numpy as np

NBINS, POOL, GW, UNFOLD, CHANNELS = 9, 8, 16, 14, 3


def _gaussian_kernel(kernlen, std):
    n = jnp.arange(kernlen, dtype=jnp.float32)
    n = n - jnp.mean(n)
    n = n / std
    w = jnp.exp(-0.5 * n ** 2)
    k2 = w[:, None] * w[None, :]
    return k2 / jnp.sum(k2)


def setup_inputs(seed: int = 0) -> dict:
    key = jax.random.key(seed)
    x = jax.random.normal(key, (64, CHANNELS, 224, 224), dtype=jnp.float32)
    wx = jnp.array([[1.0, 0.0, -1.0], [2.0, 0.0, -2.0], [1.0, 0.0, -1.0]], dtype=jnp.float32)
    weight_x = jnp.tile(wx.reshape(1, 1, 3, 3), (1, CHANNELS, 1, 1))
    weight_y = jnp.transpose(weight_x, (0, 1, 3, 2))
    gaussian_kernel = _gaussian_kernel(GW, GW // 2)
    return {"x": x, "weight_x": weight_x, "weight_y": weight_y, "gaussian_kernel": gaussian_kernel}


def reference(x, weight_x, weight_y, gaussian_kernel):
    xp = jnp.pad(x, ((0, 0), (0, 0), (1, 1), (1, 1)), mode='reflect')
    dn = ('NCHW', 'OIHW', 'NCHW')
    gx = jax.lax.conv_general_dilated(xp, weight_x, (1, 1), 'VALID', dimension_numbers=dn)
    gy = jax.lax.conv_general_dilated(xp, weight_y, (1, 1), 'VALID', dimension_numbers=dn)
    norm = jnp.sqrt(gx ** 2 + gy ** 2)
    phase = jnp.arctan2(gx, gy) / math.pi * NBINS
    b, c, h, w = norm.shape
    repeat_rate = h // GW
    gk = jnp.tile(gaussian_kernel, (repeat_rate, repeat_rate))
    norm = norm * gk
    bins = jnp.floor(phase).astype(jnp.int32) % NBINS
    out = jnp.zeros((b, c, NBINS, h, w), dtype=jnp.float32)
    bi = jnp.arange(b)[:, None, None, None]
    ci = jnp.arange(c)[None, :, None, None]
    hi = jnp.arange(h)[None, None, :, None]
    wi = jnp.arange(w)[None, None, None, :]
    out = out.at[bi, ci, bins, hi, wi].add(norm)
    hp, wp = h // POOL, w // POOL
    out = out.reshape(b, c, NBINS, hp, POOL, wp, POOL).sum(axis=(4, 6))
    n2 = jnp.sqrt(jnp.sum(out ** 2, axis=2, keepdims=True))
    out = out / jnp.maximum(n2, 1e-12)
    # _reshape
    feat = out.reshape(b, c * NBINS, hp, wp).transpose(0, 2, 3, 1)
    us = wp // UNFOLD
    feat = feat.reshape(b, hp // us, us, wp // us, us, c * NBINS)
    feat = feat.transpose(0, 1, 3, 5, 2, 4)
    feat = feat.reshape(b, (hp // us) * (wp // us), c * NBINS * us * us)
    return feat

if __name__ == "__main__":
    import jax
    _d = setup_inputs()
    print(jax.jit(kernel)(*tuple(_d.values())))

</pallas_src>

<mosaic_0001>
#map = affine_map<(d0, d1) -> (0, 0, 0, 0)>
#map1 = affine_map<(d0, d1) -> (0, 0)>
#map2 = affine_map<(d0, d1) -> (0)>
module attributes {stable_mosaic.version = 14 : i64} {
  func.func @_sc_body(%arg0: i32, %arg1: i32, %arg2: memref<64x3x224x224xf32, #tpu.memory_space<hbm>>, %arg3: memref<16x224xf32, #tpu.memory_space<hbm>>, %arg4: memref<784xi32, #tpu.memory_space<hbm>>, %arg5: memref<32x7056xf32, #tpu.memory_space<hbm>>, %arg6: memref<224x224xf32, #tpu.memory_space<vmem>>, %arg7: memref<112x224xf32, #tpu.memory_space<vmem>>, %arg8: memref<7056xf32, #tpu.memory_space<vmem>>, %arg9: memref<226xf32, #tpu.memory_space<vmem>>, %arg10: memref<226xf32, #tpu.memory_space<vmem>>, %arg11: memref<16x224xf32, #tpu.memory_space<vmem>>, %arg12: memref<784xi32, #tpu.memory_space<vmem>>, %arg13: memref<7056xf32, #tpu.memory_space<vmem>>) attributes {dimension_semantics = [#tpu.dimension_semantics<core_parallel>, #tpu.dimension_semantics<subcore_parallel>], iteration_bounds = array<i64: 2, 16>, scalar_prefetch = 0 : i64, scratch_operands = 8 : i64, tpu.core_type = #tpu.core_type<sc_vector_subcore>, window_params = [{transform_indices = #map}, {transform_indices = #map1}, {transform_indices = #map2}, {transform_indices = #map1}]} {
    %mul3A = arith.constant 2 : i32
    %mul3A_0 = arith.muli %arg1, %mul3A : i32
    %add3A = arith.addi %mul3A_0, %arg0 : i32
    "tpu.region"() ({
      %run_scoped3A_75 = tpu.sem_alloc : memref<!tpu.dma_semaphore, #tpu.memory_space<semaphore_mem>>
      tpu.enqueue_dma source(%arg3 : memref<16x224xf32, #tpu.memory_space<hbm>>) target(%arg11 : memref<16x224xf32, #tpu.memory_space<vmem>>) target_semaphore(%run_scoped3A_75 : memref<!tpu.dma_semaphore, #tpu.memory_space<semaphore_mem>>)
      tpu.wait_dma2 semaphore(%run_scoped3A_75 : memref<!tpu.dma_semaphore, #tpu.memory_space<semaphore_mem>>) src(%arg3 : memref<16x224xf32, #tpu.memory_space<hbm>>) dst(%arg11 : memref<16x224xf32, #tpu.memory_space<vmem>>)
      tpu.yield
    }) : () -> ()
    "tpu.region"() ({
      %run_scoped3A_75 = tpu.sem_alloc : memref<!tpu.dma_semaphore, #tpu.memory_space<semaphore_mem>>
      tpu.enqueue_dma source(%arg4 : memref<784xi32, #tpu.memory_space<hbm>>) target(%arg12 : memref<784xi32, #tpu.memory_space<vmem>>) target_semaphore(%run_scoped3A_75 : memref<!tpu.dma_semaphore, #tpu.memory_space<semaphore_mem>>)
      tpu.wait_dma2 semaphore(%run_scoped3A_75 : memref<!tpu.dma_semaphore, #tpu.memory_space<semaphore_mem>>) src(%arg4 : memref<784xi32, #tpu.memory_space<hbm>>) dst(%arg12 : memref<784xi32, #tpu.memory_space<vmem>>)
      tpu.yield
    }) : () -> ()
    %iota3A = tpu.iota {dimensions = array<i32: 0>} : vector<16xi32>
    %broadcast_in_dim3A = arith.constant 0.000000e+00 : f32
    %broadcast_in_dim3A_1 = vector.broadcast %broadcast_in_dim3A : f32 to vector<16xf32>
    %add3A_2 = arith.constant 32 : i32
    %add3A_3 = arith.addi %add3A_2, %add3A : i32
    %run_scoped3A = arith.constant 0 : i32
    "tpu.region"() ({
      %run_scoped3A_75 = tpu.sem_alloc : memref<!tpu.dma_semaphore, #tpu.memory_space<semaphore_mem>>
      %dma_start3A = arith.constant 0 : i32
      %dma_start3A_76 = arith.constant 0 : i32
      %dma_start3A_77 = tpu.memref_slice %arg2[%add3A_3, %run_scoped3A, %dma_start3A, %dma_start3A_76] : memref<64x3x224x224xf32, #tpu.memory_space<hbm>> -> memref<1x1x224x224xf32, #tpu.memory_space<hbm>>
      %dma_start3A_78 = tpu.memref_squeeze %dma_start3A_77 : memref<1x1x224x224xf32, #tpu.memory_space<hbm>> -> memref<224x224xf32, #tpu.memory_space<hbm>>
      %dma_start3A_79 = arith.constant 0 : i32
      %dma_start3A_80 = arith.constant 0 : i32
      %dma_start3A_81 = tpu.memref_slice %arg2[%add3A_3, %run_scoped3A, %dma_start3A_79, %dma_start3A_80] : memref<64x3x224x224xf32, #tpu.memory_space<hbm>> -> memref<1x1x224x224xf32, #tpu.memory_space<hbm>>
      %dma_start3A_82 = tpu.memref_squeeze %dma_start3A_81 : memref<1x1x224x224xf32, #tpu.memory_space<hbm>> -> memref<224x224xf32, #tpu.memory_space<hbm>>
      tpu.enqueue_dma source(%dma_start3A_82 : memref<224x224xf32, #tpu.memory_space<hbm>>) target(%arg6 : memref<224x224xf32, #tpu.memory_space<vmem>>) target_semaphore(%run_scoped3A_75 : memref<!tpu.dma_semaphore, #tpu.memory_space<semaphore_mem>>)
      %dma_wait3A = arith.constant 0 : i32
      %dma_wait3A_83 = arith.constant 0 : i32
      %dma_wait3A_84 = tpu.memref_slice %arg2[%add3A_3, %run_scoped3A, %dma_wait3A, %dma_wait3A_83] : memref<64x3x224x224xf32, #tpu.memory_space<hbm>> -> memref<1x1x224x224xf32, #tpu.memory_space<hbm>>
      %dma_wait3A_85 = tpu.memref_squeeze %dma_wait3A_84 : memref<1x1x224x224xf32, #tpu.memory_space<hbm>> -> memref<224x224xf32, #tpu.memory_space<hbm>>
      %dma_wait3A_86 = arith.constant 0 : i32
      %dma_wait3A_87 = arith.constant 0 : i32
      %dma_wait3A_88 = tpu.memref_slice %arg2[%add3A_3, %run_scoped3A, %dma_wait3A_86, %dma_wait3A_87] : memref<64x3x224x224xf32, #tpu.memory_space<hbm>> -> memref<1x1x224x224xf32, #tpu.memory_space<hbm>>
      %dma_wait3A_89 = tpu.memref_squeeze %dma_wait3A_88 : memref<1x1x224x224xf32, #tpu.memory_space<hbm>> -> memref<224x224xf32, #tpu.memory_space<hbm>>
      tpu.wait_dma2 semaphore(%run_scoped3A_75 : memref<!tpu.dma_semaphore, #tpu.memory_space<semaphore_mem>>) src(%dma_wait3A_89 : memref<224x224xf32, #tpu.memory_space<hbm>>) dst(%arg6 : memref<224x224xf32, #tpu.memory_space<vmem>>)
      tpu.yield
    }) : () -> ()
    %run_scoped3A_4 = arith.constant 1 : i32
    "tpu.region"() ({
      %run_scoped3A_75 = tpu.sem_alloc : memref<!tpu.dma_semaphore, #tpu.memory_space<semaphore_mem>>
      %dma_start3A = arith.constant 0 : i32
      %dma_start3A_76 = arith.constant 0 : i32
      %dma_start3A_77 = tpu.memref_slice %arg2[%add3A_3, %run_scoped3A_4, %dma_start3A, %dma_start3A_76] : memref<64x3x224x224xf32, #tpu.memory_space<hbm>> -> memref<1x1x112x224xf32, #tpu.memory_space<hbm>>
      %dma_start3A_78 = tpu.memref_squeeze %dma_start3A_77 : memref<1x1x112x224xf32, #tpu.memory_space<hbm>> -> memref<112x224xf32, #tpu.memory_space<hbm>>
      %dma_start3A_79 = arith.constant 0 : i32
      %dma_start3A_80 = arith.constant 0 : i32
      %dma_start3A_81 = tpu.memref_slice %arg2[%add3A_3, %run_scoped3A_4, %dma_start3A_79, %dma_start3A_80] : memref<64x3x224x224xf32, #tpu.memory_space<hbm>> -> memref<1x1x112x224xf32, #tpu.memory_space<hbm>>
      %dma_start3A_82 = tpu.memref_squeeze %dma_start3A_81 : memref<1x1x112x224xf32, #tpu.memory_space<hbm>> -> memref<112x224xf32, #tpu.memory_space<hbm>>
      tpu.enqueue_dma source(%dma_start3A_82 : memref<112x224xf32, #tpu.memory_space<hbm>>) target(%arg7 : memref<112x224xf32, #tpu.memory_space<vmem>>) target_semaphore(%run_scoped3A_75 : memref<!tpu.dma_semaphore, #tpu.memory_space<semaphore_mem>>)
      %dma_wait3A = arith.constant 0 : i32
      %dma_wait3A_83 = arith.constant 0 : i32
      %dma_wait3A_84 = tpu.memref_slice %arg2[%add3A_3, %run_scoped3A_4, %dma_wait3A, %dma_wait3A_83] : memref<64x3x224x224xf32, #tpu.memory_space<hbm>> -> memref<1x1x112x224xf32, #tpu.memory_space<hbm>>
      %dma_wait3A_85 = tpu.memref_squeeze %dma_wait3A_84 : memref<1x1x112x224xf32, #tpu.memory_space<hbm>> -> memref<112x224xf32, #tpu.memory_space<hbm>>
      %dma_wait3A_86 = arith.constant 0 : i32
      %dma_wait3A_87 = arith.constant 0 : i32
      %dma_wait3A_88 = tpu.memref_slice %arg2[%add3A_3, %run_scoped3A_4, %dma_wait3A_86, %dma_wait3A_87] : memref<64x3x224x224xf32, #tpu.memory_space<hbm>> -> memref<1x1x112x224xf32, #tpu.memory_space<hbm>>
      %dma_wait3A_89 = tpu.memref_squeeze %dma_wait3A_88 : memref<1x1x112x224xf32, #tpu.memory_space<hbm>> -> memref<112x224xf32, #tpu.memory_space<hbm>>
      tpu.wait_dma2 semaphore(%run_scoped3A_75 : memref<!tpu.dma_semaphore, #tpu.memory_space<semaphore_mem>>) src(%dma_wait3A_89 : memref<112x224xf32, #tpu.memory_space<hbm>>) dst(%arg7 : memref<112x224xf32, #tpu.memory_space<vmem>>)
      tpu.yield
    }) : () -> ()
    %scan3A = arith.constant 0 : i32
    %scan3A_5 = arith.constant 0 : i32
    %scan3A_6 = arith.constant 112 : i32
    %scan3A_7 = arith.addi %scan3A_5, %scan3A_6 : i32
    %scan3A_8 = arith.constant 1 : i32
    %scan3A_9 = scf.for %scan3A_75 = %scan3A_5 to %scan3A_7 step %scan3A_8 iter_args(%scan3A_76 = %scan3A) -> (i32)  : i32 {
      %add3A_77 = arith.constant 0 : i32
      %add3A_78 = arith.addi %add3A_77, %scan3A_75 : i32
      %scan3A_79 = arith.constant 0 : i32
      %scan3A_80 = arith.constant 0 : i32
      %scan3A_81 = arith.constant 14 : i32
      %scan3A_82 = arith.addi %scan3A_80, %scan3A_81 : i32
      %scan3A_83 = arith.constant 2 : i32
      %scan3A_84 = scf.for %scan3A_87 = %scan3A_80 to %scan3A_82 step %scan3A_83 iter_args(%scan3A_88 = %scan3A_79) -> (i32)  : i32 {
        %mul3A_89 = arith.constant 16 : i32
        %mul3A_90 = arith.muli %scan3A_87, %mul3A_89 : i32
        %get3A = arith.index_cast %add3A_78 : i32 to index
        %get3A_91 = arith.index_cast %mul3A_90 : i32 to index
        %get3A_92 = tpu.vector_load %arg6[%get3A, %get3A_91] {strides = array<i32>} : memref<224x224xf32, #tpu.memory_space<vmem>>, vector<16xf32>,
        %bitcast3A = vector.bitcast %get3A_92 : vector<16xf32> to vector<16xi32>
        %add3A_93 = arith.constant 32767 : i32
        %add3A_94 = vector.broadcast %add3A_93 : i32 to vector<16xi32>
        %add3A_95 = arith.addi %bitcast3A, %add3A_94 : vector<16xi32>
        %shift_right_arithmetic3A = arith.constant 16 : i32
        %shift_right_arithmetic3A_96 = vector.broadcast %shift_right_arithmetic3A : i32 to vector<16xi32>
        %shift_right_arithmetic3A_97 = arith.shrsi %bitcast3A, %shift_right_arithmetic3A_96 : vector<16xi32>
        %and3A = arith.constant 1 : i32
        %and3A_98 = vector.broadcast %and3A : i32 to vector<16xi32>
        %and3A_99 = arith.andi %shift_right_arithmetic3A_97, %and3A_98 : vector<16xi32>
        %add3A_100 = arith.addi %add3A_95, %and3A_99 : vector<16xi32>
        %and3A_101 = arith.constant -65536 : i32
        %and3A_102 = vector.broadcast %and3A_101 : i32 to vector<16xi32>
        %and3A_103 = arith.andi %add3A_100, %and3A_102 : vector<16xi32>
        %bitcast3A_104 = vector.bitcast %and3A_103 : vector<16xi32> to vector<16xf32>
        %get3A_105 = arith.index_cast %scan3A_75 : i32 to index
        %get3A_106 = arith.index_cast %mul3A_90 : i32 to index
        %get3A_107 = tpu.vector_load %arg7[%get3A_105, %get3A_106] {strides = array<i32>} : memref<112x224xf32, #tpu.memory_space<vmem>>, vector<16xf32>,
        %bitcast3A_108 = vector.bitcast %get3A_107 : vector<16xf32> to vector<16xi32>
        %add3A_109 = arith.constant 32767 : i32
        %add3A_110 = vector.broadcast %add3A_109 : i32 to vector<16xi32>
        %add3A_111 = arith.addi %bitcast3A_108, %add3A_110 : vector<16xi32>
        %shift_right_arithmetic3A_112 = arith.constant 16 : i32
        %shift_right_arithmetic3A_113 = vector.broadcast %shift_right_arithmetic3A_112 : i32 to vector<16xi32>
        %shift_right_arithmetic3A_114 = arith.shrsi %bitcast3A_108, %shift_right_arithmetic3A_113 : vector<16xi32>
        %and3A_115 = arith.constant 1 : i32
        %and3A_116 = vector.broadcast %and3A_115 : i32 to vector<16xi32>
        %and3A_117 = arith.andi %shift_right_arithmetic3A_114, %and3A_116 : vector<16xi32>
        %add3A_118 = arith.addi %add3A_111, %and3A_117 : vector<16xi32>
        %and3A_119 = arith.constant -65536 : i32
        %and3A_120 = vector.broadcast %and3A_119 : i32 to vector<16xi32>
        %and3A_121 = arith.andi %add3A_118, %and3A_120 : vector<16xi32>
        %bitcast3A_122 = vector.bitcast %and3A_121 : vector<16xi32> to vector<16xf32>
        %add3A_123 = arith.addf %bitcast3A_104, %bitcast3A_122 : vector<16xf32>
        %swap3A = arith.index_cast %add3A_78 : i32 to index
        %swap3A_124 = arith.index_cast %mul3A_90 : i32 to index
        %swap3A_125 = tpu.vector_load %arg6[%swap3A, %swap3A_124] {strides = array<i32>} : memref<224x224xf32, #tpu.memory_space<vmem>>, vector<16xf32>,
        tpu.vector_store %arg6[%swap3A, %swap3A_124], %add3A_123 {strides = array<i32>} : memref<224x224xf32, #tpu.memory_space<vmem>>, vector<16xf32>,
        %scan3A_126 = arith.constant 0 : i32
        %scan3A_127 = arith.constant 1 : i32
        %scan3A_128 = arith.addi %scan3A_87, %scan3A_127 : i32
        %mul3A_129 = arith.constant 16 : i32
        %mul3A_130 = arith.muli %scan3A_128, %mul3A_129 : i32
        %get3A_131 = arith.index_cast %add3A_78 : i32 to index
        %get3A_132 = arith.index_cast %mul3A_130 : i32 to index
        %get3A_133 = tpu.vector_load %arg6[%get3A_131, %get3A_132] {strides = array<i32>} : memref<224x224xf32, #tpu.memory_space<vmem>>, vector<16xf32>,
        %bitcast3A_134 = vector.bitcast %get3A_133 : vector<16xf32> to vector<16xi32>
        %add3A_135 = arith.constant 32767 : i32
        %add3A_136 = vector.broadcast %add3A_135 : i32 to vector<16xi32>
        %add3A_137 = arith.addi %bitcast3A_134, %add3A_136 : vector<16xi32>
        %shift_right_arithmetic3A_138 = arith.constant 16 : i32
        %shift_right_arithmetic3A_139 = vector.broadcast %shift_right_arithmetic3A_138 : i32 to vector<16xi32>
        %shift_right_arithmetic3A_140 = arith.shrsi %bitcast3A_134, %shift_right_arithmetic3A_139 : vector<16xi32>
        %and3A_141 = arith.constant 1 : i32
        %and3A_142 = vector.broadcast %and3A_141 : i32 to vector<16xi32>
        %and3A_143 = arith.andi %shift_right_arithmetic3A_140, %and3A_142 : vector<16xi32>
        %add3A_144 = arith.addi %add3A_137, %and3A_143 : vector<16xi32>
        %and3A_145 = arith.constant -65536 : i32
        %and3A_146 = vector.broadcast %and3A_145 : i32 to vector<16xi32>
        %and3A_147 = arith.andi %add3A_144, %and3A_146 : vector<16xi32>
        %bitcast3A_148 = vector.bitcast %and3A_147 : vector<16xi32> to vector<16xf32>
        %get3A_149 = arith.index_cast %scan3A_75 : i32 to index
        %get3A_150 = arith.index_cast %mul3A_130 : i32 to index
        %get3A_151 = tpu.vector_load %arg7[%get3A_149, %get3A_150] {strides = array<i32>} : memref<112x224xf32, #tpu.memory_space<vmem>>, vector<16xf32>,
        %bitcast3A_152 = vector.bitcast %get3A_151 : vector<16xf32> to vector<16xi32>
        %add3A_153 = arith.constant 32767 : i32
        %add3A_154 = vector.broadcast %add3A_153 : i32 to vector<16xi32>
        %add3A_155 = arith.addi %bitcast3A_152, %add3A_154 : vector<16xi32>
        %shift_right_arithmetic3A_156 = arith.constant 16 : i32
        %shift_right_arithmetic3A_157 = vector.broadcast %shift_right_arithmetic3A_156 : i32 to vector<16xi32>
        %shift_right_arithmetic3A_158 = arith.shrsi %bitcast3A_152, %shift_right_arithmetic3A_157 : vector<16xi32>
        %and3A_159 = arith.constant 1 : i32
        %and3A_160 = vector.broadcast %and3A_159 : i32 to vector<16xi32>
        %and3A_161 = arith.andi %shift_right_arithmetic3A_158, %and3A_160 : vector<16xi32>
        %add3A_162 = arith.addi %add3A_155, %and3A_161 : vector<16xi32>
        %and3A_163 = arith.constant -65536 : i32
        %and3A_164 = vector.broadcast %and3A_163 : i32 to vector<16xi32>
        %and3A_165 = arith.andi %add3A_162, %and3A_164 : vector<16xi32>
        %bitcast3A_166 = vector.bitcast %and3A_165 : vector<16xi32> to vector<16xf32>
        %add3A_167 = arith.addf %bitcast3A_148, %bitcast3A_166 : vector<16xf32>
        %swap3A_168 = arith.index_cast %add3A_78 : i32 to index
        %swap3A_169 = arith.index_cast %mul3A_130 : i32 to index
        %swap3A_170 = tpu.vector_load %arg6[%swap3A_168, %swap3A_169] {strides = array<i32>} : memref<224x224xf32, #tpu.memory_space<vmem>>, vector<16xf32>,
        tpu.vector_store %arg6[%swap3A_168, %swap3A_169], %add3A_167 {strides = array<i32>} : memref<224x224xf32, #tpu.memory_space<vmem>>, vector<16xf32>,
        %scan3A_171 = arith.constant 0 : i32
        scf.yield %scan3A_171 : i32
      }
      %scan3A_85 = arith.constant 14 : i32
      %scan3A_86 = arith.constant 0 : i32
      scf.yield %scan3A_86 : i32
    }
    %scan3A_10 = arith.constant 112 : i32
    %run_scoped3A_11 = arith.constant 1 : i32
    "tpu.region"() ({
      %run_scoped3A_75 = tpu.sem_alloc : memref<!tpu.dma_semaphore, #tpu.memory_space<semaphore_mem>>
      %dma_start3A = arith.constant 112 : i32
      %dma_start3A_76 = arith.constant 0 : i32
      %dma_start3A_77 = tpu.memref_slice %arg2[%add3A_3, %run_scoped3A_11, %dma_start3A, %dma_start3A_76] : memref<64x3x224x224xf32, #tpu.memory_space<hbm>> -> memref<1x1x112x224xf32, #tpu.memory_space<hbm>>
      %dma_start3A_78 = tpu.memref_squeeze %dma_start3A_77 : memref<1x1x112x224xf32, #tpu.memory_space<hbm>> -> memref<112x224xf32, #tpu.memory_space<hbm>>
      %dma_start3A_79 = arith.constant 112 : i32
      %dma_start3A_80 = arith.constant 0 : i32
      %dma_start3A_81 = tpu.memref_slice %arg2[%add3A_3, %run_scoped3A_11, %dma_start3A_79, %dma_start3A_80] : memref<64x3x224x224xf32, #tpu.memory_space<hbm>> -> memref<1x1x112x224xf32, #tpu.memory_space<hbm>>
      %dma_start3A_82 = tpu.memref_squeeze %dma_start3A_81 : memref<1x1x112x224xf32, #tpu.memory_space<hbm>> -> memref<112x224xf32, #tpu.memory_space<hbm>>
      tpu.enqueue_dma source(%dma_start3A_82 : memref<112x224xf32, #tpu.memory_space<hbm>>) target(%arg7 : memref<112x224xf32, #tpu.memory_space<vmem>>) target_semaphore(%run_scoped3A_75 : memref<!tpu.dma_semaphore, #tpu.memory_space<semaphore_mem>>)
      %dma_wait3A = arith.constant 112 : i32
      %dma_wait3A_83 = arith.constant 0 : i32
      %dma_wait3A_84 = tpu.memref_slice %arg2[%add3A_3, %run_scoped3A_11, %dma_wait3A, %dma_wait3A_83] : memref<64x3x224x224xf32, #tpu.memory_space<hbm>> -> memref<1x1x112x224xf32, #tpu.memory_space<hbm>>
      %dma_wait3A_85 = tpu.memref_squeeze %dma_wait3A_84 : memref<1x1x112x224xf32, #tpu.memory_space<hbm>> -> memref<112x224xf32, #tpu.memory_space<hbm>>
      %dma_wait3A_86 = arith.constant 112 : i32
      %dma_wait3A_87 = arith.constant 0 : i32
      %dma_wait3A_88 = tpu.memref_slice %arg2[%add3A_3, %run_scoped3A_11, %dma_wait3A_86, %dma_wait3A_87] : memref<64x3x224x224xf32, #tpu.memory_space<hbm>> -> memref<1x1x112x224xf32, #tpu.memory_space<hbm>>
      %dma_wait3A_89 = tpu.memref_squeeze %dma_wait3A_88 : memref<1x1x112x224xf32, #tpu.memory_space<hbm>> -> memref<112x224xf32, #tpu.memory_space<hbm>>
      tpu.wait_dma2 semaphore(%run_scoped3A_75 : memref<!tpu.dma_semaphore, #tpu.memory_space<semaphore_mem>>) src(%dma_wait3A_89 : memref<112x224xf32, #tpu.memory_space<hbm>>) dst(%arg7 : memref<112x224xf32, #tpu.memory_space<vmem>>)
      tpu.yield
    }) : () -> ()
    %scan3A_12 = arith.constant 0 : i32
    %scan3A_13 = arith.constant 0 : i32
    %scan3A_14 = arith.constant 112 : i32
    %scan3A_15 = arith.addi %scan3A_13, %scan3A_14 : i32
    %scan3A_16 = arith.constant 1 : i32
    %scan3A_17 = scf.for %scan3A_75 = %scan3A_13 to %scan3A_15 step %scan3A_16 iter_args(%scan3A_76 = %scan3A_12) -> (i32)  : i32 {
      %add3A_77 = arith.constant 112 : i32
      %add3A_78 = arith.addi %add3A_77, %scan3A_75 : i32
      %scan3A_79 = arith.constant 0 : i32
      %scan3A_80 = arith.constant 0 : i32
      %scan3A_81 = arith.constant 14 : i32
      %scan3A_82 = arith.addi %scan3A_80, %scan3A_81 : i32
      %scan3A_83 = arith.constant 2 : i32
      %scan3A_84 = scf.for %scan3A_87 = %scan3A_80 to %scan3A_82 step %scan3A_83 iter_args(%scan3A_88 = %scan3A_79) -> (i32)  : i32 {
        %mul3A_89 = arith.constant 16 : i32
        %mul3A_90 = arith.muli %scan3A_87, %mul3A_89 : i32
        %get3A = arith.index_cast %add3A_78 : i32 to index
        %get3A_91 = arith.index_cast %mul3A_90 : i32 to index
        %get3A_92 = tpu.vector_load %arg6[%get3A, %get3A_91] {strides = array<i32>} : memref<224x224xf32, #tpu.memory_space<vmem>>, vector<16xf32>,
        %bitcast3A = vector.bitcast %get3A_92 : vector<16xf32> to vector<16xi32>
        %add3A_93 = arith.constant 32767 : i32
        %add3A_94 = vector.broadcast %add3A_93 : i32 to vector<16xi32>
        %add3A_95 = arith.addi %bitcast3A, %add3A_94 : vector<16xi32>
        %shift_right_arithmetic3A = arith.constant 16 : i32
        %shift_right_arithmetic3A_96 = vector.broadcast %shift_right_arithmetic3A : i32 to vector<16xi32>
        %shift_right_arithmetic3A_97 = arith.shrsi %bitcast3A, %shift_right_arithmetic3A_96 : vector<16xi32>
        %and3A = arith.constant 1 : i32
        %and3A_98 = vector.broadcast %and3A : i32 to vector<16xi32>
        %and3A_99 = arith.andi %shift_right_arithmetic3A_97, %and3A_98 : vector<16xi32>
        %add3A_100 = arith.addi %add3A_95, %and3A_99 : vector<16xi32>
        %and3A_101 = arith.constant -65536 : i32
        %and3A_102 = vector.broadcast %and3A_101 : i32 to vector<16xi32>
        %and3A_103 = arith.andi %add3A_100, %and3A_102 : vector<16xi32>
        %bitcast3A_104 = vector.bitcast %and3A_103 : vector<16xi32> to vector<16xf32>
        %get3A_105 = arith.index_cast %scan3A_75 : i32 to index
        %get3A_106 = arith.index_cast %mul3A_90 : i32 to index
        %get3A_107 = tpu.vector_load %arg7[%get3A_105, %get3A_106] {strides = array<i32>} : memref<112x224xf32, #tpu.memory_space<vmem>>, vector<16xf32>,
        %bitcast3A_108 = vector.bitcast %get3A_107 : vector<16xf32> to vector<16xi32>
        %add3A_109 = arith.constant 32767 : i32
        %add3A_110 = vector.broadcast %add3A_109 : i32 to vector<16xi32>
        %add3A_111 = arith.addi %bitcast3A_108, %add3A_110 : vector<16xi32>
        %shift_right_arithmetic3A_112 = arith.constant 16 : i32
        %shift_right_arithmetic3A_113 = vector.broadcast %shift_right_arithmetic3A_112 : i32 to vector<16xi32>
        %shift_right_arithmetic3A_114 = arith.shrsi %bitcast3A_108, %shift_right_arithmetic3A_113 : vector<16xi32>
        %and3A_115 = arith.constant 1 : i32
        %and3A_116 = vector.broadcast %and3A_115 : i32 to vector<16xi32>
        %and3A_117 = arith.andi %shift_right_arithmetic3A_114, %and3A_116 : vector<16xi32>
        %add3A_118 = arith.addi %add3A_111, %and3A_117 : vector<16xi32>
        %and3A_119 = arith.constant -65536 : i32
        %and3A_120 = vector.broadcast %and3A_119 : i32 to vector<16xi32>
        %and3A_121 = arith.andi %add3A_118, %and3A_120 : vector<16xi32>
        %bitcast3A_122 = vector.bitcast %and3A_121 : vector<16xi32> to vector<16xf32>
        %add3A_123 = arith.addf %bitcast3A_104, %bitcast3A_122 : vector<16xf32>
        %swap3A = arith.index_cast %add3A_78 : i32 to index
        %swap3A_124 = arith.index_cast %mul3A_90 : i32 to index
        %swap3A_125 = tpu.vector_load %arg6[%swap3A, %swap3A_124] {strides = array<i32>} : memref<224x224xf32, #tpu.memory_space<vmem>>, vector<16xf32>,
        tpu.vector_store %arg6[%swap3A, %swap3A_124], %add3A_123 {strides = array<i32>} : memref<224x224xf32, #tpu.memory_space<vmem>>, vector<16xf32>,
        %scan3A_126 = arith.constant 0 : i32
        %scan3A_127 = arith.constant 1 : i32
        %scan3A_128 = arith.addi %scan3A_87, %scan3A_127 : i32
        %mul3A_129 = arith.constant 16 : i32
        %mul3A_130 = arith.muli %scan3A_128, %mul3A_129 : i32
        %get3A_131 = arith.index_cast %add3A_78 : i32 to index
        %get3A_132 = arith.index_cast %mul3A_130 : i32 to index
        %get3A_133 = tpu.vector_load %arg6[%get3A_131, %get3A_132] {strides = array<i32>} : memref<224x224xf32, #tpu.memory_space<vmem>>, vector<16xf32>,
        %bitcast3A_134 = vector.bitcast %get3A_133 : vector<16xf32> to vector<16xi32>
        %add3A_135 = arith.constant 32767 : i32
        %add3A_136 = vector.broadcast %add3A_135 : i32 to vector<16xi32>
        %add3A_137 = arith.addi %bitcast3A_134, %add3A_136 : vector<16xi32>
        %shift_right_arithmetic3A_138 = arith.constant 16 : i32
        %shift_right_arithmetic3A_139 = vector.broadcast %shift_right_arithmetic3A_138 : i32 to vector<16xi32>
        %shift_right_arithmetic3A_140 = arith.shrsi %bitcast3A_134, %shift_right_arithmetic3A_139 : vector<16xi32>
        %and3A_141 = arith.constant 1 : i32
        %and3A_142 = vector.broadcast %and3A_141 : i32 to vector<16xi32>
        %and3A_143 = arith.andi %shift_right_arithmetic3A_140, %and3A_142 : vector<16xi32>
        %add3A_144 = arith.addi %add3A_137, %and3A_143 : vector<16xi32>
        %and3A_145 = arith.constant -65536 : i32
        %and3A_146 = vector.broadcast %and3A_145 : i32 to vector<16xi32>
        %and3A_147 = arith.andi %add3A_144, %and3A_146 : vector<16xi32>
        %bitcast3A_148 = vector.bitcast %and3A_147 : vector<16xi32> to vector<16xf32>
        %get3A_149 = arith.index_cast %scan3A_75 : i32 to index
        %get3A_150 = arith.index_cast %mul3A_130 : i32 to index
        %get3A_151 = tpu.vector_load %arg7[%get3A_149, %get3A_150] {strides = array<i32>} : memref<112x224xf32, #tpu.memory_space<vmem>>, vector<16xf32>,
        %bitcast3A_152 = vector.bitcast %get3A_151 : vector<16xf32> to vector<16xi32>
        %add3A_153 = arith.constant 32767 : i32
        %add3A_154 = vector.broadcast %add3A_153 : i32 to vector<16xi32>
        %add3A_155 = arith.addi %bitcast3A_152, %add3A_154 : vector<16xi32>
        %shift_right_arithmetic3A_156 = arith.constant 16 : i32
        %shift_right_arithmetic3A_157 = vector.broadcast %shift_right_arithmetic3A_156 : i32 to vector<16xi32>
        %shift_right_arithmetic3A_158 = arith.shrsi %bitcast3A_152, %shift_right_arithmetic3A_157 : vector<16xi32>
        %and3A_159 = arith.constant 1 : i32
        %and3A_160 = vector.broadcast %and3A_159 : i32 to vector<16xi32>
        %and3A_161 = arith.andi %shift_right_arithmetic3A_158, %and3A_160 : vector<16xi32>
        %add3A_162 = arith.addi %add3A_155, %and3A_161 : vector<16xi32>
        %and3A_163 = arith.constant -65536 : i32
        %and3A_164 = vector.broadcast %and3A_163 : i32 to vector<16xi32>
        %and3A_165 = arith.andi %add3A_162, %and3A_164 : vector<16xi32>
        %bitcast3A_166 = vector.bitcast %and3A_165 : vector<16xi32> to vector<16xf32>
        %add3A_167 = arith.addf %bitcast3A_148, %bitcast3A_166 : vector<16xf32>
        %swap3A_168 = arith.index_cast %add3A_78 : i32 to index
        %swap3A_169 = arith.index_cast %mul3A_130 : i32 to index
        %swap3A_170 = tpu.vector_load %arg6[%swap3A_168, %swap3A_169] {strides = array<i32>} : memref<224x224xf32, #tpu.memory_space<vmem>>, vector<16xf32>,
        tpu.vector_store %arg6[%swap3A_168, %swap3A_169], %add3A_167 {strides = array<i32>} : memref<224x224xf32, #tpu.memory_space<vmem>>, vector<16xf32>,
        %scan3A_171 = arith.constant 0 : i32
        scf.yield %scan3A_171 : i32
      }
      %scan3A_85 = arith.constant 14 : i32
      %scan3A_86 = arith.constant 0 : i32
      scf.yield %scan3A_86 : i32
    }
    %scan3A_18 = arith.constant 112 : i32
    %run_scoped3A_19 = arith.constant 2 : i32
    "tpu.region"() ({
      %run_scoped3A_75 = tpu.sem_alloc : memref<!tpu.dma_semaphore, #tpu.memory_space<semaphore_mem>>
      %dma_start3A = arith.constant 0 : i32
      %dma_start3A_76 = arith.constant 0 : i32
      %dma_start3A_77 = tpu.memref_slice %arg2[%add3A_3, %run_scoped3A_19, %dma_start3A, %dma_start3A_76] : memref<64x3x224x224xf32, #tpu.memory_space<hbm>> -> memref<1x1x112x224xf32, #tpu.memory_space<hbm>>
      %dma_start3A_78 = tpu.memref_squeeze %dma_start3A_77 : memref<1x1x112x224xf32, #tpu.memory_space<hbm>> -> memref<112x224xf32, #tpu.memory_space<hbm>>
      %dma_start3A_79 = arith.constant 0 : i32
      %dma_start3A_80 = arith.constant 0 : i32
      %dma_start3A_81 = tpu.memref_slice %arg2[%add3A_3, %run_scoped3A_19, %dma_start3A_79, %dma_start3A_80] : memref<64x3x224x224xf32, #tpu.memory_space<hbm>> -> memref<1x1x112x224xf32, #tpu.memory_space<hbm>>
      %dma_start3A_82 = tpu.memref_squeeze %dma_start3A_81 : memref<1x1x112x224xf32, #tpu.memory_space<hbm>> -> memref<112x224xf32, #tpu.memory_space<hbm>>
      tpu.enqueue_dma source(%dma_start3A_82 : memref<112x224xf32, #tpu.memory_space<hbm>>) target(%arg7 : memref<112x224xf32, #tpu.memory_space<vmem>>) target_semaphore(%run_scoped3A_75 : memref<!tpu.dma_semaphore, #tpu.memory_space<semaphore_mem>>)
      %dma_wait3A = arith.constant 0 : i32
      %dma_wait3A_83 = arith.constant 0 : i32
      %dma_wait3A_84 = tpu.memref_slice %arg2[%add3A_3, %run_scoped3A_19, %dma_wait3A, %dma_wait3A_83] : memref<64x3x224x224xf32, #tpu.memory_space<hbm>> -> memref<1x1x112x224xf32, #tpu.memory_space<hbm>>
      %dma_wait3A_85 = tpu.memref_squeeze %dma_wait3A_84 : memref<1x1x112x224xf32, #tpu.memory_space<hbm>> -> memref<112x224xf32, #tpu.memory_space<hbm>>
      %dma_wait3A_86 = arith.constant 0 : i32
      %dma_wait3A_87 = arith.constant 0 : i32
      %dma_wait3A_88 = tpu.memref_slice %arg2[%add3A_3, %run_scoped3A_19, %dma_wait3A_86, %dma_wait3A_87] : memref<64x3x224x224xf32, #tpu.memory_space<hbm>> -> memref<1x1x112x224xf32, #tpu.memory_space<hbm>>
      %dma_wait3A_89 = tpu.memref_squeeze %dma_wait3A_88 : memref<1x1x112x224xf32, #tpu.memory_space<hbm>> -> memref<112x224xf32, #tpu.memory_space<hbm>>
      tpu.wait_dma2 semaphore(%run_scoped3A_75 : memref<!tpu.dma_semaphore, #tpu.memory_space<semaphore_mem>>) src(%dma_wait3A_89 : memref<112x224xf32, #tpu.memory_space<hbm>>) dst(%arg7 : memref<112x224xf32, #tpu.memory_space<vmem>>)
      tpu.yield
    }) : () -> ()
    %scan3A_20 = arith.constant 0 : i32
    %scan3A_21 = arith.constant 0 : i32
    %scan3A_22 = arith.constant 112 : i32
    %scan3A_23 = arith.addi %scan3A_21, %scan3A_22 : i32
    %scan3A_24 = arith.constant 1 : i32
    %scan3A_25 = scf.for %scan3A_75 = %scan3A_21 to %scan3A_23 step %scan3A_24 iter_args(%scan3A_76 = %scan3A_20) -> (i32)  : i32 {
      %add3A_77 = arith.constant 0 : i32
      %add3A_78 = arith.addi %add3A_77, %scan3A_75 : i32
      %scan3A_79 = arith.constant 0 : i32
      %scan3A_80 = arith.constant 0 : i32
      %scan3A_81 = arith.constant 14 : i32
      %scan3A_82 = arith.addi %scan3A_80, %scan3A_81 : i32
      %scan3A_83 = arith.constant 2 : i32
      %scan3A_84 = scf.for %scan3A_87 = %scan3A_80 to %scan3A_82 step %scan3A_83 iter_args(%scan3A_88 = %scan3A_79) -> (i32)  : i32 {
        %mul3A_89 = arith.constant 16 : i32
        %mul3A_90 = arith.muli %scan3A_87, %mul3A_89 : i32
        %get3A = arith.index_cast %add3A_78 : i32 to index
        %get3A_91 = arith.index_cast %mul3A_90 : i32 to index
        %get3A_92 = tpu.vector_load %arg6[%get3A, %get3A_91] {strides = array<i32>} : memref<224x224xf32, #tpu.memory_space<vmem>>, vector<16xf32>,
        %get3A_93 = arith.index_cast %scan3A_75 : i32 to index
        %get3A_94 = arith.index_cast %mul3A_90 : i32 to index
        %get3A_95 = tpu.vector_load %arg7[%get3A_93, %get3A_94] {strides = array<i32>} : memref<112x224xf32, #tpu.memory_space<vmem>>, vector<16xf32>,
        %bitcast3A = vector.bitcast %get3A_95 : vector<16xf32> to vector<16xi32>
        %add3A_96 = arith.constant 32767 : i32
        %add3A_97 = vector.broadcast %add3A_96 : i32 to vector<16xi32>
        %add3A_98 = arith.addi %bitcast3A, %add3A_97 : vector<16xi32>
        %shift_right_arithmetic3A = arith.constant 16 : i32
        %shift_right_arithmetic3A_99 = vector.broadcast %shift_right_arithmetic3A : i32 to vector<16xi32>
        %shift_right_arithmetic3A_100 = arith.shrsi %bitcast3A, %shift_right_arithmetic3A_99 : vector<16xi32>
        %and3A = arith.constant 1 : i32
        %and3A_101 = vector.broadcast %and3A : i32 to vector<16xi32>
        %and3A_102 = arith.andi %shift_right_arithmetic3A_100, %and3A_101 : vector<16xi32>
        %add3A_103 = arith.addi %add3A_98, %and3A_102 : vector<16xi32>
        %and3A_104 = arith.constant -65536 : i32
        %and3A_105 = vector.broadcast %and3A_104 : i32 to vector<16xi32>
        %and3A_106 = arith.andi %add3A_103, %and3A_105 : vector<16xi32>
        %bitcast3A_107 = vector.bitcast %and3A_106 : vector<16xi32> to vector<16xf32>
        %add3A_108 = arith.addf %get3A_92, %bitcast3A_107 : vector<16xf32>
        %swap3A = arith.index_cast %add3A_78 : i32 to index
        %swap3A_109 = arith.index_cast %mul3A_90 : i32 to index
        %swap3A_110 = tpu.vector_load %arg6[%swap3A, %swap3A_109] {strides = array<i32>} : memref<224x224xf32, #tpu.memory_space<vmem>>, vector<16xf32>,
        tpu.vector_store %arg6[%swap3A, %swap3A_109], %add3A_108 {strides = array<i32>} : memref<224x224xf32, #tpu.memory_space<vmem>>, vector<16xf32>,
        %scan3A_111 = arith.constant 0 : i32
        %scan3A_112 = arith.constant 1 : i32
        %scan3A_113 = arith.addi %scan3A_87, %scan3A_112 : i32
        %mul3A_114 = arith.constant 16 : i32
        %mul3A_115 = arith.muli %scan3A_113, %mul3A_114 : i32
        %get3A_116 = arith.index_cast %add3A_78 : i32 to index
        %get3A_117 = arith.index_cast %mul3A_115 : i32 to index
        %get3A_118 = tpu.vector_load %arg6[%get3A_116, %get3A_117] {strides = array<i32>} : memref<224x224xf32, #tpu.memory_space<vmem>>, vector<16xf32>,
        %get3A_119 = arith.index_cast %scan3A_75 : i32 to index
        %get3A_120 = arith.index_cast %mul3A_115 : i32 to index
        %get3A_121 = tpu.vector_load %arg7[%get3A_119, %get3A_120] {strides = array<i32>} : memref<112x224xf32, #tpu.memory_space<vmem>>, vector<16xf32>,
        %bitcast3A_122 = vector.bitcast %get3A_121 : vector<16xf32> to vector<16xi32>
        %add3A_123 = arith.constant 32767 : i32
        %add3A_124 = vector.broadcast %add3A_123 : i32 to vector<16xi32>
        %add3A_125 = arith.addi %bitcast3A_122, %add3A_124 : vector<16xi32>
        %shift_right_arithmetic3A_126 = arith.constant 16 : i32
        %shift_right_arithmetic3A_127 = vector.broadcast %shift_right_arithmetic3A_126 : i32 to vector<16xi32>
        %shift_right_arithmetic3A_128 = arith.shrsi %bitcast3A_122, %shift_right_arithmetic3A_127 : vector<16xi32>
        %and3A_129 = arith.constant 1 : i32
        %and3A_130 = vector.broadcast %and3A_129 : i32 to vector<16xi32>
        %and3A_131 = arith.andi %shift_right_arithmetic3A_128, %and3A_130 : vector<16xi32>
        %add3A_132 = arith.addi %add3A_125, %and3A_131 : vector<16xi32>
        %and3A_133 = arith.constant -65536 : i32
        %and3A_134 = vector.broadcast %and3A_133 : i32 to vector<16xi32>
        %and3A_135 = arith.andi %add3A_132, %and3A_134 : vector<16xi32>
        %bitcast3A_136 = vector.bitcast %and3A_135 : vector<16xi32> to vector<16xf32>
        %add3A_137 = arith.addf %get3A_118, %bitcast3A_136 : vector<16xf32>
        %swap3A_138 = arith.index_cast %add3A_78 : i32 to index
        %swap3A_139 = arith.index_cast %mul3A_115 : i32 to index
        %swap3A_140 = tpu.vector_load %arg6[%swap3A_138, %swap3A_139] {strides = array<i32>} : memref<224x224xf32, #tpu.memory_space<vmem>>, vector<16xf32>,
        tpu.vector_store %arg6[%swap3A_138, %swap3A_139], %add3A_137 {strides = array<i32>} : memref<224x224xf32, #tpu.memory_space<vmem>>, vector<16xf32>,
        %scan3A_141 = arith.constant 0 : i32
        scf.yield %scan3A_141 : i32
      }
      %scan3A_85 = arith.constant 14 : i32
      %scan3A_86 = arith.constant 0 : i32
      scf.yield %scan3A_86 : i32
    }
    %scan3A_26 = arith.constant 112 : i32
    %run_scoped3A_27 = arith.constant 2 : i32
    "tpu.region"() ({
      %run_scoped3A_75 = tpu.sem_alloc : memref<!tpu.dma_semaphore, #tpu.memory_space<semaphore_mem>>
      %dma_start3A = arith.constant 112 : i32
      %dma_start3A_76 = arith.constant 0 : i32
      %dma_start3A_77 = tpu.memref_slice %arg2[%add3A_3, %run_scoped3A_27, %dma_start3A, %dma_start3A_76] : memref<64x3x224x224xf32, #tpu.memory_space<hbm>> -> memref<1x1x112x224xf32, #tpu.memory_space<hbm>>
      %dma_start3A_78 = tpu.memref_squeeze %dma_start3A_77 : memref<1x1x112x224xf32, #tpu.memory_space<hbm>> -> memref<112x224xf32, #tpu.memory_space<hbm>>
      %dma_start3A_79 = arith.constant 112 : i32
      %dma_start3A_80 = arith.constant 0 : i32
      %dma_start3A_81 = tpu.memref_slice %arg2[%add3A_3, %run_scoped3A_27, %dma_start3A_79, %dma_start3A_80] : memref<64x3x224x224xf32, #tpu.memory_space<hbm>> -> memref<1x1x112x224xf32, #tpu.memory_space<hbm>>
      %dma_start3A_82 = tpu.memref_squeeze %dma_start3A_81 : memref<1x1x112x224xf32, #tpu.memory_space<hbm>> -> memref<112x224xf32, #tpu.memory_space<hbm>>
      tpu.enqueue_dma source(%dma_start3A_82 : memref<112x224xf32, #tpu.memory_space<hbm>>) target(%arg7 : memref<112x224xf32, #tpu.memory_space<vmem>>) target_semaphore(%run_scoped3A_75 : memref<!tpu.dma_semaphore, #tpu.memory_space<semaphore_mem>>)
      %dma_wait3A = arith.constant 112 : i32
      %dma_wait3A_83 = arith.constant 0 : i32
      %dma_wait3A_84 = tpu.memref_slice %arg2[%add3A_3, %run_scoped3A_27, %dma_wait3A, %dma_wait3A_83] : memref<64x3x224x224xf32, #tpu.memory_space<hbm>> -> memref<1x1x112x224xf32, #tpu.memory_space<hbm>>
      %dma_wait3A_85 = tpu.memref_squeeze %dma_wait3A_84 : memref<1x1x112x224xf32, #tpu.memory_space<hbm>> -> memref<112x224xf32, #tpu.memory_space<hbm>>
      %dma_wait3A_86 = arith.constant 112 : i32
      %dma_wait3A_87 = arith.constant 0 : i32
      %dma_wait3A_88 = tpu.memref_slice %arg2[%add3A_3, %run_scoped3A_27, %dma_wait3A_86, %dma_wait3A_87] : memref<64x3x224x224xf32, #tpu.memory_space<hbm>> -> memref<1x1x112x224xf32, #tpu.memory_space<hbm>>
      %dma_wait3A_89 = tpu.memref_squeeze %dma_wait3A_88 : memref<1x1x112x224xf32, #tpu.memory_space<hbm>> -> memref<112x224xf32, #tpu.memory_space<hbm>>
      tpu.wait_dma2 semaphore(%run_scoped3A_75 : memref<!tpu.dma_semaphore, #tpu.memory_space<semaphore_mem>>) src(%dma_wait3A_89 : memref<112x224xf32, #tpu.memory_space<hbm>>) dst(%arg7 : memref<112x224xf32, #tpu.memory_space<vmem>>)
      tpu.yield
    }) : () -> ()
    %scan3A_28 = arith.constant 0 : i32
    %scan3A_29 = arith.constant 0 : i32
    %scan3A_30 = arith.constant 112 : i32
    %scan3A_31 = arith.addi %scan3A_29, %scan3A_30 : i32
    %scan3A_32 = arith.constant 1 : i32
    %scan3A_33 = scf.for %scan3A_75 = %scan3A_29 to %scan3A_31 step %scan3A_32 iter_args(%scan3A_76 = %scan3A_28) -> (i32)  : i32 {
      %add3A_77 = arith.constant 112 : i32
      %add3A_78 = arith.addi %add3A_77, %scan3A_75 : i32
      %scan3A_79 = arith.constant 0 : i32
      %scan3A_80 = arith.constant 0 : i32
      %scan3A_81 = arith.constant 14 : i32
      %scan3A_82 = arith.addi %scan3A_80, %scan3A_81 : i32
      %scan3A_83 = arith.constant 2 : i32
      %scan3A_84 = scf.for %scan3A_87 = %scan3A_80 to %scan3A_82 step %scan3A_83 iter_args(%scan3A_88 = %scan3A_79) -> (i32)  : i32 {
        %mul3A_89 = arith.constant 16 : i32
        %mul3A_90 = arith.muli %scan3A_87, %mul3A_89 : i32
        %get3A = arith.index_cast %add3A_78 : i32 to index
        %get3A_91 = arith.index_cast %mul3A_90 : i32 to index
        %get3A_92 = tpu.vector_load %arg6[%get3A, %get3A_91] {strides = array<i32>} : memref<224x224xf32, #tpu.memory_space<vmem>>, vector<16xf32>,
        %get3A_93 = arith.index_cast %scan3A_75 : i32 to index
        %get3A_94 = arith.index_cast %mul3A_90 : i32 to index
        %get3A_95 = tpu.vector_load %arg7[%get3A_93, %get3A_94] {strides = array<i32>} : memref<112x224xf32, #tpu.memory_space<vmem>>, vector<16xf32>,
        %bitcast3A = vector.bitcast %get3A_95 : vector<16xf32> to vector<16xi32>
        %add3A_96 = arith.constant 32767 : i32
        %add3A_97 = vector.broadcast %add3A_96 : i32 to vector<16xi32>
        %add3A_98 = arith.addi %bitcast3A, %add3A_97 : vector<16xi32>
        %shift_right_arithmetic3A = arith.constant 16 : i32
        %shift_right_arithmetic3A_99 = vector.broadcast %shift_right_arithmetic3A : i32 to vector<16xi32>
        %shift_right_arithmetic3A_100 = arith.shrsi %bitcast3A, %shift_right_arithmetic3A_99 : vector<16xi32>
        %and3A = arith.constant 1 : i32
        %and3A_101 = vector.broadcast %and3A : i32 to vector<16xi32>
        %and3A_102 = arith.andi %shift_right_arithmetic3A_100, %and3A_101 : vector<16xi32>
        %add3A_103 = arith.addi %add3A_98, %and3A_102 : vector<16xi32>
        %and3A_104 = arith.constant -65536 : i32
        %and3A_105 = vector.broadcast %and3A_104 : i32 to vector<16xi32>
        %and3A_106 = arith.andi %add3A_103, %and3A_105 : vector<16xi32>
        %bitcast3A_107 = vector.bitcast %and3A_106 : vector<16xi32> to vector<16xf32>
        %add3A_108 = arith.addf %get3A_92, %bitcast3A_107 : vector<16xf32>
        %swap3A = arith.index_cast %add3A_78 : i32 to index
        %swap3A_109 = arith.index_cast %mul3A_90 : i32 to index
        %swap3A_110 = tpu.vector_load %arg6[%swap3A, %swap3A_109] {strides = array<i32>} : memref<224x224xf32, #tpu.memory_space<vmem>>, vector<16xf32>,
        tpu.vector_store %arg6[%swap3A, %swap3A_109], %add3A_108 {strides = array<i32>} : memref<224x224xf32, #tpu.memory_space<vmem>>, vector<16xf32>,
        %scan3A_111 = arith.constant 0 : i32
        %scan3A_112 = arith.constant 1 : i32
        %scan3A_113 = arith.addi %scan3A_87, %scan3A_112 : i32
        %mul3A_114 = arith.constant 16 : i32
        %mul3A_115 = arith.muli %scan3A_113, %mul3A_114 : i32
        %get3A_116 = arith.index_cast %add3A_78 : i32 to index
        %get3A_117 = arith.index_cast %mul3A_115 : i32 to index
        %get3A_118 = tpu.vector_load %arg6[%get3A_116, %get3A_117] {strides = array<i32>} : memref<224x224xf32, #tpu.memory_space<vmem>>, vector<16xf32>,
        %get3A_119 = arith.index_cast %scan3A_75 : i32 to index
        %get3A_120 = arith.index_cast %mul3A_115 : i32 to index
        %get3A_121 = tpu.vector_load %arg7[%get3A_119, %get3A_120] {strides = array<i32>} : memref<112x224xf32, #tpu.memory_space<vmem>>, vector<16xf32>,
        %bitcast3A_122 = vector.bitcast %get3A_121 : vector<16xf32> to vector<16xi32>
        %add3A_123 = arith.constant 32767 : i32
        %add3A_124 = vector.broadcast %add3A_123 : i32 to vector<16xi32>
        %add3A_125 = arith.addi %bitcast3A_122, %add3A_124 : vector<16xi32>
        %shift_right_arithmetic3A_126 = arith.constant 16 : i32
        %shift_right_arithmetic3A_127 = vector.broadcast %shift_right_arithmetic3A_126 : i32 to vector<16xi32>
        %shift_right_arithmetic3A_128 = arith.shrsi %bitcast3A_122, %shift_right_arithmetic3A_127 : vector<16xi32>
        %and3A_129 = arith.constant 1 : i32
        %and3A_130 = vector.broadcast %and3A_129 : i32 to vector<16xi32>
        %and3A_131 = arith.andi %shift_right_arithmetic3A_128, %and3A_130 : vector<16xi32>
        %add3A_132 = arith.addi %add3A_125, %and3A_131 : vector<16xi32>
        %and3A_133 = arith.constant -65536 : i32
        %and3A_134 = vector.broadcast %and3A_133 : i32 to vector<16xi32>
        %and3A_135 = arith.andi %add3A_132, %and3A_134 : vector<16xi32>
        %bitcast3A_136 = vector.bitcast %and3A_135 : vector<16xi32> to vector<16xf32>
        %add3A_137 = arith.addf %get3A_118, %bitcast3A_136 : vector<16xf32>
        %swap3A_138 = arith.index_cast %add3A_78 : i32 to index
        %swap3A_139 = arith.index_cast %mul3A_115 : i32 to index
        %swap3A_140 = tpu.vector_load %arg6[%swap3A_138, %swap3A_139] {strides = array<i32>} : memref<224x224xf32, #tpu.memory_space<vmem>>, vector<16xf32>,
        tpu.vector_store %arg6[%swap3A_138, %swap3A_139], %add3A_137 {strides = array<i32>} : memref<224x224xf32, #tpu.memory_space<vmem>>, vector<16xf32>,
        %scan3A_141 = arith.constant 0 : i32
        scf.yield %scan3A_141 : i32
      }
      %scan3A_85 = arith.constant 14 : i32
      %scan3A_86 = arith.constant 0 : i32
      scf.yield %scan3A_86 : i32
    }
    %scan3A_34 = arith.constant 112 : i32
    %scan3A_35 = arith.constant 0 : i32
    %scan3A_36 = arith.constant 0 : i32
    %scan3A_37 = arith.constant 441 : i32
    %scan3A_38 = arith.addi %scan3A_36, %scan3A_37 : i32
    %scan3A_39 = arith.constant 1 : i32
    %scan3A_40 = scf.for %scan3A_75 = %scan3A_36 to %scan3A_38 step %scan3A_39 iter_args(%scan3A_76 = %scan3A_35) -> (i32)  : i32 {
      %mul3A_77 = arith.constant 16 : i32
      %mul3A_78 = arith.muli %scan3A_75, %mul3A_77 : i32
      %swap3A = arith.index_cast %mul3A_78 : i32 to index
      %swap3A_79 = tpu.vector_load %arg8[%swap3A] {strides = array<i32>} : memref<7056xf32, #tpu.memory_space<vmem>>, vector<16xf32>,
      tpu.vector_store %arg8[%swap3A], %broadcast_in_dim3A_1 {strides = array<i32>} : memref<7056xf32, #tpu.memory_space<vmem>>, vector<16xf32>,
      %scan3A_80 = arith.constant 0 : i32
      scf.yield %scan3A_80 : i32
    }
    %scan3A_41 = arith.constant 441 : i32
    %eq3A = arith.constant 0 : i32
    %eq3A_42 = vector.broadcast %eq3A : i32 to vector<16xi32>
    %eq3A_43 = arith.cmpi eq, %iota3A, %eq3A_42 : vector<16xi32>
    %jit3A = arith.constant 2 : i32
    %jit3A_44 = arith.constant 223 : i32
    %broadcast_in_dim3A_45 = vector.broadcast %jit3A : i32 to vector<16xi32>
    %broadcast_in_dim3A_46 = vector.broadcast %jit3A_44 : i32 to vector<16xi32>
    %select_n3A = arith.select %eq3A_43, %broadcast_in_dim3A_45, %broadcast_in_dim3A_46 : vector<16xi1>, vector<16xi32>
    %eq3A_47 = arith.constant 0 : i32
    %eq3A_48 = vector.broadcast %eq3A_47 : i32 to vector<16xi32>
    %eq3A_49 = arith.cmpi eq, %iota3A, %eq3A_48 : vector<16xi32>
    %jit3A_50 = arith.constant 0 : i32
    %jit3A_51 = arith.constant 225 : i32
    %broadcast_in_dim3A_52 = vector.broadcast %jit3A_50 : i32 to vector<16xi32>
    %broadcast_in_dim3A_53 = vector.broadcast %jit3A_51 : i32 to vector<16xi32>
    %select_n3A_54 = arith.select %eq3A_49, %broadcast_in_dim3A_52, %broadcast_in_dim3A_53 : vector<16xi1>, vector<16xi32>
    %lt3A = arith.constant 2 : i32
    %lt3A_55 = vector.broadcast %lt3A : i32 to vector<16xi32>
    %lt3A_56 = arith.cmpi slt, %iota3A, %lt3A_55 : vector<16xi32>
    %broadcast_in_dim3A_57 = arith.constant 1 : i32
    %broadcast_in_dim3A_58 = vector.broadcast %broadcast_in_dim3A_57 : i32 to vector<16xi32>
    %broadcast_in_dim3A_59 = arith.constant 0 : i32
    %broadcast_in_dim3A_60 = vector.broadcast %broadcast_in_dim3A_59 : i32 to vector<16xi32>
    %scan3A_61 = arith.constant 0 : i32
    %scan3A_62 = arith.constant 0 : i32
    %scan3A_63 = arith.constant 224 : i32
    %scan3A_64 = arith.addi %scan3A_62, %scan3A_63 : i32
    %scan3A_65 = arith.constant 1 : i32
    %scan3A_66 = scf.for %scan3A_75 = %scan3A_62 to %scan3A_64 step %scan3A_65 iter_args(%scan3A_76 = %scan3A_61) -> (i32)  : i32 {
      %eq3A_77 = arith.constant 0 : i32
      %eq3A_78 = arith.cmpi eq, %scan3A_75, %eq3A_77 : i32
      %sub3A = arith.constant 1 : i32
      %sub3A_79 = arith.subi %scan3A_75, %sub3A : i32
      %jit3A_80 = arith.constant 1 : i32
      %select_n3A_81 = arith.select %eq3A_78, %jit3A_80, %sub3A_79 : i32
      %eq3A_82 = arith.constant 223 : i32
      %eq3A_83 = arith.cmpi eq, %scan3A_75, %eq3A_82 : i32
      %add3A_84 = arith.constant 1 : i32
      %add3A_85 = arith.addi %scan3A_75, %add3A_84 : i32
      %jit3A_86 = arith.constant 222 : i32
      %select_n3A_87 = arith.select %eq3A_83, %jit3A_86, %add3A_85 : i32
      %and3A = arith.constant 15 : i32
      %and3A_88 = arith.andi %scan3A_75, %and3A : i32
      %shift_right_arithmetic3A = arith.constant 3 : i32
      %shift_right_arithmetic3A_89 = arith.shrsi %scan3A_75, %shift_right_arithmetic3A : i32
      %mul3A_90 = arith.constant 28 : i32
      %mul3A_91 = arith.muli %shift_right_arithmetic3A_89, %mul3A_90 : i32
      %scan3A_92 = arith.constant 0 : i32
      %scan3A_93 = arith.constant 0 : i32
      %scan3A_94 = arith.constant 14 : i32
      %scan3A_95 = arith.addi %scan3A_93, %scan3A_94 : i32
      %scan3A_96 = arith.constant 2 : i32
      %scan3A_97 = scf.for %scan3A_108 = %scan3A_93 to %scan3A_95 step %scan3A_96 iter_args(%scan3A_109 = %scan3A_92) -> (i32)  : i32 {
        %mul3A_110 = arith.constant 16 : i32
        %mul3A_111 = arith.muli %scan3A_108, %mul3A_110 : i32
        %mul3A_112 = arith.constant 16 : i32
        %mul3A_113 = arith.muli %scan3A_108, %mul3A_112 : i32
        %add3A_114 = arith.constant 1 : i32
        %add3A_115 = arith.addi %mul3A_113, %add3A_114 : i32
        %get3A = arith.index_cast %select_n3A_81 : i32 to index
        %get3A_116 = arith.index_cast %mul3A_111 : i32 to index
        %get3A_117 = tpu.vector_load %arg6[%get3A, %get3A_116] {strides = array<i32>} : memref<224x224xf32, #tpu.memory_space<vmem>>, vector<16xf32>,
        %get3A_118 = arith.index_cast %scan3A_75 : i32 to index
        %get3A_119 = arith.index_cast %mul3A_111 : i32 to index
        %get3A_120 = tpu.vector_load %arg6[%get3A_118, %get3A_119] {strides = array<i32>} : memref<224x224xf32, #tpu.memory_space<vmem>>, vector<16xf32>,
        %get3A_121 = arith.index_cast %select_n3A_87 : i32 to index
        %get3A_122 = arith.index_cast %mul3A_111 : i32 to index
        %get3A_123 = tpu.vector_load %arg6[%get3A_121, %get3A_122] {strides = array<i32>} : memref<224x224xf32, #tpu.memory_space<vmem>>, vector<16xf32>,
        %mul3A_124 = arith.constant 2.000000e+00 : f32
        %mul3A_125 = vector.broadcast %mul3A_124 : f32 to vector<16xf32>
        %mul3A_126 = arith.mulf %mul3A_125, %get3A_120 : vector<16xf32>
        %add3A_127 = arith.addf %get3A_117, %mul3A_126 : vector<16xf32>
        %add3A_128 = arith.addf %add3A_127, %get3A_123 : vector<16xf32>
        %swap3A = arith.index_cast %add3A_115 : i32 to index
        %swap3A_129 = tpu.vector_load %arg9[%swap3A] {strides = array<i32>} : memref<226xf32, #tpu.memory_space<vmem>>, vector<16xf32>,
        tpu.vector_store %arg9[%swap3A], %add3A_128 {strides = array<i32>} : memref<226xf32, #tpu.memory_space<vmem>>, vector<16xf32>,
        %sub3A_130 = arith.subf %get3A_117, %get3A_123 : vector<16xf32>
        %swap3A_131 = arith.index_cast %add3A_115 : i32 to index
        %swap3A_132 = tpu.vector_load %arg10[%swap3A_131] {strides = array<i32>} : memref<226xf32, #tpu.memory_space<vmem>>, vector<16xf32>,
        tpu.vector_store %arg10[%swap3A_131], %sub3A_130 {strides = array<i32>} : memref<226xf32, #tpu.memory_space<vmem>>, vector<16xf32>,
        %scan3A_133 = arith.constant 0 : i32
        %scan3A_134 = arith.constant 1 : i32
        %scan3A_135 = arith.addi %scan3A_108, %scan3A_134 : i32
        %mul3A_136 = arith.constant 16 : i32
        %mul3A_137 = arith.muli %scan3A_135, %mul3A_136 : i32
        %mul3A_138 = arith.constant 16 : i32
        %mul3A_139 = arith.muli %scan3A_135, %mul3A_138 : i32
        %add3A_140 = arith.constant 1 : i32
        %add3A_141 = arith.addi %mul3A_139, %add3A_140 : i32
        %get3A_142 = arith.index_cast %select_n3A_81 : i32 to index
        %get3A_143 = arith.index_cast %mul3A_137 : i32 to index
        %get3A_144 = tpu.vector_load %arg6[%get3A_142, %get3A_143] {strides = array<i32>} : memref<224x224xf32, #tpu.memory_space<vmem>>, vector<16xf32>,
        %get3A_145 = arith.index_cast %scan3A_75 : i32 to index
        %get3A_146 = arith.index_cast %mul3A_137 : i32 to index
        %get3A_147 = tpu.vector_load %arg6[%get3A_145, %get3A_146] {strides = array<i32>} : memref<224x224xf32, #tpu.memory_space<vmem>>, vector<16xf32>,
        %get3A_148 = arith.index_cast %select_n3A_87 : i32 to index
        %get3A_149 = arith.index_cast %mul3A_137 : i32 to index
        %get3A_150 = tpu.vector_load %arg6[%get3A_148, %get3A_149] {strides = array<i32>} : memref<224x224xf32, #tpu.memory_space<vmem>>, vector<16xf32>,
        %mul3A_151 = arith.constant 2.000000e+00 : f32
        %mul3A_152 = vector.broadcast %mul3A_151 : f32 to vector<16xf32>
        %mul3A_153 = arith.mulf %mul3A_152, %get3A_147 : vector<16xf32>
        %add3A_154 = arith.addf %get3A_144, %mul3A_153 : vector<16xf32>
        %add3A_155 = arith.addf %add3A_154, %get3A_150 : vector<16xf32>
        %swap3A_156 = arith.index_cast %add3A_141 : i32 to index
        %swap3A_157 = tpu.vector_load %arg9[%swap3A_156] {strides = array<i32>} : memref<226xf32, #tpu.memory_space<vmem>>, vector<16xf32>,
        tpu.vector_store %arg9[%swap3A_156], %add3A_155 {strides = array<i32>} : memref<226xf32, #tpu.memory_space<vmem>>, vector<16xf32>,
        %sub3A_158 = arith.subf %get3A_144, %get3A_150 : vector<16xf32>
        %swap3A_159 = arith.index_cast %add3A_141 : i32 to index
        %swap3A_160 = tpu.vector_load %arg10[%swap3A_159] {strides = array<i32>} : memref<226xf32, #tpu.memory_space<vmem>>, vector<16xf32>,
        tpu.vector_store %arg10[%swap3A_159], %sub3A_158 {strides = array<i32>} : memref<226xf32, #tpu.memory_space<vmem>>, vector<16xf32>,
        %scan3A_161 = arith.constant 0 : i32
        scf.yield %scan3A_161 : i32
      }
      %scan3A_98 = arith.constant 14 : i32
      %gather3A = tpu.vector_load_idx %arg9[%select_n3A] : memref<226xf32, #tpu.memory_space<vmem>>[vector<16xi32>], vector<16xf32>,
      tpu.vector_store_idx %arg9[%select_n3A_54], %gather3A masked %lt3A_56 : memref<226xf32, #tpu.memory_space<vmem>>[vector<16xi32>], vector<16xf32>, vector<16xi1>
      %gather3A_99 = tpu.vector_load_idx %arg10[%select_n3A] : memref<226xf32, #tpu.memory_space<vmem>>[vector<16xi32>], vector<16xf32>,
      tpu.vector_store_idx %arg10[%select_n3A_54], %gather3A_99 masked %lt3A_56 : memref<226xf32, #tpu.memory_space<vmem>>[vector<16xi32>], vector<16xf32>, vector<16xi1>
      %scan3A_100 = arith.constant 0 : i32
      %scan3A_101 = arith.constant 0 : i32
      %scan3A_102 = arith.constant 14 : i32
      %scan3A_103 = arith.addi %scan3A_101, %scan3A_102 : i32
      %scan3A_104 = arith.constant 2 : i32
      %scan3A_105 = scf.for %scan3A_108 = %scan3A_101 to %scan3A_103 step %scan3A_104 iter_args(%scan3A_109 = %scan3A_100) -> (i32)  : i32 {
        %mul3A_110 = arith.constant 16 : i32
        %mul3A_111 = arith.muli %scan3A_108, %mul3A_110 : i32
        %get3A = arith.index_cast %mul3A_111 : i32 to index
        %get3A_112 = tpu.vector_load %arg9[%get3A] {strides = array<i32>} : memref<226xf32, #tpu.memory_space<vmem>>, vector<16xf32>,
        %add3A_113 = arith.constant 2 : i32
        %add3A_114 = arith.addi %mul3A_111, %add3A_113 : i32
        %get3A_115 = arith.index_cast %add3A_114 : i32 to index
        %get3A_116 = tpu.vector_load %arg9[%get3A_115] {strides = array<i32>} : memref<226xf32, #tpu.memory_space<vmem>>, vector<16xf32>,
        %sub3A_117 = arith.subf %get3A_112, %get3A_116 : vector<16xf32>
        %get3A_118 = arith.index_cast %mul3A_111 : i32 to index
        %get3A_119 = tpu.vector_load %arg10[%get3A_118] {strides = array<i32>} : memref<226xf32, #tpu.memory_space<vmem>>, vector<16xf32>,
        %add3A_120 = arith.constant 1 : i32
        %add3A_121 = arith.addi %mul3A_111, %add3A_120 : i32
        %get3A_122 = arith.index_cast %add3A_121 : i32 to index
        %get3A_123 = tpu.vector_load %arg10[%get3A_122] {strides = array<i32>} : memref<226xf32, #tpu.memory_space<vmem>>, vector<16xf32>,
        %mul3A_124 = arith.constant 2.000000e+00 : f32
        %mul3A_125 = vector.broadcast %mul3A_124 : f32 to vector<16xf32>
        %mul3A_126 = arith.mulf %mul3A_125, %get3A_123 : vector<16xf32>
        %add3A_127 = arith.addf %get3A_119, %mul3A_126 : vector<16xf32>
        %add3A_128 = arith.constant 2 : i32
        %add3A_129 = arith.addi %mul3A_111, %add3A_128 : i32
        %get3A_130 = arith.index_cast %add3A_129 : i32 to index
        %get3A_131 = tpu.vector_load %arg10[%get3A_130] {strides = array<i32>} : memref<226xf32, #tpu.memory_space<vmem>>, vector<16xf32>,
        %add3A_132 = arith.addf %add3A_127, %get3A_131 : vector<16xf32>
        %mul3A_133 = arith.mulf %sub3A_117, %sub3A_117 : vector<16xf32>
        %mul3A_134 = arith.mulf %add3A_132, %add3A_132 : vector<16xf32>
        %add3A_135 = arith.addf %mul3A_133, %mul3A_134 : vector<16xf32>
        %bitcast3A = vector.bitcast %add3A_135 : vector<16xf32> to vector<16xi32>
        %shift_right_arithmetic3A_136 = arith.constant 1 : i32
        %shift_right_arithmetic3A_137 = vector.broadcast %shift_right_arithmetic3A_136 : i32 to vector<16xi32>
        %shift_right_arithmetic3A_138 = arith.shrsi %bitcast3A, %shift_right_arithmetic3A_137 : vector<16xi32>
        %sub3A_139 = arith.constant 1597463007 : i32
        %sub3A_140 = vector.broadcast %sub3A_139 : i32 to vector<16xi32>
        %sub3A_141 = arith.subi %sub3A_140, %shift_right_arithmetic3A_138 : vector<16xi32>
        %bitcast3A_142 = vector.bitcast %sub3A_141 : vector<16xi32> to vector<16xf32>
        %mul3A_143 = arith.constant 5.000000e-01 : f32
        %mul3A_144 = vector.broadcast %mul3A_143 : f32 to vector<16xf32>
        %mul3A_145 = arith.mulf %mul3A_144, %add3A_135 : vector<16xf32>
        %mul3A_146 = arith.mulf %mul3A_145, %bitcast3A_142 : vector<16xf32>
        %mul3A_147 = arith.mulf %mul3A_146, %bitcast3A_142 : vector<16xf32>
        %sub3A_148 = arith.constant 1.500000e+00 : f32
        %sub3A_149 = vector.broadcast %sub3A_148 : f32 to vector<16xf32>
        %sub3A_150 = arith.subf %sub3A_149, %mul3A_147 : vector<16xf32>
        %mul3A_151 = arith.mulf %bitcast3A_142, %sub3A_150 : vector<16xf32>
        %mul3A_152 = arith.constant 5.000000e-01 : f32
        %mul3A_153 = vector.broadcast %mul3A_152 : f32 to vector<16xf32>
        %mul3A_154 = arith.mulf %mul3A_153, %add3A_135 : vector<16xf32>
        %mul3A_155 = arith.mulf %mul3A_154, %mul3A_151 : vector<16xf32>
        %mul3A_156 = arith.mulf %mul3A_155, %mul3A_151 : vector<16xf32>
        %sub3A_157 = arith.constant 1.500000e+00 : f32
        %sub3A_158 = vector.broadcast %sub3A_157 : f32 to vector<16xf32>
        %sub3A_159 = arith.subf %sub3A_158, %mul3A_156 : vector<16xf32>
        %mul3A_160 = arith.mulf %mul3A_151, %sub3A_159 : vector<16xf32>
        %mul3A_161 = arith.mulf %add3A_135, %mul3A_160 : vector<16xf32>
        %get3A_162 = arith.index_cast %and3A_88 : i32 to index
        %get3A_163 = arith.index_cast %mul3A_111 : i32 to index
        %get3A_164 = tpu.vector_load %arg11[%get3A_162, %get3A_163] {strides = array<i32>} : memref<16x224xf32, #tpu.memory_space<vmem>>, vector<16xf32>,
        %mul3A_165 = arith.mulf %mul3A_161, %get3A_164 : vector<16xf32>
        %lt3A_166 = arith.constant 0.000000e+00 : f32
        %lt3A_167 = vector.broadcast %lt3A_166 : f32 to vector<16xf32>
        %lt3A_168 = arith.cmpf olt, %sub3A_117, %lt3A_167 : vector<16xf32>
        %eq3A_169 = arith.constant 0.000000e+00 : f32
        %eq3A_170 = vector.broadcast %eq3A_169 : f32 to vector<16xf32>
        %eq3A_171 = arith.cmpf oeq, %sub3A_117, %eq3A_170 : vector<16xf32>
        %lt3A_172 = arith.constant 0.000000e+00 : f32
        %lt3A_173 = vector.broadcast %lt3A_172 : f32 to vector<16xf32>
        %lt3A_174 = arith.cmpf olt, %add3A_132, %lt3A_173 : vector<16xf32>
        %and3A_175 = arith.andi %eq3A_171, %lt3A_174 : vector<16xi1>
        %or3A = arith.ori %lt3A_168, %and3A_175 : vector<16xi1>
        %neg3A = arith.constant 0.000000e+00 : f32
        %neg3A_176 = vector.broadcast %neg3A : f32 to vector<16xf32>
        %neg3A_177 = arith.subf %neg3A_176, %sub3A_117 : vector<16xf32>
        %select_n3A_178 = arith.select %or3A, %neg3A_177, %sub3A_117 : vector<16xi1>, vector<16xf32>
        %neg3A_179 = arith.constant 0.000000e+00 : f32
        %neg3A_180 = vector.broadcast %neg3A_179 : f32 to vector<16xf32>
        %neg3A_181 = arith.subf %neg3A_180, %add3A_132 : vector<16xf32>
        %select_n3A_182 = arith.select %or3A, %neg3A_181, %add3A_132 : vector<16xi1>, vector<16xf32>
        %broadcast_in_dim3A_183 = arith.constant 0 : i32
        %broadcast_in_dim3A_184 = vector.broadcast %broadcast_in_dim3A_183 : i32 to vector<16xi32>
        %mul3A_185 = arith.constant 0.939692616 : f32
        %mul3A_186 = vector.broadcast %mul3A_185 : f32 to vector<16xf32>
        %mul3A_187 = arith.mulf %select_n3A_178, %mul3A_186 : vector<16xf32>
        %mul3A_188 = arith.constant 0.342020154 : f32
        %mul3A_189 = vector.broadcast %mul3A_188 : f32 to vector<16xf32>
        %mul3A_190 = arith.mulf %select_n3A_182, %mul3A_189 : vector<16xf32>
        %sub3A_191 = arith.subf %mul3A_187, %mul3A_190 : vector<16xf32>
        %ge3A = arith.constant 0.000000e+00 : f32
        %ge3A_192 = vector.broadcast %ge3A : f32 to vector<16xf32>
        %ge3A_193 = arith.cmpf oge, %sub3A_191, %ge3A_192 : vector<16xf32>
        %select_n3A_194 = arith.select %ge3A_193, %broadcast_in_dim3A_58, %broadcast_in_dim3A_60 : vector<16xi1>, vector<16xi32>
        %add3A_195 = arith.addi %broadcast_in_dim3A_184, %select_n3A_194 : vector<16xi32>
        %add3A_196 = arith.addf %mul3A_187, %mul3A_190 : vector<16xf32>
        %le3A = arith.constant 0.000000e+00 : f32
        %le3A_197 = vector.broadcast %le3A : f32 to vector<16xf32>
        %le3A_198 = arith.cmpf ole, %add3A_196, %le3A_197 : vector<16xf32>
        %select_n3A_199 = arith.select %le3A_198, %broadcast_in_dim3A_58, %broadcast_in_dim3A_60 : vector<16xi1>, vector<16xi32>
        %add3A_200 = arith.addi %add3A_195, %select_n3A_199 : vector<16xi32>
        %mul3A_201 = arith.constant 0.766044437 : f32
        %mul3A_202 = vector.broadcast %mul3A_201 : f32 to vector<16xf32>
        %mul3A_203 = arith.mulf %select_n3A_178, %mul3A_202 : vector<16xf32>
        %mul3A_204 = arith.constant 0.642787635 : f32
        %mul3A_205 = vector.broadcast %mul3A_204 : f32 to vector<16xf32>
        %mul3A_206 = arith.mulf %select_n3A_182, %mul3A_205 : vector<16xf32>
        %sub3A_207 = arith.subf %mul3A_203, %mul3A_206 : vector<16xf32>
        %ge3A_208 = arith.constant 0.000000e+00 : f32
        %ge3A_209 = vector.broadcast %ge3A_208 : f32 to vector<16xf32>
        %ge3A_210 = arith.cmpf oge, %sub3A_207, %ge3A_209 : vector<16xf32>
        %select_n3A_211 = arith.select %ge3A_210, %broadcast_in_dim3A_58, %broadcast_in_dim3A_60 : vector<16xi1>, vector<16xi32>
        %add3A_212 = arith.addi %add3A_200, %select_n3A_211 : vector<16xi32>
        %add3A_213 = arith.addf %mul3A_203, %mul3A_206 : vector<16xf32>
        %le3A_214 = arith.constant 0.000000e+00 : f32
        %le3A_215 = vector.broadcast %le3A_214 : f32 to vector<16xf32>
        %le3A_216 = arith.cmpf ole, %add3A_213, %le3A_215 : vector<16xf32>
        %select_n3A_217 = arith.select %le3A_216, %broadcast_in_dim3A_58, %broadcast_in_dim3A_60 : vector<16xi1>, vector<16xi32>
        %add3A_218 = arith.addi %add3A_212, %select_n3A_217 : vector<16xi32>
        %mul3A_219 = arith.constant 5.000000e-01 : f32
        %mul3A_220 = vector.broadcast %mul3A_219 : f32 to vector<16xf32>
        %mul3A_221 = arith.mulf %select_n3A_178, %mul3A_220 : vector<16xf32>
        %mul3A_222 = arith.constant 0.866025388 : f32
        %mul3A_223 = vector.broadcast %mul3A_222 : f32 to vector<16xf32>
        %mul3A_224 = arith.mulf %select_n3A_182, %mul3A_223 : vector<16xf32>
        %sub3A_225 = arith.subf %mul3A_221, %mul3A_224 : vector<16xf32>
        %ge3A_226 = arith.constant 0.000000e+00 : f32
        %ge3A_227 = vector.broadcast %ge3A_226 : f32 to vector<16xf32>
        %ge3A_228 = arith.cmpf oge, %sub3A_225, %ge3A_227 : vector<16xf32>
        %select_n3A_229 = arith.select %ge3A_228, %broadcast_in_dim3A_58, %broadcast_in_dim3A_60 : vector<16xi1>, vector<16xi32>
        %add3A_230 = arith.addi %add3A_218, %select_n3A_229 : vector<16xi32>
        %add3A_231 = arith.addf %mul3A_221, %mul3A_224 : vector<16xf32>
        %le3A_232 = arith.constant 0.000000e+00 : f32
        %le3A_233 = vector.broadcast %le3A_232 : f32 to vector<16xf32>
        %le3A_234 = arith.cmpf ole, %add3A_231, %le3A_233 : vector<16xf32>
        %select_n3A_235 = arith.select %le3A_234, %broadcast_in_dim3A_58, %broadcast_in_dim3A_60 : vector<16xi1>, vector<16xi32>
        %add3A_236 = arith.addi %add3A_230, %select_n3A_235 : vector<16xi32>
        %mul3A_237 = arith.constant 0.173648179 : f32
        %mul3A_238 = vector.broadcast %mul3A_237 : f32 to vector<16xf32>
        %mul3A_239 = arith.mulf %select_n3A_178, %mul3A_238 : vector<16xf32>
        %mul3A_240 = arith.constant 0.984807729 : f32
        %mul3A_241 = vector.broadcast %mul3A_240 : f32 to vector<16xf32>
        %mul3A_242 = arith.mulf %select_n3A_182, %mul3A_241 : vector<16xf32>
        %sub3A_243 = arith.subf %mul3A_239, %mul3A_242 : vector<16xf32>
        %ge3A_244 = arith.constant 0.000000e+00 : f32
        %ge3A_245 = vector.broadcast %ge3A_244 : f32 to vector<16xf32>
        %ge3A_246 = arith.cmpf oge, %sub3A_243, %ge3A_245 : vector<16xf32>
        %select_n3A_247 = arith.select %ge3A_246, %broadcast_in_dim3A_58, %broadcast_in_dim3A_60 : vector<16xi1>, vector<16xi32>
        %add3A_248 = arith.addi %add3A_236, %select_n3A_247 : vector<16xi32>
        %add3A_249 = arith.addf %mul3A_239, %mul3A_242 : vector<16xf32>
        %le3A_250 = arith.constant 0.000000e+00 : f32
        %le3A_251 = vector.broadcast %le3A_250 : f32 to vector<16xf32>
        %le3A_252 = arith.cmpf ole, %add3A_249, %le3A_251 : vector<16xf32>
        %select_n3A_253 = arith.select %le3A_252, %broadcast_in_dim3A_58, %broadcast_in_dim3A_60 : vector<16xi1>, vector<16xi32>
        %add3A_254 = arith.addi %add3A_248, %select_n3A_253 : vector<16xi32>
        %add3A_255 = vector.broadcast %mul3A_111 : i32 to vector<16xi32>
        %add3A_256 = arith.addi %add3A_255, %iota3A : vector<16xi32>
        %shift_right_arithmetic3A_257 = arith.constant 3 : i32
        %shift_right_arithmetic3A_258 = vector.broadcast %shift_right_arithmetic3A_257 : i32 to vector<16xi32>
        %shift_right_arithmetic3A_259 = arith.shrsi %add3A_256, %shift_right_arithmetic3A_258 : vector<16xi32>
        %add3A_260 = vector.broadcast %mul3A_91 : i32 to vector<16xi32>
        %add3A_261 = arith.addi %add3A_260, %shift_right_arithmetic3A_259 : vector<16xi32>
        %mul3A_262 = arith.constant 784 : i32
        %mul3A_263 = vector.broadcast %mul3A_262 : i32 to vector<16xi32>
        %mul3A_264 = arith.muli %add3A_254, %mul3A_263 : vector<16xi32>
        %add3A_265 = arith.addi %mul3A_264, %add3A_261 : vector<16xi32>
        tpu.vector_store_idx %arg8[%add3A_265], %mul3A_165 {add = true} : memref<7056xf32, #tpu.memory_space<vmem>>[vector<16xi32>], vector<16xf32>,
        %scan3A_266 = arith.constant 0 : i32
        %scan3A_267 = arith.constant 1 : i32
        %scan3A_268 = arith.addi %scan3A_108, %scan3A_267 : i32
        %mul3A_269 = arith.constant 16 : i32
        %mul3A_270 = arith.muli %scan3A_268, %mul3A_269 : i32
        %get3A_271 = arith.index_cast %mul3A_270 : i32 to index
        %get3A_272 = tpu.vector_load %arg9[%get3A_271] {strides = array<i32>} : memref<226xf32, #tpu.memory_space<vmem>>, vector<16xf32>,
        %add3A_273 = arith.constant 2 : i32
        %add3A_274 = arith.addi %mul3A_270, %add3A_273 : i32
        %get3A_275 = arith.index_cast %add3A_274 : i32 to index
        %get3A_276 = tpu.vector_load %arg9[%get3A_275] {strides = array<i32>} : memref<226xf32, #tpu.memory_space<vmem>>, vector<16xf32>,
        %sub3A_277 = arith.subf %get3A_272, %get3A_276 : vector<16xf32>
        %get3A_278 = arith.index_cast %mul3A_270 : i32 to index
        %get3A_279 = tpu.vector_load %arg10[%get3A_278] {strides = array<i32>} : memref<226xf32, #tpu.memory_space<vmem>>, vector<16xf32>,
        %add3A_280 = arith.constant 1 : i32
        %add3A_281 = arith.addi %mul3A_270, %add3A_280 : i32
        %get3A_282 = arith.index_cast %add3A_281 : i32 to index
        %get3A_283 = tpu.vector_load %arg10[%get3A_282] {strides = array<i32>} : memref<226xf32, #tpu.memory_space<vmem>>, vector<16xf32>,
        %mul3A_284 = arith.constant 2.000000e+00 : f32
        %mul3A_285 = vector.broadcast %mul3A_284 : f32 to vector<16xf32>
        %mul3A_286 = arith.mulf %mul3A_285, %get3A_283 : vector<16xf32>
        %add3A_287 = arith.addf %get3A_279, %mul3A_286 : vector<16xf32>
        %add3A_288 = arith.constant 2 : i32
        %add3A_289 = arith.addi %mul3A_270, %add3A_288 : i32
        %get3A_290 = arith.index_cast %add3A_289 : i32 to index
        %get3A_291 = tpu.vector_load %arg10[%get3A_290] {strides = array<i32>} : memref<226xf32, #tpu.memory_space<vmem>>, vector<16xf32>,
        %add3A_292 = arith.addf %add3A_287, %get3A_291 : vector<16xf32>
        %mul3A_293 = arith.mulf %sub3A_277, %sub3A_277 : vector<16xf32>
        %mul3A_294 = arith.mulf %add3A_292, %add3A_292 : vector<16xf32>
        %add3A_295 = arith.addf %mul3A_293, %mul3A_294 : vector<16xf32>
        %bitcast3A_296 = vector.bitcast %add3A_295 : vector<16xf32> to vector<16xi32>
        %shift_right_arithmetic3A_297 = arith.constant 1 : i32
        %shift_right_arithmetic3A_298 = vector.broadcast %shift_right_arithmetic3A_297 : i32 to vector<16xi32>
        %shift_right_arithmetic3A_299 = arith.shrsi %bitcast3A_296, %shift_right_arithmetic3A_298 : vector<16xi32>
        %sub3A_300 = arith.constant 1597463007 : i32
        %sub3A_301 = vector.broadcast %sub3A_300 : i32 to vector<16xi32>
        %sub3A_302 = arith.subi %sub3A_301, %shift_right_arithmetic3A_299 : vector<16xi32>
        %bitcast3A_303 = vector.bitcast %sub3A_302 : vector<16xi32> to vector<16xf32>
        %mul3A_304 = arith.constant 5.000000e-01 : f32
        %mul3A_305 = vector.broadcast %mul3A_304 : f32 to vector<16xf32>
        %mul3A_306 = arith.mulf %mul3A_305, %add3A_295 : vector<16xf32>
        %mul3A_307 = arith.mulf %mul3A_306, %bitcast3A_303 : vector<16xf32>
        %mul3A_308 = arith.mulf %mul3A_307, %bitcast3A_303 : vector<16xf32>
        %sub3A_309 = arith.constant 1.500000e+00 : f32
        %sub3A_310 = vector.broadcast %sub3A_309 : f32 to vector<16xf32>
        %sub3A_311 = arith.subf %sub3A_310, %mul3A_308 : vector<16xf32>
        %mul3A_312 = arith.mulf %bitcast3A_303, %sub3A_311 : vector<16xf32>
        %mul3A_313 = arith.constant 5.000000e-01 : f32
        %mul3A_314 = vector.broadcast %mul3A_313 : f32 to vector<16xf32>
        %mul3A_315 = arith.mulf %mul3A_314, %add3A_295 : vector<16xf32>
        %mul3A_316 = arith.mulf %mul3A_315, %mul3A_312 : vector<16xf32>
        %mul3A_317 = arith.mulf %mul3A_316, %mul3A_312 : vector<16xf32>
        %sub3A_318 = arith.constant 1.500000e+00 : f32
        %sub3A_319 = vector.broadcast %sub3A_318 : f32 to vector<16xf32>
        %sub3A_320 = arith.subf %sub3A_319, %mul3A_317 : vector<16xf32>
        %mul3A_321 = arith.mulf %mul3A_312, %sub3A_320 : vector<16xf32>
        %mul3A_322 = arith.mulf %add3A_295, %mul3A_321 : vector<16xf32>
        %get3A_323 = arith.index_cast %and3A_88 : i32 to index
        %get3A_324 = arith.index_cast %mul3A_270 : i32 to index
        %get3A_325 = tpu.vector_load %arg11[%get3A_323, %get3A_324] {strides = array<i32>} : memref<16x224xf32, #tpu.memory_space<vmem>>, vector<16xf32>,
        %mul3A_326 = arith.mulf %mul3A_322, %get3A_325 : vector<16xf32>
        %lt3A_327 = arith.constant 0.000000e+00 : f32
        %lt3A_328 = vector.broadcast %lt3A_327 : f32 to vector<16xf32>
        %lt3A_329 = arith.cmpf olt, %sub3A_277, %lt3A_328 : vector<16xf32>
        %eq3A_330 = arith.constant 0.000000e+00 : f32
        %eq3A_331 = vector.broadcast %eq3A_330 : f32 to vector<16xf32>
        %eq3A_332 = arith.cmpf oeq, %sub3A_277, %eq3A_331 : vector<16xf32>
        %lt3A_333 = arith.constant 0.000000e+00 : f32
        %lt3A_334 = vector.broadcast %lt3A_333 : f32 to vector<16xf32>
        %lt3A_335 = arith.cmpf olt, %add3A_292, %lt3A_334 : vector<16xf32>
        %and3A_336 = arith.andi %eq3A_332, %lt3A_335 : vector<16xi1>
        %or3A_337 = arith.ori %lt3A_329, %and3A_336 : vector<16xi1>
        %neg3A_338 = arith.constant 0.000000e+00 : f32
        %neg3A_339 = vector.broadcast %neg3A_338 : f32 to vector<16xf32>
        %neg3A_340 = arith.subf %neg3A_339, %sub3A_277 : vector<16xf32>
        %select_n3A_341 = arith.select %or3A_337, %neg3A_340, %sub3A_277 : vector<16xi1>, vector<16xf32>
        %neg3A_342 = arith.constant 0.000000e+00 : f32
        %neg3A_343 = vector.broadcast %neg3A_342 : f32 to vector<16xf32>
        %neg3A_344 = arith.subf %neg3A_343, %add3A_292 : vector<16xf32>
        %select_n3A_345 = arith.select %or3A_337, %neg3A_344, %add3A_292 : vector<16xi1>, vector<16xf32>
        %broadcast_in_dim3A_346 = arith.constant 0 : i32
        %broadcast_in_dim3A_347 = vector.broadcast %broadcast_in_dim3A_346 : i32 to vector<16xi32>
        %mul3A_348 = arith.constant 0.939692616 : f32
        %mul3A_349 = vector.broadcast %mul3A_348 : f32 to vector<16xf32>
        %mul3A_350 = arith.mulf %select_n3A_341, %mul3A_349 : vector<16xf32>
        %mul3A_351 = arith.constant 0.342020154 : f32
        %mul3A_352 = vector.broadcast %mul3A_351 : f32 to vector<16xf32>
        %mul3A_353 = arith.mulf %select_n3A_345, %mul3A_352 : vector<16xf32>
        %sub3A_354 = arith.subf %mul3A_350, %mul3A_353 : vector<16xf32>
        %ge3A_355 = arith.constant 0.000000e+00 : f32
        %ge3A_356 = vector.broadcast %ge3A_355 : f32 to vector<16xf32>
        %ge3A_357 = arith.cmpf oge, %sub3A_354, %ge3A_356 : vector<16xf32>
        %select_n3A_358 = arith.select %ge3A_357, %broadcast_in_dim3A_58, %broadcast_in_dim3A_60 : vector<16xi1>, vector<16xi32>
        %add3A_359 = arith.addi %broadcast_in_dim3A_347, %select_n3A_358 : vector<16xi32>
        %add3A_360 = arith.addf %mul3A_350, %mul3A_353 : vector<16xf32>
        %le3A_361 = arith.constant 0.000000e+00 : f32
        %le3A_362 = vector.broadcast %le3A_361 : f32 to vector<16xf32>
        %le3A_363 = arith.cmpf ole, %add3A_360, %le3A_362 : vector<16xf32>
        %select_n3A_364 = arith.select %le3A_363, %broadcast_in_dim3A_58, %broadcast_in_dim3A_60 : vector<16xi1>, vector<16xi32>
        %add3A_365 = arith.addi %add3A_359, %select_n3A_364 : vector<16xi32>
        %mul3A_366 = arith.constant 0.766044437 : f32
        %mul3A_367 = vector.broadcast %mul3A_366 : f32 to vector<16xf32>
        %mul3A_368 = arith.mulf %select_n3A_341, %mul3A_367 : vector<16xf32>
        %mul3A_369 = arith.constant 0.642787635 : f32
        %mul3A_370 = vector.broadcast %mul3A_369 : f32 to vector<16xf32>
        %mul3A_371 = arith.mulf %select_n3A_345, %mul3A_370 : vector<16xf32>
        %sub3A_372 = arith.subf %mul3A_368, %mul3A_371 : vector<16xf32>
        %ge3A_373 = arith.constant 0.000000e+00 : f32
        %ge3A_374 = vector.broadcast %ge3A_373 : f32 to vector<16xf32>
        %ge3A_375 = arith.cmpf oge, %sub3A_372, %ge3A_374 : vector<16xf32>
        %select_n3A_376 = arith.select %ge3A_375, %broadcast_in_dim3A_58, %broadcast_in_dim3A_60 : vector<16xi1>, vector<16xi32>
        %add3A_377 = arith.addi %add3A_365, %select_n3A_376 : vector<16xi32>
        %add3A_378 = arith.addf %mul3A_368, %mul3A_371 : vector<16xf32>
        %le3A_379 = arith.constant 0.000000e+00 : f32
        %le3A_380 = vector.broadcast %le3A_379 : f32 to vector<16xf32>
        %le3A_381 = arith.cmpf ole, %add3A_378, %le3A_380 : vector<16xf32>
        %select_n3A_382 = arith.select %le3A_381, %broadcast_in_dim3A_58, %broadcast_in_dim3A_60 : vector<16xi1>, vector<16xi32>
        %add3A_383 = arith.addi %add3A_377, %select_n3A_382 : vector<16xi32>
        %mul3A_384 = arith.constant 5.000000e-01 : f32
        %mul3A_385 = vector.broadcast %mul3A_384 : f32 to vector<16xf32>
        %mul3A_386 = arith.mulf %select_n3A_341, %mul3A_385 : vector<16xf32>
        %mul3A_387 = arith.constant 0.866025388 : f32
        %mul3A_388 = vector.broadcast %mul3A_387 : f32 to vector<16xf32>
        %mul3A_389 = arith.mulf %select_n3A_345, %mul3A_388 : vector<16xf32>
        %sub3A_390 = arith.subf %mul3A_386, %mul3A_389 : vector<16xf32>
        %ge3A_391 = arith.constant 0.000000e+00 : f32
        %ge3A_392 = vector.broadcast %ge3A_391 : f32 to vector<16xf32>
        %ge3A_393 = arith.cmpf oge, %sub3A_390, %ge3A_392 : vector<16xf32>
        %select_n3A_394 = arith.select %ge3A_393, %broadcast_in_dim3A_58, %broadcast_in_dim3A_60 : vector<16xi1>, vector<16xi32>
        %add3A_395 = arith.addi %add3A_383, %select_n3A_394 : vector<16xi32>
        %add3A_396 = arith.addf %mul3A_386, %mul3A_389 : vector<16xf32>
        %le3A_397 = arith.constant 0.000000e+00 : f32
        %le3A_398 = vector.broadcast %le3A_397 : f32 to vector<16xf32>
        %le3A_399 = arith.cmpf ole, %add3A_396, %le3A_398 : vector<16xf32>
        %select_n3A_400 = arith.select %le3A_399, %broadcast_in_dim3A_58, %broadcast_in_dim3A_60 : vector<16xi1>, vector<16xi32>
        %add3A_401 = arith.addi %add3A_395, %select_n3A_400 : vector<16xi32>
        %mul3A_402 = arith.constant 0.173648179 : f32
        %mul3A_403 = vector.broadcast %mul3A_402 : f32 to vector<16xf32>
        %mul3A_404 = arith.mulf %select_n3A_341, %mul3A_403 : vector<16xf32>
        %mul3A_405 = arith.constant 0.984807729 : f32
        %mul3A_406 = vector.broadcast %mul3A_405 : f32 to vector<16xf32>
        %mul3A_407 = arith.mulf %select_n3A_345, %mul3A_406 : vector<16xf32>
        %sub3A_408 = arith.subf %mul3A_404, %mul3A_407 : vector<16xf32>
        %ge3A_409 = arith.constant 0.000000e+00 : f32
        %ge3A_410 = vector.broadcast %ge3A_409 : f32 to vector<16xf32>
        %ge3A_411 = arith.cmpf oge, %sub3A_408, %ge3A_410 : vector<16xf32>
        %select_n3A_412 = arith.select %ge3A_411, %broadcast_in_dim3A_58, %broadcast_in_dim3A_60 : vector<16xi1>, vector<16xi32>
        %add3A_413 = arith.addi %add3A_401, %select_n3A_412 : vector<16xi32>
        %add3A_414 = arith.addf %mul3A_404, %mul3A_407 : vector<16xf32>
        %le3A_415 = arith.constant 0.000000e+00 : f32
        %le3A_416 = vector.broadcast %le3A_415 : f32 to vector<16xf32>
        %le3A_417 = arith.cmpf ole, %add3A_414, %le3A_416 : vector<16xf32>
        %select_n3A_418 = arith.select %le3A_417, %broadcast_in_dim3A_58, %broadcast_in_dim3A_60 : vector<16xi1>, vector<16xi32>
        %add3A_419 = arith.addi %add3A_413, %select_n3A_418 : vector<16xi32>
        %add3A_420 = vector.broadcast %mul3A_270 : i32 to vector<16xi32>
        %add3A_421 = arith.addi %add3A_420, %iota3A : vector<16xi32>
        %shift_right_arithmetic3A_422 = arith.constant 3 : i32
        %shift_right_arithmetic3A_423 = vector.broadcast %shift_right_arithmetic3A_422 : i32 to vector<16xi32>
        %shift_right_arithmetic3A_424 = arith.shrsi %add3A_421, %shift_right_arithmetic3A_423 : vector<16xi32>
        %add3A_425 = vector.broadcast %mul3A_91 : i32 to vector<16xi32>
        %add3A_426 = arith.addi %add3A_425, %shift_right_arithmetic3A_424 : vector<16xi32>
        %mul3A_427 = arith.constant 784 : i32
        %mul3A_428 = vector.broadcast %mul3A_427 : i32 to vector<16xi32>
        %mul3A_429 = arith.muli %add3A_419, %mul3A_428 : vector<16xi32>
        %add3A_430 = arith.addi %mul3A_429, %add3A_426 : vector<16xi32>
        tpu.vector_store_idx %arg8[%add3A_430], %mul3A_326 {add = true} : memref<7056xf32, #tpu.memory_space<vmem>>[vector<16xi32>], vector<16xf32>,
        %scan3A_431 = arith.constant 0 : i32
        scf.yield %scan3A_431 : i32
      }
      %scan3A_106 = arith.constant 14 : i32
      %scan3A_107 = arith.constant 0 : i32
      scf.yield %scan3A_107 : i32
    }
    %scan3A_67 = arith.constant 224 : i32
    %scan3A_68 = arith.constant 0 : i32
    %scan3A_69 = arith.constant 0 : i32
    %scan3A_70 = arith.constant 49 : i32
    %scan3A_71 = arith.addi %scan3A_69, %scan3A_70 : i32
    %scan3A_72 = arith.constant 1 : i32
    %scan3A_73 = scf.for %scan3A_75 = %scan3A_69 to %scan3A_71 step %scan3A_72 iter_args(%scan3A_76 = %scan3A_68) -> (i32)  : i32 {
      %mul3A_77 = arith.constant 16 : i32
      %mul3A_78 = arith.muli %scan3A_75, %mul3A_77 : i32
      %mul3A_79 = arith.constant 16 : i32
      %mul3A_80 = arith.muli %scan3A_75, %mul3A_79 : i32
      %add3A_81 = arith.constant 0 : i32
      %add3A_82 = arith.addi %add3A_81, %mul3A_80 : i32
      %get3A = arith.index_cast %add3A_82 : i32 to index
      %get3A_83 = tpu.vector_load %arg8[%get3A] {strides = array<i32>} : memref<7056xf32, #tpu.memory_space<vmem>>, vector<16xf32>,
      %mul3A_84 = arith.constant 16 : i32
      %mul3A_85 = arith.muli %scan3A_75, %mul3A_84 : i32
      %add3A_86 = arith.constant 784 : i32
      %add3A_87 = arith.addi %add3A_86, %mul3A_85 : i32
      %get3A_88 = arith.index_cast %add3A_87 : i32 to index
      %get3A_89 = tpu.vector_load %arg8[%get3A_88] {strides = array<i32>} : memref<7056xf32, #tpu.memory_space<vmem>>, vector<16xf32>,
      %mul3A_90 = arith.constant 16 : i32
      %mul3A_91 = arith.muli %scan3A_75, %mul3A_90 : i32
      %add3A_92 = arith.constant 1568 : i32
      %add3A_93 = arith.addi %add3A_92, %mul3A_91 : i32
      %get3A_94 = arith.index_cast %add3A_93 : i32 to index
      %get3A_95 = tpu.vector_load %arg8[%get3A_94] {strides = array<i32>} : memref<7056xf32, #tpu.memory_space<vmem>>, vector<16xf32>,
      %mul3A_96 = arith.constant 16 : i32
      %mul3A_97 = arith.muli %scan3A_75, %mul3A_96 : i32
      %add3A_98 = arith.constant 2352 : i32
      %add3A_99 = arith.addi %add3A_98, %mul3A_97 : i32
      %get3A_100 = arith.index_cast %add3A_99 : i32 to index
      %get3A_101 = tpu.vector_load %arg8[%get3A_100] {strides = array<i32>} : memref<7056xf32, #tpu.memory_space<vmem>>, vector<16xf32>,
      %mul3A_102 = arith.constant 16 : i32
      %mul3A_103 = arith.muli %scan3A_75, %mul3A_102 : i32
      %add3A_104 = arith.constant 3136 : i32
      %add3A_105 = arith.addi %add3A_104, %mul3A_103 : i32
      %get3A_106 = arith.index_cast %add3A_105 : i32 to index
      %get3A_107 = tpu.vector_load %arg8[%get3A_106] {strides = array<i32>} : memref<7056xf32, #tpu.memory_space<vmem>>, vector<16xf32>,
      %mul3A_108 = arith.constant 16 : i32
      %mul3A_109 = arith.muli %scan3A_75, %mul3A_108 : i32
      %add3A_110 = arith.constant 3920 : i32
      %add3A_111 = arith.addi %add3A_110, %mul3A_109 : i32
      %get3A_112 = arith.index_cast %add3A_111 : i32 to index
      %get3A_113 = tpu.vector_load %arg8[%get3A_112] {strides = array<i32>} : memref<7056xf32, #tpu.memory_space<vmem>>, vector<16xf32>,
      %mul3A_114 = arith.constant 16 : i32
      %mul3A_115 = arith.muli %scan3A_75, %mul3A_114 : i32
      %add3A_116 = arith.constant 4704 : i32
      %add3A_117 = arith.addi %add3A_116, %mul3A_115 : i32
      %get3A_118 = arith.index_cast %add3A_117 : i32 to index
      %get3A_119 = tpu.vector_load %arg8[%get3A_118] {strides = array<i32>} : memref<7056xf32, #tpu.memory_space<vmem>>, vector<16xf32>,
      %mul3A_120 = arith.constant 16 : i32
      %mul3A_121 = arith.muli %scan3A_75, %mul3A_120 : i32
      %add3A_122 = arith.constant 5488 : i32
      %add3A_123 = arith.addi %add3A_122, %mul3A_121 : i32
      %get3A_124 = arith.index_cast %add3A_123 : i32 to index
      %get3A_125 = tpu.vector_load %arg8[%get3A_124] {strides = array<i32>} : memref<7056xf32, #tpu.memory_space<vmem>>, vector<16xf32>,
      %mul3A_126 = arith.constant 16 : i32
      %mul3A_127 = arith.muli %scan3A_75, %mul3A_126 : i32
      %add3A_128 = arith.constant 6272 : i32
      %add3A_129 = arith.addi %add3A_128, %mul3A_127 : i32
      %get3A_130 = arith.index_cast %add3A_129 : i32 to index
      %get3A_131 = tpu.vector_load %arg8[%get3A_130] {strides = array<i32>} : memref<7056xf32, #tpu.memory_space<vmem>>, vector<16xf32>,
      %mul3A_132 = arith.mulf %get3A_83, %get3A_83 : vector<16xf32>
      %add3A_133 = arith.addf %broadcast_in_dim3A_1, %mul3A_132 : vector<16xf32>
      %mul3A_134 = arith.mulf %get3A_89, %get3A_89 : vector<16xf32>
      %add3A_135 = arith.addf %add3A_133, %mul3A_134 : vector<16xf32>
      %mul3A_136 = arith.mulf %get3A_95, %get3A_95 : vector<16xf32>
      %add3A_137 = arith.addf %add3A_135, %mul3A_136 : vector<16xf32>
      %mul3A_138 = arith.mulf %get3A_101, %get3A_101 : vector<16xf32>
      %add3A_139 = arith.addf %add3A_137, %mul3A_138 : vector<16xf32>
      %mul3A_140 = arith.mulf %get3A_107, %get3A_107 : vector<16xf32>
      %add3A_141 = arith.addf %add3A_139, %mul3A_140 : vector<16xf32>
      %mul3A_142 = arith.mulf %get3A_113, %get3A_113 : vector<16xf32>
      %add3A_143 = arith.addf %add3A_141, %mul3A_142 : vector<16xf32>
      %mul3A_144 = arith.mulf %get3A_119, %get3A_119 : vector<16xf32>
      %add3A_145 = arith.addf %add3A_143, %mul3A_144 : vector<16xf32>
      %mul3A_146 = arith.mulf %get3A_125, %get3A_125 : vector<16xf32>
      %add3A_147 = arith.addf %add3A_145, %mul3A_146 : vector<16xf32>
      %mul3A_148 = arith.mulf %get3A_131, %get3A_131 : vector<16xf32>
      %add3A_149 = arith.addf %add3A_147, %mul3A_148 : vector<16xf32>
      %bitcast3A = vector.bitcast %add3A_149 : vector<16xf32> to vector<16xi32>
      %shift_right_arithmetic3A = arith.constant 1 : i32
      %shift_right_arithmetic3A_150 = vector.broadcast %shift_right_arithmetic3A : i32 to vector<16xi32>
      %shift_right_arithmetic3A_151 = arith.shrsi %bitcast3A, %shift_right_arithmetic3A_150 : vector<16xi32>
      %sub3A = arith.constant 1597463007 : i32
      %sub3A_152 = vector.broadcast %sub3A : i32 to vector<16xi32>
      %sub3A_153 = arith.subi %sub3A_152, %shift_right_arithmetic3A_151 : vector<16xi32>
      %bitcast3A_154 = vector.bitcast %sub3A_153 : vector<16xi32> to vector<16xf32>
      %mul3A_155 = arith.constant 5.000000e-01 : f32
      %mul3A_156 = vector.broadcast %mul3A_155 : f32 to vector<16xf32>
      %mul3A_157 = arith.mulf %mul3A_156, %add3A_149 : vector<16xf32>
      %mul3A_158 = arith.mulf %mul3A_157, %bitcast3A_154 : vector<16xf32>
      %mul3A_159 = arith.mulf %mul3A_158, %bitcast3A_154 : vector<16xf32>
      %sub3A_160 = arith.constant 1.500000e+00 : f32
      %sub3A_161 = vector.broadcast %sub3A_160 : f32 to vector<16xf32>
      %sub3A_162 = arith.subf %sub3A_161, %mul3A_159 : vector<16xf32>
      %mul3A_163 = arith.mulf %bitcast3A_154, %sub3A_162 : vector<16xf32>
      %mul3A_164 = arith.constant 5.000000e-01 : f32
      %mul3A_165 = vector.broadcast %mul3A_164 : f32 to vector<16xf32>
      %mul3A_166 = arith.mulf %mul3A_165, %add3A_149 : vector<16xf32>
      %mul3A_167 = arith.mulf %mul3A_166, %mul3A_163 : vector<16xf32>
      %mul3A_168 = arith.mulf %mul3A_167, %mul3A_163 : vector<16xf32>
      %sub3A_169 = arith.constant 1.500000e+00 : f32
      %sub3A_170 = vector.broadcast %sub3A_169 : f32 to vector<16xf32>
      %sub3A_171 = arith.subf %sub3A_170, %mul3A_168 : vector<16xf32>
      %mul3A_172 = arith.mulf %mul3A_163, %sub3A_171 : vector<16xf32>
      %get3A_173 = arith.index_cast %mul3A_78 : i32 to index
      %get3A_174 = tpu.vector_load %arg12[%get3A_173] {strides = array<i32>} : memref<784xi32, #tpu.memory_space<vmem>>, vector<16xi32>,
      %add3A_175 = arith.constant 0 : i32
      %add3A_176 = vector.broadcast %add3A_175 : i32 to vector<16xi32>
      %add3A_177 = arith.addi %get3A_174, %add3A_176 : vector<16xi32>
      %mul3A_178 = arith.mulf %get3A_83, %mul3A_172 : vector<16xf32>
      tpu.vector_store_idx %arg13[%add3A_177], %mul3A_178 : memref<7056xf32, #tpu.memory_space<vmem>>[vector<16xi32>], vector<16xf32>,
      %add3A_179 = arith.constant 4 : i32
      %add3A_180 = vector.broadcast %add3A_179 : i32 to vector<16xi32>
      %add3A_181 = arith.addi %get3A_174, %add3A_180 : vector<16xi32>
      %mul3A_182 = arith.mulf %get3A_89, %mul3A_172 : vector<16xf32>
      tpu.vector_store_idx %arg13[%add3A_181], %mul3A_182 : memref<7056xf32, #tpu.memory_space<vmem>>[vector<16xi32>], vector<16xf32>,
      %add3A_183 = arith.constant 8 : i32
      %add3A_184 = vector.broadcast %add3A_183 : i32 to vector<16xi32>
      %add3A_185 = arith.addi %get3A_174, %add3A_184 : vector<16xi32>
      %mul3A_186 = arith.mulf %get3A_95, %mul3A_172 : vector<16xf32>
      tpu.vector_store_idx %arg13[%add3A_185], %mul3A_186 : memref<7056xf32, #tpu.memory_space<vmem>>[vector<16xi32>], vector<16xf32>,
      %add3A_187 = arith.constant 12 : i32
      %add3A_188 = vector.broadcast %add3A_187 : i32 to vector<16xi32>
      %add3A_189 = arith.addi %get3A_174, %add3A_188 : vector<16xi32>
      %mul3A_190 = arith.mulf %get3A_101, %mul3A_172 : vector<16xf32>
      tpu.vector_store_idx %arg13[%add3A_189], %mul3A_190 : memref<7056xf32, #tpu.memory_space<vmem>>[vector<16xi32>], vector<16xf32>,
      %add3A_191 = arith.constant 16 : i32
      %add3A_192 = vector.broadcast %add3A_191 : i32 to vector<16xi32>
      %add3A_193 = arith.addi %get3A_174, %add3A_192 : vector<16xi32>
      %mul3A_194 = arith.mulf %get3A_107, %mul3A_172 : vector<16xf32>
      tpu.vector_store_idx %arg13[%add3A_193], %mul3A_194 : memref<7056xf32, #tpu.memory_space<vmem>>[vector<16xi32>], vector<16xf32>,
      %add3A_195 = arith.constant 20 : i32
      %add3A_196 = vector.broadcast %add3A_195 : i32 to vector<16xi32>
      %add3A_197 = arith.addi %get3A_174, %add3A_196 : vector<16xi32>
      %mul3A_198 = arith.mulf %get3A_113, %mul3A_172 : vector<16xf32>
      tpu.vector_store_idx %arg13[%add3A_197], %mul3A_198 : memref<7056xf32, #tpu.memory_space<vmem>>[vector<16xi32>], vector<16xf32>,
      %add3A_199 = arith.constant 24 : i32
      %add3A_200 = vector.broadcast %add3A_199 : i32 to vector<16xi32>
      %add3A_201 = arith.addi %get3A_174, %add3A_200 : vector<16xi32>
      %mul3A_202 = arith.mulf %get3A_119, %mul3A_172 : vector<16xf32>
      tpu.vector_store_idx %arg13[%add3A_201], %mul3A_202 : memref<7056xf32, #tpu.memory_space<vmem>>[vector<16xi32>], vector<16xf32>,
      %add3A_203 = arith.constant 28 : i32
      %add3A_204 = vector.broadcast %add3A_203 : i32 to vector<16xi32>
      %add3A_205 = arith.addi %get3A_174, %add3A_204 : vector<16xi32>
      %mul3A_206 = arith.mulf %get3A_125, %mul3A_172 : vector<16xf32>
      tpu.vector_store_idx %arg13[%add3A_205], %mul3A_206 : memref<7056xf32, #tpu.memory_space<vmem>>[vector<16xi32>], vector<16xf32>,
      %add3A_207 = arith.constant 32 : i32
      %add3A_208 = vector.broadcast %add3A_207 : i32 to vector<16xi32>
      %add3A_209 = arith.addi %get3A_174, %add3A_208 : vector<16xi32>
      %mul3A_210 = arith.mulf %get3A_131, %mul3A_172 : vector<16xf32>
      tpu.vector_store_idx %arg13[%add3A_209], %mul3A_210 : memref<7056xf32, #tpu.memory_space<vmem>>[vector<16xi32>], vector<16xf32>,
      %scan3A_211 = arith.constant 0 : i32
      scf.yield %scan3A_211 : i32
    }
    %scan3A_74 = arith.constant 49 : i32
    "tpu.region"() ({
      %run_scoped3A_75 = tpu.sem_alloc : memref<!tpu.dma_semaphore, #tpu.memory_space<semaphore_mem>>
      %dma_start3A = arith.constant 0 : i32
      %dma_start3A_76 = tpu.memref_slice %arg5[%add3A, %dma_start3A] : memref<32x7056xf32, #tpu.memory_space<hbm>> -> memref<1x7056xf32, #tpu.memory_space<hbm>>
      %dma_start3A_77 = tpu.memref_squeeze %dma_start3A_76 : memref<1x7056xf32, #tpu.memory_space<hbm>> -> memref<7056xf32, #tpu.memory_space<hbm>>
      %dma_start3A_78 = arith.constant 0 : i32
      %dma_start3A_79 = tpu.memref_slice %arg5[%add3A, %dma_start3A_78] : memref<32x7056xf32, #tpu.memory_space<hbm>> -> memref<1x7056xf32, #tpu.memory_space<hbm>>
      %dma_start3A_80 = tpu.memref_squeeze %dma_start3A_79 : memref<1x7056xf32, #tpu.memory_space<hbm>> -> memref<7056xf32, #tpu.memory_space<hbm>>
      tpu.enqueue_dma source(%arg13 : memref<7056xf32, #tpu.memory_space<vmem>>) target(%dma_start3A_80 : memref<7056xf32, #tpu.memory_space<hbm>>) target_semaphore(%run_scoped3A_75 : memref<!tpu.dma_semaphore, #tpu.memory_space<semaphore_mem>>)
      %dma_wait3A = arith.constant 0 : i32
      %dma_wait3A_81 = tpu.memref_slice %arg5[%add3A, %dma_wait3A] : memref<32x7056xf32, #tpu.memory_space<hbm>> -> memref<1x7056xf32, #tpu.memory_space<hbm>>
      %dma_wait3A_82 = tpu.memref_squeeze %dma_wait3A_81 : memref<1x7056xf32, #tpu.memory_space<hbm>> -> memref<7056xf32, #tpu.memory_space<hbm>>
      %dma_wait3A_83 = arith.constant 0 : i32
      %dma_wait3A_84 = tpu.memref_slice %arg5[%add3A, %dma_wait3A_83] : memref<32x7056xf32, #tpu.memory_space<hbm>> -> memref<1x7056xf32, #tpu.memory_space<hbm>>
      %dma_wait3A_85 = tpu.memref_squeeze %dma_wait3A_84 : memref<1x7056xf32, #tpu.memory_space<hbm>> -> memref<7056xf32, #tpu.memory_space<hbm>>
      tpu.wait_dma2 semaphore(%run_scoped3A_75 : memref<!tpu.dma_semaphore, #tpu.memory_space<semaphore_mem>>) src(%arg13 : memref<7056xf32, #tpu.memory_space<vmem>>) dst(%dma_wait3A_85 : memref<7056xf32, #tpu.memory_space<hbm>>)
      tpu.yield
    }) : () -> ()
    return
  }
}

module attributes {stable_mosaic.version = 14 : i64} {
  func.func @_tc_body(%arg0: i32, %arg1: memref<1x3x224x224xf32, #tpu.memory_space<vmem>>, %arg2: memref<224x224xf32, #tpu.memory_space<vmem>>, %arg3: memref<28x224xf32, #tpu.memory_space<vmem>>, %arg4: memref<1x9x28x28xf32, #tpu.memory_space<vmem>>) attributes {dimension_semantics = [#tpu.dimension_semantics<arbitrary>], iteration_bounds = array<i64: 32>, scalar_prefetch = 0 : i64, scratch_operands = 0 : i64, tpu.core_type = #tpu.core_type<tc>, window_params = [{transform_indices = @transform_0, window_bounds = array<i64: 1, 3, 224, 224>}, {pipeline_mode = #tpu.pipeline_mode<synchronous>, transform_indices = @transform_1, window_bounds = array<i64: 224, 224>}, {pipeline_mode = #tpu.pipeline_mode<synchronous>, transform_indices = @transform_2, window_bounds = array<i64: 28, 224>}, {transform_indices = @transform_3, window_bounds = array<i64: 1, 9, 28, 28>}]} {
    %get3A = arith.constant 0 : index
    %get3A_0 = arith.constant 0 : index
    %get3A_1 = arith.constant 0 : index
    %get3A_2 = arith.constant 0 : index
    %get3A_3 = vector.load %arg1[%get3A, %get3A_0, %get3A_1, %get3A_2] : memref<1x3x224x224xf32, #tpu.memory_space<vmem>>, vector<1x1x224x224xf32>
    %get3A_4 = vector.shape_cast %get3A_3 : vector<1x1x224x224xf32> to vector<224x224xf32>
    %convert_element_type3A = arith.truncf %get3A_4 : vector<224x224xf32> to vector<224x224xbf16>
    %convert_element_type3A_5 = arith.extf %convert_element_type3A : vector<224x224xbf16> to vector<224x224xf32>
    %get3A_6 = arith.constant 0 : index
    %get3A_7 = arith.constant 1 : index
    %get3A_8 = arith.constant 0 : index
    %get3A_9 = arith.constant 0 : index
    %get3A_10 = vector.load %arg1[%get3A_6, %get3A_7, %get3A_8, %get3A_9] : memref<1x3x224x224xf32, #tpu.memory_space<vmem>>, vector<1x1x224x224xf32>
    %get3A_11 = vector.shape_cast %get3A_10 : vector<1x1x224x224xf32> to vector<224x224xf32>
    %convert_element_type3A_12 = arith.truncf %get3A_11 : vector<224x224xf32> to vector<224x224xbf16>
    %convert_element_type3A_13 = arith.extf %convert_element_type3A_12 : vector<224x224xbf16> to vector<224x224xf32>
    %get3A_14 = arith.constant 0 : index
    %get3A_15 = arith.constant 2 : index
    %get3A_16 = arith.constant 0 : index
    %get3A_17 = arith.constant 0 : index
    %get3A_18 = vector.load %arg1[%get3A_14, %get3A_15, %get3A_16, %get3A_17] : memref<1x3x224x224xf32, #tpu.memory_space<vmem>>, vector<1x1x224x224xf32>
    %get3A_19 = vector.shape_cast %get3A_18 : vector<1x1x224x224xf32> to vector<224x224xf32>
    %convert_element_type3A_20 = arith.truncf %get3A_19 : vector<224x224xf32> to vector<224x224xbf16>
    %convert_element_type3A_21 = arith.extf %convert_element_type3A_20 : vector<224x224xbf16> to vector<224x224xf32>
    %add3A = arith.addf %convert_element_type3A_5, %convert_element_type3A_13 : vector<224x224xf32>
    %add3A_22 = arith.addf %add3A, %convert_element_type3A_21 : vector<224x224xf32>
    %slice3A = vector.extract_strided_slice %add3A_22 {offsets = [1, 0], sizes = [1, 224], strides = [1, 1]} : vector<224x224xf32> to vector<1x224xf32>
    %slice3A_23 = vector.extract_strided_slice %add3A_22 {offsets = [222, 0], sizes = [1, 224], strides = [1, 1]} : vector<224x224xf32> to vector<1x224xf32>
    %concatenate3A = tpu.concatenate %slice3A, %add3A_22, %slice3A_23 in 0 : vector<1x224xf32>, vector<224x224xf32>, vector<1x224xf32> -> vector<226x224xf32>
    %slice3A_24 = vector.extract_strided_slice %concatenate3A {offsets = [0, 1], sizes = [226, 1], strides = [1, 1]} : vector<226x224xf32> to vector<226x1xf32>
    %slice3A_25 = vector.extract_strided_slice %concatenate3A {offsets = [0, 222], sizes = [226, 1], strides = [1, 1]} : vector<226x224xf32> to vector<226x1xf32>
    %concatenate3A_26 = tpu.concatenate %slice3A_24, %concatenate3A, %slice3A_25 in 1 : vector<226x1xf32>, vector<226x224xf32>, vector<226x1xf32> -> vector<226x226xf32>
    %slice3A_27 = vector.extract_strided_slice %concatenate3A_26 {offsets = [0, 0], sizes = [224, 226], strides = [1, 1]} : vector<226x226xf32> to vector<224x226xf32>
    %slice3A_28 = vector.extract_strided_slice %concatenate3A_26 {offsets = [1, 0], sizes = [224, 226], strides = [1, 1]} : vector<226x226xf32> to vector<224x226xf32>
    %mul3A = arith.constant 2.000000e+00 : f32
    %mul3A_29 = vector.broadcast %mul3A : f32 to vector<224x226xf32>
    %mul3A_30 = arith.mulf %mul3A_29, %slice3A_28 : vector<224x226xf32>
    %add3A_31 = arith.addf %slice3A_27, %mul3A_30 : vector<224x226xf32>
    %slice3A_32 = vector.extract_strided_slice %concatenate3A_26 {offsets = [2, 0], sizes = [224, 226], strides = [1, 1]} : vector<226x226xf32> to vector<224x226xf32>
    %add3A_33 = arith.addf %add3A_31, %slice3A_32 : vector<224x226xf32>
    %slice3A_34 = vector.extract_strided_slice %concatenate3A_26 {offsets = [0, 0], sizes = [224, 226], strides = [1, 1]} : vector<226x226xf32> to vector<224x226xf32>
    %slice3A_35 = vector.extract_strided_slice %concatenate3A_26 {offsets = [2, 0], sizes = [224, 226], strides = [1, 1]} : vector<226x226xf32> to vector<224x226xf32>
    %sub3A = arith.subf %slice3A_34, %slice3A_35 : vector<224x226xf32>
    %slice3A_36 = vector.extract_strided_slice %add3A_33 {offsets = [0, 0], sizes = [224, 224], strides = [1, 1]} : vector<224x226xf32> to vector<224x224xf32>
    %slice3A_37 = vector.extract_strided_slice %add3A_33 {offsets = [0, 2], sizes = [224, 224], strides = [1, 1]} : vector<224x226xf32> to vector<224x224xf32>
    %sub3A_38 = arith.subf %slice3A_36, %slice3A_37 : vector<224x224xf32>
    %slice3A_39 = vector.extract_strided_slice %sub3A {offsets = [0, 0], sizes = [224, 224], strides = [1, 1]} : vector<224x226xf32> to vector<224x224xf32>
    %slice3A_40 = vector.extract_strided_slice %sub3A {offsets = [0, 1], sizes = [224, 224], strides = [1, 1]} : vector<224x226xf32> to vector<224x224xf32>
    %mul3A_41 = arith.constant 2.000000e+00 : f32
    %mul3A_42 = vector.broadcast %mul3A_41 : f32 to vector<224x224xf32>
    %mul3A_43 = arith.mulf %mul3A_42, %slice3A_40 : vector<224x224xf32>
    %add3A_44 = arith.addf %slice3A_39, %mul3A_43 : vector<224x224xf32>
    %slice3A_45 = vector.extract_strided_slice %sub3A {offsets = [0, 2], sizes = [224, 224], strides = [1, 1]} : vector<224x226xf32> to vector<224x224xf32>
    %add3A_46 = arith.addf %add3A_44, %slice3A_45 : vector<224x224xf32>
    %mul3A_47 = arith.mulf %sub3A_38, %sub3A_38 : vector<224x224xf32>
    %mul3A_48 = arith.mulf %add3A_46, %add3A_46 : vector<224x224xf32>
    %add3A_49 = arith.addf %mul3A_47, %mul3A_48 : vector<224x224xf32>
    %sqrt3A = math.sqrt %add3A_49 : vector<224x224xf32>
    %get3A_50 = arith.constant 0 : index
    %get3A_51 = arith.constant 0 : index
    %get3A_52 = vector.load %arg2[%get3A_50, %get3A_51] : memref<224x224xf32, #tpu.memory_space<vmem>>, vector<224x224xf32>
    %mul3A_53 = arith.mulf %sqrt3A, %get3A_52 : vector<224x224xf32>
    %lt3A = arith.constant 0.000000e+00 : f32
    %lt3A_54 = vector.broadcast %lt3A : f32 to vector<224x224xf32>
    %lt3A_55 = arith.cmpf olt, %sub3A_38, %lt3A_54 : vector<224x224xf32>
    %eq3A = arith.constant 0.000000e+00 : f32
    %eq3A_56 = vector.broadcast %eq3A : f32 to vector<224x224xf32>
    %eq3A_57 = arith.cmpf oeq, %sub3A_38, %eq3A_56 : vector<224x224xf32>
    %lt3A_58 = arith.constant 0.000000e+00 : f32
    %lt3A_59 = vector.broadcast %lt3A_58 : f32 to vector<224x224xf32>
    %lt3A_60 = arith.cmpf olt, %add3A_46, %lt3A_59 : vector<224x224xf32>
    %and3A = arith.andi %eq3A_57, %lt3A_60 : vector<224x224xi1>
    %or3A = arith.ori %lt3A_55, %and3A : vector<224x224xi1>
    %neg3A = arith.constant 0.000000e+00 : f32
    %neg3A_61 = vector.broadcast %neg3A : f32 to vector<224x224xf32>
    %neg3A_62 = arith.subf %neg3A_61, %sub3A_38 : vector<224x224xf32>
    %select_n3A = arith.select %or3A, %neg3A_62, %sub3A_38 : vector<224x224xi1>, vector<224x224xf32>
    %neg3A_63 = arith.constant 0.000000e+00 : f32
    %neg3A_64 = vector.broadcast %neg3A_63 : f32 to vector<224x224xf32>
    %neg3A_65 = arith.subf %neg3A_64, %add3A_46 : vector<224x224xf32>
    %select_n3A_66 = arith.select %or3A, %neg3A_65, %add3A_46 : vector<224x224xi1>, vector<224x224xf32>
    %broadcast_in_dim3A = arith.constant 0 : i32
    %broadcast_in_dim3A_67 = vector.broadcast %broadcast_in_dim3A : i32 to vector<224x224xi32>
    %mul3A_68 = arith.constant 0.939692616 : f32
    %mul3A_69 = vector.broadcast %mul3A_68 : f32 to vector<224x224xf32>
    %mul3A_70 = arith.mulf %select_n3A, %mul3A_69 : vector<224x224xf32>
    %mul3A_71 = arith.constant 0.342020154 : f32
    %mul3A_72 = vector.broadcast %mul3A_71 : f32 to vector<224x224xf32>
    %mul3A_73 = arith.mulf %select_n3A_66, %mul3A_72 : vector<224x224xf32>
    %sub3A_74 = arith.subf %mul3A_70, %mul3A_73 : vector<224x224xf32>
    %ge3A = arith.constant 0.000000e+00 : f32
    %ge3A_75 = vector.broadcast %ge3A : f32 to vector<224x224xf32>
    %ge3A_76 = arith.cmpf oge, %sub3A_74, %ge3A_75 : vector<224x224xf32>
    %jit3A = arith.constant 1 : i32
    %jit3A_77 = arith.constant 0 : i32
    %broadcast_in_dim3A_78 = vector.broadcast %jit3A : i32 to vector<224x224xi32>
    %broadcast_in_dim3A_79 = vector.broadcast %jit3A_77 : i32 to vector<224x224xi32>
    %select_n3A_80 = arith.select %ge3A_76, %broadcast_in_dim3A_78, %broadcast_in_dim3A_79 : vector<224x224xi1>, vector<224x224xi32>
    %add3A_81 = arith.addi %broadcast_in_dim3A_67, %select_n3A_80 : vector<224x224xi32>
    %mul3A_82 = arith.constant 0.766044437 : f32
    %mul3A_83 = vector.broadcast %mul3A_82 : f32 to vector<224x224xf32>
    %mul3A_84 = arith.mulf %select_n3A, %mul3A_83 : vector<224x224xf32>
    %mul3A_85 = arith.constant 0.642787635 : f32
    %mul3A_86 = vector.broadcast %mul3A_85 : f32 to vector<224x224xf32>
    %mul3A_87 = arith.mulf %select_n3A_66, %mul3A_86 : vector<224x224xf32>
    %sub3A_88 = arith.subf %mul3A_84, %mul3A_87 : vector<224x224xf32>
    %ge3A_89 = arith.constant 0.000000e+00 : f32
    %ge3A_90 = vector.broadcast %ge3A_89 : f32 to vector<224x224xf32>
    %ge3A_91 = arith.cmpf oge, %sub3A_88, %ge3A_90 : vector<224x224xf32>
    %jit3A_92 = arith.constant 1 : i32
    %jit3A_93 = arith.constant 0 : i32
    %broadcast_in_dim3A_94 = vector.broadcast %jit3A_92 : i32 to vector<224x224xi32>
    %broadcast_in_dim3A_95 = vector.broadcast %jit3A_93 : i32 to vector<224x224xi32>
    %select_n3A_96 = arith.select %ge3A_91, %broadcast_in_dim3A_94, %broadcast_in_dim3A_95 : vector<224x224xi1>, vector<224x224xi32>
    %add3A_97 = arith.addi %add3A_81, %select_n3A_96 : vector<224x224xi32>
    %mul3A_98 = arith.constant 5.000000e-01 : f32
    %mul3A_99 = vector.broadcast %mul3A_98 : f32 to vector<224x224xf32>
    %mul3A_100 = arith.mulf %select_n3A, %mul3A_99 : vector<224x224xf32>
    %mul3A_101 = arith.constant 0.866025388 : f32
    %mul3A_102 = vector.broadcast %mul3A_101 : f32 to vector<224x224xf32>
    %mul3A_103 = arith.mulf %select_n3A_66, %mul3A_102 : vector<224x224xf32>
    %sub3A_104 = arith.subf %mul3A_100, %mul3A_103 : vector<224x224xf32>
    %ge3A_105 = arith.constant 0.000000e+00 : f32
    %ge3A_106 = vector.broadcast %ge3A_105 : f32 to vector<224x224xf32>
    %ge3A_107 = arith.cmpf oge, %sub3A_104, %ge3A_106 : vector<224x224xf32>
    %jit3A_108 = arith.constant 1 : i32
    %jit3A_109 = arith.constant 0 : i32
    %broadcast_in_dim3A_110 = vector.broadcast %jit3A_108 : i32 to vector<224x224xi32>
    %broadcast_in_dim3A_111 = vector.broadcast %jit3A_109 : i32 to vector<224x224xi32>
    %select_n3A_112 = arith.select %ge3A_107, %broadcast_in_dim3A_110, %broadcast_in_dim3A_111 : vector<224x224xi1>, vector<224x224xi32>
    %add3A_113 = arith.addi %add3A_97, %select_n3A_112 : vector<224x224xi32>
    %mul3A_114 = arith.constant 0.173648179 : f32
    %mul3A_115 = vector.broadcast %mul3A_114 : f32 to vector<224x224xf32>
    %mul3A_116 = arith.mulf %select_n3A, %mul3A_115 : vector<224x224xf32>
    %mul3A_117 = arith.constant 0.984807729 : f32
    %mul3A_118 = vector.broadcast %mul3A_117 : f32 to vector<224x224xf32>
    %mul3A_119 = arith.mulf %select_n3A_66, %mul3A_118 : vector<224x224xf32>
    %sub3A_120 = arith.subf %mul3A_116, %mul3A_119 : vector<224x224xf32>
    %ge3A_121 = arith.constant 0.000000e+00 : f32
    %ge3A_122 = vector.broadcast %ge3A_121 : f32 to vector<224x224xf32>
    %ge3A_123 = arith.cmpf oge, %sub3A_120, %ge3A_122 : vector<224x224xf32>
    %jit3A_124 = arith.constant 1 : i32
    %jit3A_125 = arith.constant 0 : i32
    %broadcast_in_dim3A_126 = vector.broadcast %jit3A_124 : i32 to vector<224x224xi32>
    %broadcast_in_dim3A_127 = vector.broadcast %jit3A_125 : i32 to vector<224x224xi32>
    %select_n3A_128 = arith.select %ge3A_123, %broadcast_in_dim3A_126, %broadcast_in_dim3A_127 : vector<224x224xi1>, vector<224x224xi32>
    %add3A_129 = arith.addi %add3A_113, %select_n3A_128 : vector<224x224xi32>
    %mul3A_130 = arith.constant -0.173648179 : f32
    %mul3A_131 = vector.broadcast %mul3A_130 : f32 to vector<224x224xf32>
    %mul3A_132 = arith.mulf %select_n3A, %mul3A_131 : vector<224x224xf32>
    %mul3A_133 = arith.constant 0.984807729 : f32
    %mul3A_134 = vector.broadcast %mul3A_133 : f32 to vector<224x224xf32>
    %mul3A_135 = arith.mulf %select_n3A_66, %mul3A_134 : vector<224x224xf32>
    %sub3A_136 = arith.subf %mul3A_132, %mul3A_135 : vector<224x224xf32>
    %ge3A_137 = arith.constant 0.000000e+00 : f32
    %ge3A_138 = vector.broadcast %ge3A_137 : f32 to vector<224x224xf32>
    %ge3A_139 = arith.cmpf oge, %sub3A_136, %ge3A_138 : vector<224x224xf32>
    %jit3A_140 = arith.constant 1 : i32
    %jit3A_141 = arith.constant 0 : i32
    %broadcast_in_dim3A_142 = vector.broadcast %jit3A_140 : i32 to vector<224x224xi32>
    %broadcast_in_dim3A_143 = vector.broadcast %jit3A_141 : i32 to vector<224x224xi32>
    %select_n3A_144 = arith.select %ge3A_139, %broadcast_in_dim3A_142, %broadcast_in_dim3A_143 : vector<224x224xi1>, vector<224x224xi32>
    %add3A_145 = arith.addi %add3A_129, %select_n3A_144 : vector<224x224xi32>
    %mul3A_146 = arith.constant -5.000000e-01 : f32
    %mul3A_147 = vector.broadcast %mul3A_146 : f32 to vector<224x224xf32>
    %mul3A_148 = arith.mulf %select_n3A, %mul3A_147 : vector<224x224xf32>
    %mul3A_149 = arith.constant 0.866025388 : f32
    %mul3A_150 = vector.broadcast %mul3A_149 : f32 to vector<224x224xf32>
    %mul3A_151 = arith.mulf %select_n3A_66, %mul3A_150 : vector<224x224xf32>
    %sub3A_152 = arith.subf %mul3A_148, %mul3A_151 : vector<224x224xf32>
    %ge3A_153 = arith.constant 0.000000e+00 : f32
    %ge3A_154 = vector.broadcast %ge3A_153 : f32 to vector<224x224xf32>
    %ge3A_155 = arith.cmpf oge, %sub3A_152, %ge3A_154 : vector<224x224xf32>
    %jit3A_156 = arith.constant 1 : i32
    %jit3A_157 = arith.constant 0 : i32
    %broadcast_in_dim3A_158 = vector.broadcast %jit3A_156 : i32 to vector<224x224xi32>
    %broadcast_in_dim3A_159 = vector.broadcast %jit3A_157 : i32 to vector<224x224xi32>
    %select_n3A_160 = arith.select %ge3A_155, %broadcast_in_dim3A_158, %broadcast_in_dim3A_159 : vector<224x224xi1>, vector<224x224xi32>
    %add3A_161 = arith.addi %add3A_145, %select_n3A_160 : vector<224x224xi32>
    %mul3A_162 = arith.constant -0.766044437 : f32
    %mul3A_163 = vector.broadcast %mul3A_162 : f32 to vector<224x224xf32>
    %mul3A_164 = arith.mulf %select_n3A, %mul3A_163 : vector<224x224xf32>
    %mul3A_165 = arith.constant 0.642787635 : f32
    %mul3A_166 = vector.broadcast %mul3A_165 : f32 to vector<224x224xf32>
    %mul3A_167 = arith.mulf %select_n3A_66, %mul3A_166 : vector<224x224xf32>
    %sub3A_168 = arith.subf %mul3A_164, %mul3A_167 : vector<224x224xf32>
    %ge3A_169 = arith.constant 0.000000e+00 : f32
    %ge3A_170 = vector.broadcast %ge3A_169 : f32 to vector<224x224xf32>
    %ge3A_171 = arith.cmpf oge, %sub3A_168, %ge3A_170 : vector<224x224xf32>
    %jit3A_172 = arith.constant 1 : i32
    %jit3A_173 = arith.constant 0 : i32
    %broadcast_in_dim3A_174 = vector.broadcast %jit3A_172 : i32 to vector<224x224xi32>
    %broadcast_in_dim3A_175 = vector.broadcast %jit3A_173 : i32 to vector<224x224xi32>
    %select_n3A_176 = arith.select %ge3A_171, %broadcast_in_dim3A_174, %broadcast_in_dim3A_175 : vector<224x224xi1>, vector<224x224xi32>
    %add3A_177 = arith.addi %add3A_161, %select_n3A_176 : vector<224x224xi32>
    %mul3A_178 = arith.constant -0.939692616 : f32
    %mul3A_179 = vector.broadcast %mul3A_178 : f32 to vector<224x224xf32>
    %mul3A_180 = arith.mulf %select_n3A, %mul3A_179 : vector<224x224xf32>
    %mul3A_181 = arith.constant 0.342020154 : f32
    %mul3A_182 = vector.broadcast %mul3A_181 : f32 to vector<224x224xf32>
    %mul3A_183 = arith.mulf %select_n3A_66, %mul3A_182 : vector<224x224xf32>
    %sub3A_184 = arith.subf %mul3A_180, %mul3A_183 : vector<224x224xf32>
    %ge3A_185 = arith.constant 0.000000e+00 : f32
    %ge3A_186 = vector.broadcast %ge3A_185 : f32 to vector<224x224xf32>
    %ge3A_187 = arith.cmpf oge, %sub3A_184, %ge3A_186 : vector<224x224xf32>
    %jit3A_188 = arith.constant 1 : i32
    %jit3A_189 = arith.constant 0 : i32
    %broadcast_in_dim3A_190 = vector.broadcast %jit3A_188 : i32 to vector<224x224xi32>
    %broadcast_in_dim3A_191 = vector.broadcast %jit3A_189 : i32 to vector<224x224xi32>
    %select_n3A_192 = arith.select %ge3A_187, %broadcast_in_dim3A_190, %broadcast_in_dim3A_191 : vector<224x224xi1>, vector<224x224xi32>
    %add3A_193 = arith.addi %add3A_177, %select_n3A_192 : vector<224x224xi32>
    %get3A_194 = arith.constant 0 : index
    %get3A_195 = arith.constant 0 : index
    %get3A_196 = vector.load %arg3[%get3A_194, %get3A_195] : memref<28x224xf32, #tpu.memory_space<vmem>>, vector<28x224xf32>
    %eq3A_197 = arith.constant 0 : i32
    %eq3A_198 = vector.broadcast %eq3A_197 : i32 to vector<224x224xi32>
    %eq3A_199 = arith.cmpi eq, %add3A_193, %eq3A_198 : vector<224x224xi32>
    %jit3A_200 = arith.constant 0.000000e+00 : f32
    %broadcast_in_dim3A_201 = vector.broadcast %jit3A_200 : f32 to vector<224x224xf32>
    %select_n3A_202 = arith.select %eq3A_199, %mul3A_53, %broadcast_in_dim3A_201 : vector<224x224xi1>, vector<224x224xf32>
    %dot_general3A = arith.constant dense<0.000000e+00> : vector<28x224xf32>
    %dot_general3A_203 = tpu.matmul %get3A_196, %select_n3A_202, %dot_general3A {dimension_numbers = #tpu.dot_dimension_numbers<[1], [0], [0], [1], [0, 0, 1, 1], [], []>, precision = #tpu.contract_precision<fp32>, transpose_lhs_hint = false} : vector<28x224xf32>, vector<224x224xf32>, vector<28x224xf32> -> vector<28x224xf32>
    %dot_general3A_204 = arith.constant dense<0.000000e+00> : vector<28x28xf32>
    %dot_general3A_205 = tpu.matmul %dot_general3A_203, %get3A_196, %dot_general3A_204 {dimension_numbers = #tpu.dot_dimension_numbers<[1], [1], [0], [0], [0, 0, 1, 0], [], []>, precision = #tpu.contract_precision<fp32>, transpose_lhs_hint = false} : vector<28x224xf32>, vector<28x224xf32>, vector<28x28xf32> -> vector<28x28xf32>
    %eq3A_206 = arith.constant 1 : i32
    %eq3A_207 = vector.broadcast %eq3A_206 : i32 to vector<224x224xi32>
    %eq3A_208 = arith.cmpi eq, %add3A_193, %eq3A_207 : vector<224x224xi32>
    %jit3A_209 = arith.constant 0.000000e+00 : f32
    %broadcast_in_dim3A_210 = vector.broadcast %jit3A_209 : f32 to vector<224x224xf32>
    %select_n3A_211 = arith.select %eq3A_208, %mul3A_53, %broadcast_in_dim3A_210 : vector<224x224xi1>, vector<224x224xf32>
    %dot_general3A_212 = arith.constant dense<0.000000e+00> : vector<28x224xf32>
    %dot_general3A_213 = tpu.matmul %get3A_196, %select_n3A_211, %dot_general3A_212 {dimension_numbers = #tpu.dot_dimension_numbers<[1], [0], [0], [1], [0, 0, 1, 1], [], []>, precision = #tpu.contract_precision<fp32>, transpose_lhs_hint = false} : vector<28x224xf32>, vector<224x224xf32>, vector<28x224xf32> -> vector<28x224xf32>
    %dot_general3A_214 = arith.constant dense<0.000000e+00> : vector<28x28xf32>
    %dot_general3A_215 = tpu.matmul %dot_general3A_213, %get3A_196, %dot_general3A_214 {dimension_numbers = #tpu.dot_dimension_numbers<[1], [1], [0], [0], [0, 0, 1, 0], [], []>, precision = #tpu.contract_precision<fp32>, transpose_lhs_hint = false} : vector<28x224xf32>, vector<28x224xf32>, vector<28x28xf32> -> vector<28x28xf32>
    %eq3A_216 = arith.constant 2 : i32
    %eq3A_217 = vector.broadcast %eq3A_216 : i32 to vector<224x224xi32>
    %eq3A_218 = arith.cmpi eq, %add3A_193, %eq3A_217 : vector<224x224xi32>
    %jit3A_219 = arith.constant 0.000000e+00 : f32
    %broadcast_in_dim3A_220 = vector.broadcast %jit3A_219 : f32 to vector<224x224xf32>
    %select_n3A_221 = arith.select %eq3A_218, %mul3A_53, %broadcast_in_dim3A_220 : vector<224x224xi1>, vector<224x224xf32>
    %dot_general3A_222 = arith.constant dense<0.000000e+00> : vector<28x224xf32>
    %dot_general3A_223 = tpu.matmul %get3A_196, %select_n3A_221, %dot_general3A_222 {dimension_numbers = #tpu.dot_dimension_numbers<[1], [0], [0], [1], [0, 0, 1, 1], [], []>, precision = #tpu.contract_precision<fp32>, transpose_lhs_hint = false} : vector<28x224xf32>, vector<224x224xf32>, vector<28x224xf32> -> vector<28x224xf32>
    %dot_general3A_224 = arith.constant dense<0.000000e+00> : vector<28x28xf32>
    %dot_general3A_225 = tpu.matmul %dot_general3A_223, %get3A_196, %dot_general3A_224 {dimension_numbers = #tpu.dot_dimension_numbers<[1], [1], [0], [0], [0, 0, 1, 0], [], []>, precision = #tpu.contract_precision<fp32>, transpose_lhs_hint = false} : vector<28x224xf32>, vector<28x224xf32>, vector<28x28xf32> -> vector<28x28xf32>
    %eq3A_226 = arith.constant 3 : i32
    %eq3A_227 = vector.broadcast %eq3A_226 : i32 to vector<224x224xi32>
    %eq3A_228 = arith.cmpi eq, %add3A_193, %eq3A_227 : vector<224x224xi32>
    %jit3A_229 = arith.constant 0.000000e+00 : f32
    %broadcast_in_dim3A_230 = vector.broadcast %jit3A_229 : f32 to vector<224x224xf32>
    %select_n3A_231 = arith.select %eq3A_228, %mul3A_53, %broadcast_in_dim3A_230 : vector<224x224xi1>, vector<224x224xf32>
    %dot_general3A_232 = arith.constant dense<0.000000e+00> : vector<28x224xf32>
    %dot_general3A_233 = tpu.matmul %get3A_196, %select_n3A_231, %dot_general3A_232 {dimension_numbers = #tpu.dot_dimension_numbers<[1], [0], [0], [1], [0, 0, 1, 1], [], []>, precision = #tpu.contract_precision<fp32>, transpose_lhs_hint = false} : vector<28x224xf32>, vector<224x224xf32>, vector<28x224xf32> -> vector<28x224xf32>
    %dot_general3A_234 = arith.constant dense<0.000000e+00> : vector<28x28xf32>
    %dot_general3A_235 = tpu.matmul %dot_general3A_233, %get3A_196, %dot_general3A_234 {dimension_numbers = #tpu.dot_dimension_numbers<[1], [1], [0], [0], [0, 0, 1, 0], [], []>, precision = #tpu.contract_precision<fp32>, transpose_lhs_hint = false} : vector<28x224xf32>, vector<28x224xf32>, vector<28x28xf32> -> vector<28x28xf32>
    %eq3A_236 = arith.constant 4 : i32
    %eq3A_237 = vector.broadcast %eq3A_236 : i32 to vector<224x224xi32>
    %eq3A_238 = arith.cmpi eq, %add3A_193, %eq3A_237 : vector<224x224xi32>
    %jit3A_239 = arith.constant 0.000000e+00 : f32
    %broadcast_in_dim3A_240 = vector.broadcast %jit3A_239 : f32 to vector<224x224xf32>
    %select_n3A_241 = arith.select %eq3A_238, %mul3A_53, %broadcast_in_dim3A_240 : vector<224x224xi1>, vector<224x224xf32>
    %dot_general3A_242 = arith.constant dense<0.000000e+00> : vector<28x224xf32>
    %dot_general3A_243 = tpu.matmul %get3A_196, %select_n3A_241, %dot_general3A_242 {dimension_numbers = #tpu.dot_dimension_numbers<[1], [0], [0], [1], [0, 0, 1, 1], [], []>, precision = #tpu.contract_precision<fp32>, transpose_lhs_hint = false} : vector<28x224xf32>, vector<224x224xf32>, vector<28x224xf32> -> vector<28x224xf32>
    %dot_general3A_244 = arith.constant dense<0.000000e+00> : vector<28x28xf32>
    %dot_general3A_245 = tpu.matmul %dot_general3A_243, %get3A_196, %dot_general3A_244 {dimension_numbers = #tpu.dot_dimension_numbers<[1], [1], [0], [0], [0, 0, 1, 0], [], []>, precision = #tpu.contract_precision<fp32>, transpose_lhs_hint = false} : vector<28x224xf32>, vector<28x224xf32>, vector<28x28xf32> -> vector<28x28xf32>
    %eq3A_246 = arith.constant 5 : i32
    %eq3A_247 = vector.broadcast %eq3A_246 : i32 to vector<224x224xi32>
    %eq3A_248 = arith.cmpi eq, %add3A_193, %eq3A_247 : vector<224x224xi32>
    %jit3A_249 = arith.constant 0.000000e+00 : f32
    %broadcast_in_dim3A_250 = vector.broadcast %jit3A_249 : f32 to vector<224x224xf32>
    %select_n3A_251 = arith.select %eq3A_248, %mul3A_53, %broadcast_in_dim3A_250 : vector<224x224xi1>, vector<224x224xf32>
    %dot_general3A_252 = arith.constant dense<0.000000e+00> : vector<28x224xf32>
    %dot_general3A_253 = tpu.matmul %get3A_196, %select_n3A_251, %dot_general3A_252 {dimension_numbers = #tpu.dot_dimension_numbers<[1], [0], [0], [1], [0, 0, 1, 1], [], []>, precision = #tpu.contract_precision<fp32>, transpose_lhs_hint = false} : vector<28x224xf32>, vector<224x224xf32>, vector<28x224xf32> -> vector<28x224xf32>
    %dot_general3A_254 = arith.constant dense<0.000000e+00> : vector<28x28xf32>
    %dot_general3A_255 = tpu.matmul %dot_general3A_253, %get3A_196, %dot_general3A_254 {dimension_numbers = #tpu.dot_dimension_numbers<[1], [1], [0], [0], [0, 0, 1, 0], [], []>, precision = #tpu.contract_precision<fp32>, transpose_lhs_hint = false} : vector<28x224xf32>, vector<28x224xf32>, vector<28x28xf32> -> vector<28x28xf32>
    %eq3A_256 = arith.constant 6 : i32
    %eq3A_257 = vector.broadcast %eq3A_256 : i32 to vector<224x224xi32>
    %eq3A_258 = arith.cmpi eq, %add3A_193, %eq3A_257 : vector<224x224xi32>
    %jit3A_259 = arith.constant 0.000000e+00 : f32
    %broadcast_in_dim3A_260 = vector.broadcast %jit3A_259 : f32 to vector<224x224xf32>
    %select_n3A_261 = arith.select %eq3A_258, %mul3A_53, %broadcast_in_dim3A_260 : vector<224x224xi1>, vector<224x224xf32>
    %dot_general3A_262 = arith.constant dense<0.000000e+00> : vector<28x224xf32>
    %dot_general3A_263 = tpu.matmul %get3A_196, %select_n3A_261, %dot_general3A_262 {dimension_numbers = #tpu.dot_dimension_numbers<[1], [0], [0], [1], [0, 0, 1, 1], [], []>, precision = #tpu.contract_precision<fp32>, transpose_lhs_hint = false} : vector<28x224xf32>, vector<224x224xf32>, vector<28x224xf32> -> vector<28x224xf32>
    %dot_general3A_264 = arith.constant dense<0.000000e+00> : vector<28x28xf32>
    %dot_general3A_265 = tpu.matmul %dot_general3A_263, %get3A_196, %dot_general3A_264 {dimension_numbers = #tpu.dot_dimension_numbers<[1], [1], [0], [0], [0, 0, 1, 0], [], []>, precision = #tpu.contract_precision<fp32>, transpose_lhs_hint = false} : vector<28x224xf32>, vector<28x224xf32>, vector<28x28xf32> -> vector<28x28xf32>
    %eq3A_266 = arith.constant 7 : i32
    %eq3A_267 = vector.broadcast %eq3A_266 : i32 to vector<224x224xi32>
    %eq3A_268 = arith.cmpi eq, %add3A_193, %eq3A_267 : vector<224x224xi32>
    %jit3A_269 = arith.constant 0.000000e+00 : f32
    %broadcast_in_dim3A_270 = vector.broadcast %jit3A_269 : f32 to vector<224x224xf32>
    %select_n3A_271 = arith.select %eq3A_268, %mul3A_53, %broadcast_in_dim3A_270 : vector<224x224xi1>, vector<224x224xf32>
    %dot_general3A_272 = arith.constant dense<0.000000e+00> : vector<28x224xf32>
    %dot_general3A_273 = tpu.matmul %get3A_196, %select_n3A_271, %dot_general3A_272 {dimension_numbers = #tpu.dot_dimension_numbers<[1], [0], [0], [1], [0, 0, 1, 1], [], []>, precision = #tpu.contract_precision<fp32>, transpose_lhs_hint = false} : vector<28x224xf32>, vector<224x224xf32>, vector<28x224xf32> -> vector<28x224xf32>
    %dot_general3A_274 = arith.constant dense<0.000000e+00> : vector<28x28xf32>
    %dot_general3A_275 = tpu.matmul %dot_general3A_273, %get3A_196, %dot_general3A_274 {dimension_numbers = #tpu.dot_dimension_numbers<[1], [1], [0], [0], [0, 0, 1, 0], [], []>, precision = #tpu.contract_precision<fp32>, transpose_lhs_hint = false} : vector<28x224xf32>, vector<28x224xf32>, vector<28x28xf32> -> vector<28x28xf32>
    %eq3A_276 = arith.constant 8 : i32
    %eq3A_277 = vector.broadcast %eq3A_276 : i32 to vector<224x224xi32>
    %eq3A_278 = arith.cmpi eq, %add3A_193, %eq3A_277 : vector<224x224xi32>
    %jit3A_279 = arith.constant 0.000000e+00 : f32
    %broadcast_in_dim3A_280 = vector.broadcast %jit3A_279 : f32 to vector<224x224xf32>
    %select_n3A_281 = arith.select %eq3A_278, %mul3A_53, %broadcast_in_dim3A_280 : vector<224x224xi1>, vector<224x224xf32>
    %dot_general3A_282 = arith.constant dense<0.000000e+00> : vector<28x224xf32>
    %dot_general3A_283 = tpu.matmul %get3A_196, %select_n3A_281, %dot_general3A_282 {dimension_numbers = #tpu.dot_dimension_numbers<[1], [0], [0], [1], [0, 0, 1, 1], [], []>, precision = #tpu.contract_precision<fp32>, transpose_lhs_hint = false} : vector<28x224xf32>, vector<224x224xf32>, vector<28x224xf32> -> vector<28x224xf32>
    %dot_general3A_284 = arith.constant dense<0.000000e+00> : vector<28x28xf32>
    %dot_general3A_285 = tpu.matmul %dot_general3A_283, %get3A_196, %dot_general3A_284 {dimension_numbers = #tpu.dot_dimension_numbers<[1], [1], [0], [0], [0, 0, 1, 0], [], []>, precision = #tpu.contract_precision<fp32>, transpose_lhs_hint = false} : vector<28x224xf32>, vector<28x224xf32>, vector<28x28xf32> -> vector<28x28xf32>
    %stack3A = vector.shape_cast %dot_general3A_205 : vector<28x28xf32> to vector<1x28x28xf32>
    %stack3A_286 = vector.shape_cast %dot_general3A_215 : vector<28x28xf32> to vector<1x28x28xf32>
    %stack3A_287 = vector.shape_cast %dot_general3A_225 : vector<28x28xf32> to vector<1x28x28xf32>
    %stack3A_288 = vector.shape_cast %dot_general3A_235 : vector<28x28xf32> to vector<1x28x28xf32>
    %stack3A_289 = vector.shape_cast %dot_general3A_245 : vector<28x28xf32> to vector<1x28x28xf32>
    %stack3A_290 = vector.shape_cast %dot_general3A_255 : vector<28x28xf32> to vector<1x28x28xf32>
    %stack3A_291 = vector.shape_cast %dot_general3A_265 : vector<28x28xf32> to vector<1x28x28xf32>
    %stack3A_292 = vector.shape_cast %dot_general3A_275 : vector<28x28xf32> to vector<1x28x28xf32>
    %stack3A_293 = vector.shape_cast %dot_general3A_285 : vector<28x28xf32> to vector<1x28x28xf32>
    %stack3A_294 = tpu.concatenate %stack3A, %stack3A_286, %stack3A_287, %stack3A_288, %stack3A_289, %stack3A_290, %stack3A_291, %stack3A_292, %stack3A_293 in 0 : vector<1x28x28xf32>, vector<1x28x28xf32>, vector<1x28x28xf32>, vector<1x28x28xf32>, vector<1x28x28xf32>, vector<1x28x28xf32>, vector<1x28x28xf32>, vector<1x28x28xf32>, vector<1x28x28xf32> -> vector<9x28x28xf32>
    %mul3A_295 = arith.mulf %stack3A_294, %stack3A_294 : vector<9x28x28xf32>
    %reduce_sum3A = arith.constant dense<0.000000e+00> : vector<28x28xf32>
    %reduce_sum3A_296 = vector.multi_reduction <add>, %mul3A_295, %reduce_sum3A [0] : vector<9x28x28xf32> to vector<28x28xf32>
    %broadcast_in_dim3A_297 = vector.shape_cast %reduce_sum3A_296 : vector<28x28xf32> to vector<1x28x28xf32>
    %sqrt3A_298 = math.sqrt %broadcast_in_dim3A_297 : vector<1x28x28xf32>
    %max3A = arith.constant 9.99999996E-13 : f32
    %max3A_299 = vector.broadcast %max3A : f32 to vector<1x28x28xf32>
    %max3A_300 = arith.maximumf %sqrt3A_298, %max3A_299 : vector<1x28x28xf32>
    %div3A = vector.broadcast %max3A_300 : vector<1x28x28xf32> to vector<9x28x28xf32>
    %div3A_301 = arith.divf %stack3A_294, %div3A : vector<9x28x28xf32>
    %swap3A = arith.constant 0 : index
    %swap3A_302 = arith.constant 0 : index
    %swap3A_303 = arith.constant 0 : index
    %swap3A_304 = arith.constant 0 : index
    %swap3A_305 = vector.load %arg4[%swap3A, %swap3A_302, %swap3A_303, %swap3A_304] : memref<1x9x28x28xf32, #tpu.memory_space<vmem>>, vector<1x9x28x28xf32>
    %swap3A_306 = vector.shape_cast %swap3A_305 : vector<1x9x28x28xf32> to vector<9x28x28xf32>
    %swap3A_307 = vector.shape_cast %div3A_301 : vector<9x28x28xf32> to vector<1x9x28x28xf32>
    tpu.vector_store %arg4[%swap3A, %swap3A_302, %swap3A_303, %swap3A_304], %swap3A_307 {strides = array<i32>} : memref<1x9x28x28xf32, #tpu.memory_space<vmem>>, vector<1x9x28x28xf32>,
    return
  }
  func.func @transform_0(%arg0: i32) -> (i32, i32, i32, i32) {
    %c0_i32 = arith.constant 0 : i32
    %c0_i32_0 = arith.constant 0 : i32
    %c0_i32_1 = arith.constant 0 : i32
    %c0_i32_2 = arith.constant 0 : i32
    return %arg0, %c0_i32, %c0_i32_0, %c0_i32_1 : i32, i32, i32, i32
  }
  func.func @transform_1(%arg0: i32) -> (i32, i32) {
    %c0_i32 = arith.constant 0 : i32
    %c0_i32_0 = arith.constant 0 : i32
    %c0_i32_1 = arith.constant 0 : i32
    return %c0_i32, %c0_i32_0 : i32, i32
  }
  func.func @transform_2(%arg0: i32) -> (i32, i32) {
    %c0_i32 = arith.constant 0 : i32
    %c0_i32_0 = arith.constant 0 : i32
    %c0_i32_1 = arith.constant 0 : i32
    return %c0_i32, %c0_i32_0 : i32, i32
  }
  func.func @transform_3(%arg0: i32) -> (i32, i32, i32, i32) {
    %c0_i32 = arith.constant 0 : i32
    %c0_i32_0 = arith.constant 0 : i32
    %c0_i32_1 = arith.constant 0 : i32
    %c0_i32_2 = arith.constant 0 : i32
    return %arg0, %c0_i32, %c0_i32_0, %c0_i32_1 : i32, i32, i32, i32
  }
}

</mosaic_0001>

<sc_bundles>
// kernel: kernel.4.cloned.1.call-start
scs
__scs_entry_jumppad:
0x0: {  	(pc) =	sbr.rel $0x88, $3  }
0x1: {  	(tag) =	ssettag $0x0;
	lr =	simm.s32 $0x1  }
0x2: {  	[smem:$0x3F9F] =	sst lr;
	_ =	strace $0xD0000000  }
0x3: {  	_ = 	snop  }
0x4: {  	_ = 	snop  }
0x5: {  	_ = 	snop  }
0x6: {  	_ = 	snop  }
0x7: {  	_ = 	snop  }
__scs_overlays_trampoline_lowered:
0x8: {  	[smem:$0x3FAE] =	sst s0  }
0x9: {  	[smem:$0x3FAF] =	sst s1  }
0xa: {  	[smem:$0x3FB0] =	sst s2  }
0xb: {  	[smem:$0x3FB1] =	sst s3  }
0xc: {  	[smem:$0x3FB2] =	sst s4  }
0xd: {  	[smem:$0x3FB3] =	sst s5  }
0xe: {  	[smem:$0x3FB4] =	sst s6  }
0xf: {  	[smem:$0x3FB5] =	sst s7  }
0x10: {  	[smem:$0x3FB6] =	sst s8  }
0x11: {  	[smem:$0x3FB7] =	sst s9;
	s0 =	simm.s32 @!p0 $0x0  }
0x12: {  	s1 =	sld [smem:$0x3F9D];
	s0 =	simm.s32 @p0 $0x1  }
0x13: {  	[smem:$0x3FB8] =	sst s0;
	s0 =	simm.s32 @!p1 $0x0  }
0x14: {  	s2 =	sld [smem:$0x3F9C];
	s0 =	simm.s32 @p1 $0x1  }
0x15: {  	[smem:$0x3FB9] =	sst s0;
	s0 =	simm.s32 @!p2 $0x0  }
0x16: {  	s3 =	sld [smem:$0x3FDB];
	s0 =	simm.s32 @p2 $0x1  }
0x17: {  	s4 =	simm.s32 $0x1BF5;
	[smem:$0x3FBB] =	sst s0  }
0x18: {  	s0 =	sld [smem:$0x3F9E];
	_ =	swait.ge [sflag:s4], $0x0  }
0x19: {  	s7 =	sld [smem:$0x3F9F]  }
0x1a: {  	s8 =	sadd.s32 $0xFFFFE003, lr  }
0x1b: {  	s9 =	sadd.s32 $0xFFFFFEF7, lr;
	s5 =	simm.s32 $0xFFFFFFFF;
	p2 =	slt.u32 s8, $0xFFFFF086  }
0x1c: {  	p1 =	slt.u32 s9, $0xF7A;
	s5 =	simm.s32 @!p2 $0x0  }
0x1d: {  	s5 =	simm.s32 @p1 $0x1;
	p0 =	seq.s32 s7, s2  }
0x1e: {  	s7 =	smul.u32 @!p0 $0xF7A, s2;
	p2 =	seq.s32 @!p0 s5, $0x0  }
0x1f: {  	s9 =	smul.u32 $0xF7A, s1;
	s8 =	simm.s32 @!p0 $0x1BF5;
	p2 =	por !p2, p0  }
0x20: {  	[sflag:s8] =	ssyncset.s32 @!p0 $0xFFFFF086;
	s6 =	sadd.s32 @!p0 s3, s7;
	s7 =	simm.s32 @!p0 $0x108  }
0x21: {  	s3 =	sadd.s32 s3, s9;
	s6 =	sadd.s32 @!p0 $0x88, s6;
	s7 =	simm.s32 @p2 $0x1082  }
0x22: {  	[simem:s7], [sflag:s8] =	dma.local @!p0 [hbm:s6], $0xF7A  }
0x23: {  	s9 =	sor.u32 $0xD0000000, s2;
	s6 =	simm.s32 $0x108;
	_ =	swait.ge @!p0 [sflag:s8], $0x0  }
0x24: {  	s3 =	sadd.s32 $0x88, s3;
	s6 =	simm.s32 @!p1 $0x1082;
	[sflag:s4] =	ssyncset.s32 $0xFFFFF086  }
0x25: {  	[simem:s6], [sflag:s4] =	dma.local [hbm:s3], $0xF7A  }
0x26: {  	[smem:$0x3F9F] =	sst s1;
	(tag) =	ssettag s2;
	_ =	strace s9  }
0x27: {  	s1 =	sld [smem:$0x3FAF]  }
0x28: {  	s2 =	sld [smem:$0x3FB0]  }
0x29: {  	s4 =	sld [smem:$0x3FB2]  }
0x2a: {  	p0 =	seq.s32 s5, $0x0;
	s5 =	sld [smem:$0x3FB3]  }
0x2b: {  	s6 =	sld [smem:$0x3FB4]  }
0x2c: {  	s7 =	sld [smem:$0x3FB5]  }
0x2d: {  	s3 =	simm.s32 $0x108;
	s8 =	sld [smem:$0x3FB6]  }
0x2e: {  	s3 =	simm.s32 @!p0 $0x1082;
	s9 =	sld [smem:$0x3FB7]  }
0x2f: {  	lr =	sadd.s32 s0, s3;
	s0 =	sld [smem:$0x3FAE]  }
0x30: {  	s3 =	sld [smem:$0x3FB1]  }
0x31: {  	[smem:$0x3FBA] =	sst s10  }
0x32: {  	s10 =	sld [smem:$0x3FB8];
	_ =	sdelay $0x3  }
0x33: {  	p0 =	seq.s32 s10, $0x1;
	s10 =	sld [smem:$0x3FBA];
	_ =	sdelay $0x3  }
0x34: {  	[smem:$0x3FBA] =	sst s10  }
0x35: {  	s10 =	sld [smem:$0x3FB9];
	_ =	sdelay $0x3  }
0x36: {  	p1 =	seq.s32 s10, $0x1;
	s10 =	sld [smem:$0x3FBA];
	_ =	sdelay $0x3  }
0x37: {  	[smem:$0x3FBA] =	sst s10  }
0x38: {  	s10 =	sld [smem:$0x3FBB]  }
0x39: {  	_ = 	snop;
	(pc) =	sbr.ind lr, $3  }
0x3a: {  	_ = 	snop  }
0x3b: {  	_ = 	snop  }
0x3c: {  	p2 =	seq.s32 s10, $0x1;
	s10 =	sld [smem:$0x3FBA]  }
0x3d: {  	_ =	shalt  }
0x3e: {  	_ =	shalt  }
0x3f: {  	_ =	shalt  }
0x40: {  	_ =	shalt  }
0x41: {  	_ =	shalt  }
0x42: {  	_ =	shalt  }
0x43: {  	_ =	shalt  }
0x44: {  	_ =	shalt  }
0x45: {  	_ =	shalt  }
0x46: {  	_ =	shalt  }
0x47: {  	_ =	shalt  }
0x48: {  	_ =	shalt  }
0x49: {  	_ =	shalt  }
0x4a: {  	_ =	shalt  }
0x4b: {  	_ =	shalt  }
0x4c: {  	_ =	shalt  }
0x4d: {  	_ =	shalt  }
0x4e: {  	_ =	shalt  }
0x4f: {  	_ =	shalt  }
0x50: {  	_ =	shalt  }
0x51: {  	_ =	shalt  }
0x52: {  	_ =	shalt  }
0x53: {  	_ =	shalt  }
0x54: {  	_ =	shalt  }
0x55: {  	_ =	shalt  }
0x56: {  	_ =	shalt  }
0x57: {  	_ =	shalt  }
0x58: {  	_ =	shalt  }
0x59: {  	_ =	shalt  }
0x5a: {  	_ =	shalt  }
0x5b: {  	_ =	shalt  }
0x5c: {  	_ =	shalt  }
0x5d: {  	_ =	shalt  }
0x5e: {  	_ =	shalt  }
0x5f: {  	_ =	shalt  }
0x60: {  	_ =	shalt  }
0x61: {  	_ =	shalt  }
0x62: {  	_ =	shalt  }
0x63: {  	_ =	shalt  }
0x64: {  	_ =	shalt  }
0x65: {  	_ =	shalt  }
0x66: {  	_ =	shalt  }
0x67: {  	_ =	shalt  }
0x68: {  	_ =	shalt  }
0x69: {  	_ =	shalt  }
0x6a: {  	_ =	shalt  }
0x6b: {  	_ =	shalt  }
0x6c: {  	_ =	shalt  }
0x6d: {  	_ =	shalt  }
0x6e: {  	_ =	shalt  }
0x6f: {  	_ =	shalt  }
0x70: {  	_ =	shalt  }
0x71: {  	_ =	shalt  }
0x72: {  	_ =	shalt  }
0x73: {  	_ =	shalt  }
0x74: {  	_ =	shalt  }
0x75: {  	_ =	shalt  }
0x76: {  	_ =	shalt  }
0x77: {  	_ =	shalt  }
0x78: {  	_ =	shalt  }
0x79: {  	_ =	shalt  }
0x7a: {  	_ =	shalt  }
0x7b: {  	_ =	shalt  }
0x7c: {  	_ =	shalt  }
0x7d: {  	_ =	shalt  }
0x7e: {  	_ =	shalt  }
0x7f: {  	_ =	shalt  }
0x80: {  	_ =	shalt  }
0x81: {  	_ =	shalt  }
0x82: {  	_ =	shalt  }
0x83: {  	_ =	shalt  }
0x84: {  	_ =	shalt  }
0x85: {  	_ =	shalt  }
0x86: {  	_ =	shalt  }
0x87: {  	_ =	shalt  }
.Lfunc_end0:
.L_simem_size_0:
called_computation_lowered:
.L_overlay_start_0:
0x88: {  	s2 =	sld [smem:$0x3FD9]  }
0x89: {  	s3 =	sld [smem:$0x3FFE];
	_ =	sdelay $0x1  }
0x8a: {  	s1 =	srdreg.scid  }
0x8b: {  	s0 =	sand.u32 $0x1, s1  }
0x8c: {  	s17 =	sshll.u32 s0, $0xA;
	s2 =	sadd.s32 s3, s2  }
0x8d: {  	s2 =	sadd.s32 s2, s17  }
0x8e: {  	[smem:$0x3FC6] =	sst s2  }
0x8f: {  	_ = 	snop  }
0x90: {  	s2 =	sld [smem:$0x3FC9]  }
0x91: {  	s18 =	sld [smem:$0x3FD0];
	(tm) =	ssettm $0x1  }
0x92: {  	s4 =	sld [smem:$0x3FFB];
	_ =	sdelay $0x3  }
0x93: {  	_ =	strace s4  }
0x94: {  	s4 =	sld [smem:$0x3FFC];
	_ =	sdelay $0x3  }
0x95: {  	_ =	strace s4  }
0x96: {  	s4 =	sld [smem:$0x3FFD];
	_ =	sdelay $0x3  }
0x97: {  	_ =	strace s4  }
0x98: {  	_ =	strace $0x8FFFFFFF  }
0x99: {  	s19 =	sld [smem:$0x3FDB];
	_ =	sdelay $0x1  }
0x9a: {  	s5 =	simm.s32 $_scs_section_size  }
0x9b: {  	s6 =	simm.s32 $_size__tile_overlayer_lowered;
	s7 =	simm.s32 $_tile_overlayer_lowered  }
0x9c: {  	s22 =	simm.s32 $0x1BFF;
	s21 =	sshll.u32 s7, $0x1;
	s4 =	sadd.s32 s5, s19  }
0x9d: {  	s8 =	simm.s32 $0x0;
	s20 =	sshll.u32 s6, $0x1;
	s6 =	sadd.s32 s21, s4  }
0x9e: {  	[timem:s8], [sflag:s22] =	dma.local [hbm:s6], s20  }
0x9f: {  	_ =	swait.ge [sflag:s22], s20  }
0xa0: {  	s5 =	ssub.s32 $0x0, s20;
	[sflag:s22] =	ssyncset.done $0x0  }
0xa1: {  	[sflag:s22] =	ssyncadd.s32 s5;
	_ =	sdelay $0x1  }
0xa2: {  	s23 =	simm.s32 $0x1B8B  }
0xa3: {  	_ =	swait.ge [sflag:s23], $0x1  }
0xa4: {  	[sflag:s23] =	ssyncset.done $0x0  }
0xa5: {  	s25 =	simm.s32 $0x1B8E;
	s24 =	sld [smem:$0x3FFE];
	[sflag:s23] =	ssyncadd.s32 $0xFFFFFFFF  }
0xa6: {  	s26 =	simm.s32 $execute0_lowered;
	[smem:$0x3FD2] =	sst s25  }
0xa7: {  	s6 =	sshll.u32 s26, $0x1;
	_ =	strace $0x80000046;
	[dreg:$0x1] =	wrdreg $0xFFFFFFFF  }
0xa8: {  	s28 =	simm.s32 $_size_execute0_lowered;
	s4 =	sadd.s32 s4, s6;
	[dreg:$0x0] =	wrdreg $0x0  }
0xa9: {  	s6 =	sshll.u32 s28, $0x1;
	[dreg:$0x2] =	wrdreg s4  }
0xaa: {  	[dreg:$0x3] =	wrdreg s6  }
0xab: {  	[dreg:$0x4] =	wrdreg $0xC0  }
0xac: {  	_ =	task [dreg:s8], $0x5FFFF  }
0xad: {  	[dreg:$0x1] =	wrdreg $0xFFFFFFFF  }
0xae: {  	[dreg:$0x0] =	wrdreg $0x60  }
0xaf: {  	[dreg:$0x2] =	wrdreg s2  }
0xb0: {  	[dreg:$0x3] =	wrdreg s24  }
0xb1: {  	[dreg:$0x4] =	wrdreg s18  }
0xb2: {  	[dreg:$0x5] =	wrdreg $0x9  }
0xb3: {  	_ =	task.clear_ibuf [dreg:s8], $0x6FFFF;
	_ =	strace $0x90000046  }
0xb4: {  	s29 =	simm.s32 $0x9;
	_ =	strace $0x80000048  }
0xb5: {  	_ =	swait.ge [sflag:s29], $0x1  }
0xb6: {  	[sflag:s29] =	ssyncadd.s32 $0xFFFFFFFF  }
0xb7: {  	_ =	strace $0x90000048  }
0xb8: {  	_ =	sfence  }
0xb9: {  	s30 =	sld [smem:$0x0];
	_ =	sdelay $0x2  }
0xba: {  	s31 =	sshll.u32 s1, $0xD;
	s1 =	sshrl.u32 s1, $0x2  }
0xbb: {  	s3 =	sand.u32 $0x4000, s31;
	s1 =	sadd.s32 s1, s30  }
0xbc: {  	s0 =	sor.u32 s3, s0;
	s1 =	sshll.u32 s1, $0x11  }
0xbd: {  	s0 =	sor.u32 s1, s0  }
0xbe: {  	s0 =	sadd.s32 $0x8F2B, s0  }
0xbf: {  	[sflag:s0] =	ssyncadd.remote.s32 $0x1  }
0xc0: {  	_ =	sfence.sel $0xFFFF  }
0xc1: {  	[dreg:$0x0] =	wrdreg $0xFFFFFFFF;
	(pc) =	sbr.abs _section_cstart, $3  }
0xc2: {  	[dreg:$0x1] =	wrdreg $0xFFFFFFFF  }
0xc3: {  	_ =	task.clear_ibuf [dreg:s8], $0x2FFFF;
	_ =	strace $0x9FFFFFFF  }
0xc4: {  	(tm) =	ssettm $0x7FFFFFFF  }
0xc5: {  	_ =	shalt  }
tec
execute0_lowered:
.L_overlay_start_1:
0x0: {  	(tag) =	ssettag $0x1  }
0x1: {  	s5 =	rddreg [dreg:$0x0]  }
0x2: {  	s4 =	rddreg [dreg:$0x1]  }
0x3: {  	s10 =	rddreg [dreg:$0x2];
	s3 =	srdreg.scid  }
0x4: {  	s0 =	stileid.u32;
	s2 =	simm.s32 $0x0;
	s14 =	simm.s32 $0x17E00  }
0x5: {  	s15 =	simm.s32 $0xE000;
	s16 =	simm.s32 $0x16C00;
	s17 =	simm.s32 $0x16D00  }
0x6: {  	s18 =	simm.s32 $0x15000;
	s19 =	simm.s32 $0x18180;
	s20 =	simm.s32 $0x80  }
0x7: {  	s21 =	simm.s32 $0x400;
	s22 =	simm.s32 $0x0;
	s6 =	sand.u32 $0x1, s3  }
0x8: {  	s30 =	sshll.u32 s0, $0x1;
	[smem:$0x7FF] =	sst s2;
	s3 =	sadd.s32 $0x800, s4  }
0x9: {  	s4 =	sadd.s32 $0xA00, s4;
	s9 =	sshrl.u32 s0, $0x2;
	s7 =	sor.u32 s6, s30  }
0xa: {  	_ =	strace $0x80000047;
	s6 =	ssub.s32 $0x2, s6;
	s8 =	smul.u32 $0x2A000, s7  }
0xb: {  	s9 =	smul.u32 $0xE000, s9;
	s7 =	sshll.u32 s7, $0x7;
	s11 =	sshrl.u32 s6, $0x1  }
0xc: {  	s7 =	sand.u32 $0x380, s7;
	s11 =	ssub.s32 s6, s11;
	s8 =	sshrl.u32 s8, $0x3  }
0xd: {  	s31 =	sor.u32 s9, s7;
	s11 =	smax.u32 s11, $0x1;
	s12 =	sadd.s32 s5, s8  }
0xe: {  	v1 =	vimm.s32 $0xDF;
	vm0 =	vcmask $0x300;
	s13 =	sshrl.u32 s31, $0x3;
	s5 =	sadd.s32 $0xA8000, s12;
	s6 =	sadd.s32 $0xA9C00, s12  }
0xf: {  	v0 =	vimm.f32 $0.0e+00;
	v2 =	vimm.s32 $0xE1;
	v3 =	vimm.s32 $0x0;
	s7 =	sadd.s32 $0xAAA00, s12;
	s8 =	sadd.s32 $0xAB800, s12;
	s9 =	sadd.s32 $0xAC600, s12  }
0x10: {  	v4 =	vlaneseq.u32;
	v1 =	vsel vm0, $0x2, v1;
	v2 =	vsel vm0, $0x0, v2;
	s10 =	sadd.s32 s10, s13;
	s12 =	simm.s32 $0x16E00;
	s13 =	simm.s32 $0x1  }
.LBB2_1:
0x11: {  	[tilespmem:s12], [sflag:$0x1] =	stream.linear.gather [hbm4b:s3+s2], $0x1000, $0x38;
	[tilespmem:$0x19D80] =	vst v63  }
0x12: {  	_ =	swait.ge [sflag:s13], $0x1000  }
0x13: {  	[sflag:s13] =	ssyncset.done $0x0  }
0x14: {  	[sflag:s13] =	ssyncadd.s32 $0xFFFFF000  }
0x15: {  	[tilespmem:s14], [sflag:$0x1] =	stream.linear.gather [hbm4b:s4+s2], $0x380, $0x38;
	[tilespmem:$0x19D80] =	vst v63  }
0x16: {  	_ =	swait.ge [sflag:s13], $0x380  }
0x17: {  	[sflag:s13] =	ssyncset.done $0x0  }
0x18: {  	[sflag:s13] =	ssyncadd.s32 $0xFFFFFC80  }
0x19: {  	[tilespmem:s2], [sflag:$0x1] =	stream.linear.gather [hbm4b:s5+s2], $0xE000, $0x38;
	[tilespmem:$0x19D80] =	vst v63  }
0x1a: {  	_ =	swait.ge [sflag:s13], $0xE000  }
0x1b: {  	[sflag:s13] =	ssyncset.done $0x0  }
0x1c: {  	[sflag:s13] =	ssyncadd.s32 $0xFFFF2000  }
0x1d: {  	[tilespmem:s15], [sflag:$0x1] =	stream.linear.gather [hbm4b:s6+s2], $0x7000, $0x38;
	[tilespmem:$0x19D80] =	vst v63  }
0x1e: {  	_ =	swait.ge [sflag:s13], $0x7000  }
0x1f: {  	[sflag:s13] =	ssyncset.done $0x0  }
0x20: {  	s23 =	simm.s32 $0x0;
	[sflag:s13] =	ssyncadd.s32 $0xFFFF9000  }
.LBB2_2:
0x21: {  	s24 =	sshll.u32 s23, $0x8;
	s25 =	sshll.u32 s23, $0x7  }
0x22: {  	s26 =	sand.u32 $0x7800, s24;
	s25 =	sand.u32 $0x380, s25;
	s24 =	simm.s32 $0x0  }
0x23: {  	s25 =	sor.u32 s26, s25;
	s31 =	sand.u32 $0x60, s24  }
0x24: {  	s28 =	sand.u32 $0x400, s24;
	s26 =	sor.u32 s31, s25  }
0x25: {  	s26 =	sor.u32 s28, s26  }
0x26: {  	v5 =	vld [tilespmem:s26+$0x0]  }
0x27: {  	v6 =	vld [tilespmem:s26+$0xE000];
	_ =	sdelay $0x4  }
0x28: {  	v7 =	vshrl.u32 v5, $0x10;
	v8 =	vshrl.u32 v6, $0x10  }
0x29: {  	v7 =	vand.u32 $0x1, v7;
	v8 =	vand.u32 $0x1, v8  }
0x2a: {  	v5 =	vadd.s32 v7, v5;
	v6 =	vadd.s32 v8, v6  }
0x2b: {  	v5 =	vadd.s32 $0x7FFF, v5;
	v6 =	vadd.s32 $0x7FFF, v6  }
0x2c: {  	v5 =	vand.u32 $0xFFFF0000, v5;
	v6 =	vand.u32 $0xFFFF0000, v6  }
0x2d: {  	v5 =	vadd.f32 v6, v5;
	_ =	sdelay $0x1  }
0x2e: {  	s29 =	sor.u32 $0x10, s26;
	[tilespmem:s26+$0x0] =	vst v5;
	v5 =	vld [tilespmem:s26+$0xE010]  }
0x2f: {  	v6 =	vld [tilespmem:s29+$0x0];
	_ =	sdelay $0x4  }
0x30: {  	v8 =	vshrl.u32 v5, $0x10;
	v7 =	vshrl.u32 v6, $0x10  }
0x31: {  	v8 =	vand.u32 $0x1, v8;
	v7 =	vand.u32 $0x1, v7  }
0x32: {  	v5 =	vadd.s32 v8, v5;
	v6 =	vadd.s32 v7, v6  }
0x33: {  	v7 =	vadd.s32 $0x7FFF, v5;
	v6 =	vadd.s32 $0x7FFF, v6  }
0x34: {  	s28 =	simm.s32 $0x20;
	s26 =	simm.s32 $0x0;
	v5 =	vand.u32 $0xFFFF0000, v6;
	v6 =	vand.u32 $0xFFFF0000, v7  }
.LBB2_3:
0x35: {  	s30 =	sand.u32 $0x60, s28;
	v5 =	vadd.f32 v6, v5;
	s24 =	sadd.s32 $0x100, s24  }
0x36: {  	s26 =	sadd.s32 $0x2, s26;
	s31 =	sand.u32 $0x400, s24;
	s30 =	sor.u32 s30, s25  }
0x37: {  	p0 =	slt.u32 s26, $0xC;
	s30 =	sor.u32 s31, s30;
	[tilespmem:s29+$0x0] =	vst v5  }
0x38: {  	v5 =	vld [tilespmem:s30+$0x0]  }
0x39: {  	v6 =	vld [tilespmem:s30+$0xE000];
	_ =	sdelay $0x4  }
0x3a: {  	v7 =	vshrl.u32 v5, $0x10;
	v8 =	vshrl.u32 v6, $0x10  }
0x3b: {  	v7 =	vand.u32 $0x1, v7;
	v8 =	vand.u32 $0x1, v8  }
0x3c: {  	v5 =	vadd.s32 v7, v5;
	v6 =	vadd.s32 v8, v6  }
0x3d: {  	v5 =	vadd.s32 $0x7FFF, v5;
	v6 =	vadd.s32 $0x7FFF, v6  }
0x3e: {  	v5 =	vand.u32 $0xFFFF0000, v5;
	v6 =	vand.u32 $0xFFFF0000, v6  }
0x3f: {  	v5 =	vadd.f32 v6, v5;
	_ =	sdelay $0x1  }
0x40: {  	s29 =	sor.u32 $0x10, s30;
	[tilespmem:s30+$0x0] =	vst v5;
	v5 =	vld [tilespmem:s30+$0xE010]  }
0x41: {  	v6 =	vld [tilespmem:s29+$0x0];
	_ =	sdelay $0x4  }
.Ltmp0:
0x42: {  	v8 =	vshrl.u32 v5, $0x10;
	v7 =	vshrl.u32 v6, $0x10;
	(pc) =	sbr.rel @p0 .LBB2_3-.Ltmp0, $4  }
0x43: {  	v8 =	vand.u32 $0x1, v8;
	v7 =	vand.u32 $0x1, v7  }
0x44: {  	v5 =	vadd.s32 v8, v5;
	v6 =	vadd.s32 v7, v6  }
0x45: {  	v7 =	vadd.s32 $0x7FFF, v5;
	v6 =	vadd.s32 $0x7FFF, v6  }
0x46: {  	s28 =	sadd.s32 $0x20, s28;
	v5 =	vand.u32 $0xFFFF0000, v6;
	v6 =	vand.u32 $0xFFFF0000, v7  }
0x47: {  	s23 =	sadd.s32 $0x1, s23  }
0x48: {  	p0 =	sne.s32 s23, $0x70  }
.Ltmp1:
0x49: {  	_ = 	snop;
	(pc) =	sbr.rel @p0 .LBB2_2-.Ltmp1, $3  }
0x4a: {  	_ = 	snop  }
0x4b: {  	v5 =	vadd.f32 v6, v5;
	_ =	sdelay $0x1  }
0x4c: {  	[tilespmem:s29+$0x0] =	vst v5  }
0x4d: {  	s23 =	simm.s32 $0x0  }
0x4e: {  	[tilespmem:s15], [sflag:$0x1] =	stream.linear.gather [hbm4b:s7+s23], $0x7000, $0x38;
	[tilespmem:$0x19D80] =	vst v63  }
0x4f: {  	_ =	swait.ge [sflag:s13], $0x7000  }
0x50: {  	s24 =	sand.u32 $0x7800, s23;
	s23 =	sand.u32 $0x380, s23;
	[sflag:s13] =	ssyncset.done $0x0  }
0x51: {  	s23 =	sor.u32 s23, s24;
	[sflag:s13] =	ssyncadd.s32 $0xFFFF9000  }
0x52: {  	v5 =	vld [tilespmem:s23+$0xE450]  }
0x53: {  	v6 =	vld [tilespmem:s23+$0xE440]  }
0x54: {  	v7 =	vld [tilespmem:s23+$0x7440]  }
0x55: {  	v22 =	vld [tilespmem:s23+$0x7400]  }
0x56: {  	v25 =	vld [tilespmem:s23+$0xE430]  }
0x57: {  	v28 =	vld [tilespmem:s23+$0xE060]  }
0x58: {  	v29 =	vld [tilespmem:s23+$0xE400]  }
0x59: {  	v31 =	vld [tilespmem:s23+$0x7070]  }
0x5a: {  	v33 =	vld [tilespmem:s23+$0xE010]  }
0x5b: {  	v34 =	vld [tilespmem:s23+$0x7410]  }
0x5c: {  	v53 =	vld [tilespmem:s23+$0xE420]  }
0x5d: {  	v40 =	vld [tilespmem:s23+$0x7020]  }
0x5e: {  	v58 =	vld [tilespmem:s23+$0xE030]  }
0x5f: {  	v10 =	vshrl.u32 v5, $0x10  }
0x60: {  	v12 =	vshrl.u32 v6, $0x10;
	v13 =	vshrl.u32 v7, $0x10;
	v27 =	vshrl.u32 v22, $0x10  }
0x61: {  	v30 =	vshrl.u32 v25, $0x10;
	v51 =	vshrl.u32 v28, $0x10;
	v36 =	vshrl.u32 v31, $0x10  }
0x62: {  	v9 =	vld [tilespmem:s23+$0x7420];
	v37 =	vshrl.u32 v29, $0x10;
	v55 =	vshrl.u32 v33, $0x10;
	v56 =	vshrl.u32 v34, $0x10  }
0x63: {  	v8 =	vld [tilespmem:s23+$0x7010];
	v38 =	vshrl.u32 v53, $0x10;
	v59 =	vshrl.u32 v40, $0x10;
	v62 =	vshrl.u32 v58, $0x10  }
0x64: {  	v11 =	vld [tilespmem:s23+$0xE020];
	v10 =	vand.u32 $0x1, v10;
	v12 =	vand.u32 $0x1, v12;
	v27 =	vand.u32 $0x1, v27  }
0x65: {  	v52 =	vand.u32 $0x1, v30;
	v54 =	vand.u32 $0x1, v37;
	v63 =	vand.u32 $0x1, v62  }
0x66: {  	v14 =	vld [tilespmem:s23+$0x7040];
	v5 =	vadd.s32 v10, v5;
	v10 =	vand.u32 $0x1, v13;
	v6 =	vadd.s32 v12, v6  }
0x67: {  	v17 =	vld [tilespmem:s23+$0xE040];
	v13 =	vshrl.u32 v9, $0x10;
	v25 =	vadd.s32 v52, v25;
	v18 =	vadd.s32 $0x7FFF, v5  }
0x68: {  	v39 =	vld [tilespmem:s23+$0x7450];
	v5 =	vshrl.u32 v8, $0x10;
	v7 =	vadd.s32 v10, v7;
	v19 =	vadd.s32 $0x7FFF, v6  }
0x69: {  	v12 =	vld [tilespmem:s23+$0x7430];
	v5 =	vand.u32 $0x1, v5;
	v21 =	vadd.s32 $0x7FFF, v7;
	v7 =	vshrl.u32 v11, $0x10  }
0x6a: {  	v19 =	vand.u32 $0xFFFF0000, v19;
	v18 =	vand.u32 $0xFFFF0000, v18;
	v5 =	vadd.s32 v5, v8  }
0x6b: {  	v7 =	vand.u32 $0x1, v7;
	v8 =	vshrl.u32 v14, $0x10;
	v21 =	vand.u32 $0xFFFF0000, v21  }
0x6c: {  	v6 =	vld [tilespmem:s23+$0x7030];
	v20 =	vadd.s32 $0x7FFF, v5;
	v15 =	vand.u32 $0x1, v8;
	v8 =	vshrl.u32 v17, $0x10  }
0x6d: {  	v16 =	vld [tilespmem:s23+$0x7050];
	v11 =	vadd.s32 v7, v11;
	v19 =	vadd.f32 v19, v21;
	v21 =	vshrl.u32 v39, $0x10  }
0x6e: {  	v23 =	vand.u32 $0x1, v8;
	v8 =	vand.u32 $0x1, v13;
	v13 =	vshrl.u32 v12, $0x10  }
0x6f: {  	v11 =	vadd.s32 $0x7FFF, v11;
	v15 =	vadd.s32 v15, v14;
	v35 =	vand.u32 $0xFFFF0000, v20  }
0x70: {  	v20 =	vadd.s32 v27, v22;
	v27 =	vand.u32 $0x1, v55;
	v21 =	vand.u32 $0x1, v21  }
0x71: {  	v7 =	vadd.s32 v8, v9;
	v8 =	vand.u32 $0x1, v13;
	v9 =	vshrl.u32 v6, $0x10  }
0x72: {  	v10 =	vld [tilespmem:s23+$0x7060];
	v13 =	vshrl.u32 v16, $0x10;
	v32 =	vand.u32 $0xFFFF0000, v11;
	v20 =	vadd.s32 $0x7FFF, v20  }
0x73: {  	v26 =	vld [tilespmem:s23+$0xE050];
	v60 =	vadd.s32 v27, v33;
	v21 =	vadd.s32 v21, v39;
	v17 =	vadd.s32 v23, v17  }
0x74: {  	v5 =	vld [tilespmem:s23+$0xE070];
	v7 =	vadd.s32 $0x7FFF, v7;
	v8 =	vadd.s32 v8, v12;
	v9 =	vand.u32 $0x1, v9  }
0x75: {  	v13 =	vand.u32 $0x1, v13;
	v57 =	vand.u32 $0xFFFF0000, v20;
	v21 =	vadd.s32 $0x7FFF, v21  }
0x76: {  	v17 =	vadd.s32 $0x7FFF, v17;
	v24 =	vand.u32 $0xFFFF0000, v7;
	v7 =	vadd.s32 $0x7FFF, v8  }
0x77: {  	v22 =	vld [tilespmem:s23+$0xE410];
	v12 =	vadd.s32 v9, v6;
	v9 =	vshrl.u32 v10, $0x10;
	v11 =	vadd.s32 v13, v16  }
0x78: {  	v16 =	vshrl.u32 v26, $0x10;
	v21 =	vand.u32 $0xFFFF0000, v21;
	v8 =	vand.u32 $0xFFFF0000, v7  }
0x79: {  	v7 =	vand.u32 $0x1, v9;
	v9 =	vshrl.u32 v5, $0x10;
	v12 =	vadd.s32 $0x7FFF, v12  }
0x7a: {  	v11 =	vadd.s32 $0x7FFF, v11;
	v14 =	vand.u32 $0x1, v16;
	v18 =	vadd.f32 v18, v21  }
0x7b: {  	v10 =	vadd.s32 v7, v10;
	v7 =	vand.u32 $0x1, v9;
	v11 =	vand.u32 $0xFFFF0000, v11  }
0x7c: {  	v6 =	vld [tilespmem:s23+$0xE000];
	v14 =	vadd.s32 v14, v26;
	v26 =	vand.u32 $0x1, v51;
	v20 =	vshrl.u32 v22, $0x10  }
0x7d: {  	v10 =	vadd.s32 $0x7FFF, v10;
	v26 =	vadd.s32 v26, v28;
	v28 =	vadd.s32 v54, v29  }
0x7e: {  	v29 =	vand.u32 $0x1, v56;
	v20 =	vand.u32 $0x1, v20;
	v10 =	vand.u32 $0xFFFF0000, v10  }
0x7f: {  	v28 =	vadd.s32 $0x7FFF, v28;
	v20 =	vadd.s32 v20, v22;
	v22 =	vand.u32 $0x1, v38  }
0x80: {  	v26 =	vadd.s32 $0x7FFF, v26;
	v29 =	vadd.s32 v29, v34;
	v22 =	vadd.s32 v22, v53  }
0x81: {  	v13 =	vshrl.u32 v6, $0x10;
	v29 =	vadd.s32 $0x7FFF, v29;
	v22 =	vadd.s32 $0x7FFF, v22  }
0x82: {  	v20 =	vadd.s32 $0x7FFF, v20;
	v61 =	vand.u32 $0xFFFF0000, v28;
	v22 =	vand.u32 $0xFFFF0000, v22  }
0x83: {  	v29 =	vand.u32 $0xFFFF0000, v29;
	v22 =	vadd.f32 v22, v24;
	v24 =	vand.u32 $0x1, v59  }
0x84: {  	[tilespmem:s23+$0x7440] =	vst v19;
	v9 =	vld [tilespmem:s23+$0x7000];
	v20 =	vand.u32 $0xFFFF0000, v20;
	v27 =	vadd.f32 v61, v57;
	v24 =	vadd.s32 v24, v40  }
0x85: {  	v29 =	vadd.f32 v20, v29;
	v20 =	vand.u32 $0xFFFF0000, v26;
	[tilespmem:s23+$0x7420] =	vst v22;
	v22 =	vadd.s32 $0x7FFF, v24  }
0x86: {  	[tilespmem:s23+$0x7450] =	vst v18;
	v26 =	vadd.s32 $0x7FFF, v60;
	v21 =	vand.u32 $0xFFFF0000, v22;
	v22 =	vadd.s32 v63, v58  }
0x87: {  	v19 =	vand.u32 $0xFFFF0000, v26;
	[tilespmem:s23+$0x7400] =	vst v27;
	v21 =	vadd.f32 v32, v21;
	v22 =	vadd.s32 $0x7FFF, v22  }
0x88: {  	[tilespmem:s23+$0x7410] =	vst v29;
	v19 =	vadd.f32 v19, v35;
	v18 =	vand.u32 $0xFFFF0000, v22;
	v22 =	vand.u32 $0x1, v36  }
0x89: {  	v16 =	vshrl.u32 v9, $0x10;
	[tilespmem:s23+$0x7020] =	vst v21;
	v21 =	vadd.s32 v22, v31;
	v22 =	vadd.s32 $0x7FFF, v25  }
0x8a: {  	s26 =	simm.s32 $0x100;
	s24 =	simm.s32 $0x80;
	[tilespmem:s23+$0x7010] =	vst v19;
	v19 =	vand.u32 $0xFFFF0000, v17;
	v17 =	vadd.s32 $0x7FFF, v21;
	v21 =	vand.u32 $0xFFFF0000, v22  }
.LBB2_6:
0x8b: {  	s25 =	smov.u32 s26  }
0x8c: {  	s28 =	sand.u32 $0x7800, s26;
	s29 =	sand.u32 $0x380, s24;
	v16 =	vand.u32 $0x1, v16;
	v12 =	vand.u32 $0xFFFF0000, v12;
	v15 =	vadd.s32 $0x7FFF, v15;
	s25 =	sadd.s32 $0x100, s26  }
0x8d: {  	p0 =	sne.s32 s26, $0x6F00;
	v13 =	vand.u32 $0x1, v13;
	s28 =	sor.u32 s29, s28;
	v9 =	vadd.s32 v16, v9;
	v15 =	vand.u32 $0xFFFF0000, v15  }
0x8e: {  	v8 =	vadd.f32 v21, v8;
	v9 =	vadd.s32 $0x7FFF, v9;
	v15 =	vadd.f32 v19, v15;
	v16 =	vld [tilespmem:s28+$0xE450]  }
0x8f: {  	v14 =	vadd.s32 $0x7FFF, v14;
	v10 =	vadd.f32 v20, v10;
	v12 =	vadd.f32 v18, v12;
	v19 =	vld [tilespmem:s28+$0xE440]  }
0x90: {  	v6 =	vadd.s32 v13, v6;
	v13 =	vand.u32 $0xFFFF0000, v14;
	v9 =	vand.u32 $0xFFFF0000, v9;
	v20 =	vld [tilespmem:s28+$0x7440];
	[tilespmem:s23+$0x7040] =	vst v15  }
0x91: {  	v5 =	vadd.s32 v7, v5;
	v6 =	vadd.s32 $0x7FFF, v6;
	v11 =	vadd.f32 v13, v11;
	v14 =	vld [tilespmem:s28+$0x7420];
	[tilespmem:s23+$0x7060] =	vst v10  }
0x92: {  	v5 =	vadd.s32 $0x7FFF, v5;
	v6 =	vand.u32 $0xFFFF0000, v6;
	v10 =	vand.u32 $0xFFFF0000, v17;
	v7 =	vld [tilespmem:s28+$0x7010];
	[tilespmem:s23+$0x7430] =	vst v8  }
0x93: {  	v5 =	vand.u32 $0xFFFF0000, v5;
	v6 =	vadd.f32 v6, v9;
	v13 =	vld [tilespmem:s28+$0x7060];
	v8 =	vshrl.u32 v16, $0x10;
	[tilespmem:s23+$0x7030] =	vst v12  }
0x94: {  	v5 =	vadd.f32 v5, v10;
	v9 =	vld [tilespmem:s28+$0xE020];
	v12 =	vshrl.u32 v19, $0x10;
	v8 =	vand.u32 $0x1, v8;
	[tilespmem:s23+$0x7050] =	vst v11  }
0x95: {  	v11 =	vld [tilespmem:s28+$0x7040];
	v10 =	vshrl.u32 v20, $0x10;
	v12 =	vand.u32 $0x1, v12;
	v8 =	vadd.s32 v8, v16;
	[tilespmem:s23+$0x7000] =	vst v6  }
0x96: {  	v17 =	vld [tilespmem:s28+$0xE040];
	v6 =	vand.u32 $0x1, v10;
	v10 =	vadd.s32 v12, v19;
	v18 =	vadd.s32 $0x7FFF, v8;
	[tilespmem:s23+$0x7070] =	vst v5;
	s23 =	smov.u32 s28  }
0x97: {  	v8 =	vld [tilespmem:s23+$0x7430];
	v5 =	vadd.s32 v6, v20;
	v20 =	vadd.s32 $0x7FFF, v10  }
0x98: {  	v6 =	vshrl.u32 v7, $0x10;
	v15 =	vld [tilespmem:s23+$0x7050]  }
0x99: {  	v10 =	vand.u32 $0x1, v6;
	v21 =	vadd.s32 $0x7FFF, v5;
	v12 =	vld [tilespmem:s23+$0x7030]  }
0x9a: {  	v5 =	vadd.s32 v10, v7;
	v7 =	vshrl.u32 v9, $0x10;
	v6 =	vld [tilespmem:s23+$0xE000]  }
0x9b: {  	v22 =	vadd.s32 $0x7FFF, v5;
	v7 =	vand.u32 $0x1, v7;
	v10 =	vshrl.u32 v11, $0x10;
	v5 =	vld [tilespmem:s23+$0xE070]  }
0x9c: {  	v24 =	vshrl.u32 v14, $0x10;
	v16 =	vand.u32 $0x1, v10;
	v10 =	vshrl.u32 v17, $0x10;
	v23 =	vld [tilespmem:s23+$0x7400]  }
0x9d: {  	v19 =	vand.u32 $0x1, v10;
	v10 =	vand.u32 $0x1, v24;
	v25 =	vshrl.u32 v8, $0x10;
	v24 =	vld [tilespmem:s23+$0xE420]  }
0x9e: {  	v26 =	vadd.s32 v7, v9;
	v7 =	vadd.s32 v10, v14;
	v9 =	vand.u32 $0x1, v25;
	v27 =	vld [tilespmem:s23+$0xE400]  }
0x9f: {  	v10 =	vshrl.u32 v12, $0x10;
	v7 =	vadd.s32 $0x7FFF, v7;
	v8 =	vadd.s32 v9, v8;
	v25 =	vld [tilespmem:s23+$0xE060]  }
0xa0: {  	v9 =	vand.u32 $0x1, v10;
	v28 =	vand.u32 $0xFFFF0000, v7;
	v7 =	vadd.s32 $0x7FFF, v8;
	v29 =	vld [tilespmem:s23+$0xE430]  }
0xa1: {  	v10 =	vadd.s32 v9, v12;
	v12 =	vshrl.u32 v13, $0x10;
	v8 =	vand.u32 $0xFFFF0000, v7;
	v14 =	vld [tilespmem:s23+$0xE050]  }
0xa2: {  	v7 =	vand.u32 $0x1, v12;
	v12 =	vshrl.u32 v5, $0x10;
	v30 =	vshrl.u32 v23, $0x10;
	v9 =	vld [tilespmem:s23+$0x7000]  }
0xa3: {  	v31 =	vshrl.u32 v15, $0x10;
	v13 =	vadd.s32 v7, v13;
	v7 =	vand.u32 $0x1, v12;
	v32 =	vld [tilespmem:s23+$0x7070]  }
0xa4: {  	v31 =	vand.u32 $0x1, v31;
	v12 =	vadd.s32 $0x7FFF, v10;
	v10 =	vadd.s32 $0x7FFF, v13  }
0xa5: {  	v13 =	vadd.s32 $0x7FFF, v26;
	v10 =	vand.u32 $0xFFFF0000, v10;
	v26 =	vshrl.u32 v29, $0x10  }
0xa6: {  	v15 =	vadd.s32 v31, v15;
	v33 =	vand.u32 $0xFFFF0000, v13;
	v31 =	vshrl.u32 v14, $0x10  }
0xa7: {  	v34 =	vadd.s32 $0x7FFF, v15;
	v30 =	vand.u32 $0x1, v30;
	v13 =	vshrl.u32 v6, $0x10  }
0xa8: {  	v15 =	vadd.s32 v16, v11;
	v11 =	vand.u32 $0xFFFF0000, v34;
	v31 =	vand.u32 $0x1, v31;
	v35 =	vld [tilespmem:s23+$0xE010]  }
0xa9: {  	v16 =	vshrl.u32 v9, $0x10;
	v14 =	vadd.s32 v31, v14;
	v31 =	vshrl.u32 v25, $0x10;
	v34 =	vld [tilespmem:s23+$0x7410]  }
0xaa: {  	v22 =	vand.u32 $0xFFFF0000, v22;
	v23 =	vadd.s32 v30, v23;
	v26 =	vand.u32 $0x1, v26;
	v30 =	vld [tilespmem:s23+$0xE410]  }
0xab: {  	v37 =	vshrl.u32 v27, $0x10;
	v36 =	vshrl.u32 v32, $0x10;
	v31 =	vand.u32 $0x1, v31  }
0xac: {  	v26 =	vadd.s32 v26, v29;
	v25 =	vadd.s32 v31, v25;
	v31 =	vand.u32 $0x1, v37  }
0xad: {  	v23 =	vadd.s32 $0x7FFF, v23;
	v27 =	vadd.s32 v31, v27;
	v29 =	vshrl.u32 v35, $0x10  }
0xae: {  	v27 =	vadd.s32 $0x7FFF, v27;
	v29 =	vand.u32 $0x1, v29;
	v31 =	vshrl.u32 v34, $0x10  }
0xaf: {  	v23 =	vand.u32 $0xFFFF0000, v23;
	v25 =	vadd.s32 $0x7FFF, v25;
	v37 =	vshrl.u32 v30, $0x10  }
0xb0: {  	v38 =	vshrl.u32 v24, $0x10;
	v31 =	vand.u32 $0x1, v31;
	v37 =	vand.u32 $0x1, v37;
	v39 =	vld [tilespmem:s23+$0x7450]  }
0xb1: {  	v31 =	vadd.s32 v31, v34;
	v34 =	vand.u32 $0x1, v38;
	v40 =	vld [tilespmem:s23+$0x7020];
	v30 =	vadd.s32 v37, v30  }
0xb2: {  	v31 =	vadd.s32 $0x7FFF, v31;
	v24 =	vadd.s32 v34, v24;
	v30 =	vadd.s32 $0x7FFF, v30  }
0xb3: {  	v31 =	vand.u32 $0xFFFF0000, v31;
	v24 =	vadd.s32 $0x7FFF, v24;
	v30 =	vand.u32 $0xFFFF0000, v30  }
0xb4: {  	v24 =	vand.u32 $0xFFFF0000, v24;
	v34 =	vld [tilespmem:s23+$0xE030];
	v30 =	vadd.f32 v30, v31;
	v31 =	vand.u32 $0xFFFF0000, v20  }
0xb5: {  	v21 =	vand.u32 $0xFFFF0000, v21;
	v20 =	vand.u32 $0xFFFF0000, v25;
	v24 =	vadd.f32 v24, v28  }
0xb6: {  	v21 =	vadd.f32 v31, v21;
	v28 =	vshrl.u32 v39, $0x10;
	v25 =	vshrl.u32 v40, $0x10;
	[tilespmem:s23+$0x7410] =	vst v30  }
0xb7: {  	v29 =	vadd.s32 v29, v35;
	v25 =	vand.u32 $0x1, v25;
	[tilespmem:s23+$0x7420] =	vst v24;
	v24 =	vand.u32 $0x1, v28  }
0xb8: {  	v27 =	vand.u32 $0xFFFF0000, v27;
	v28 =	vadd.s32 $0x7FFF, v29;
	[tilespmem:s23+$0x7440] =	vst v21;
	v21 =	vadd.s32 v24, v39  }
0xb9: {  	v23 =	vadd.f32 v27, v23;
	v24 =	vshrl.u32 v34, $0x10;
	v21 =	vadd.s32 $0x7FFF, v21  }
0xba: {  	v18 =	vand.u32 $0xFFFF0000, v18;
	v25 =	vadd.s32 v25, v40;
	v21 =	vand.u32 $0xFFFF0000, v21  }
0xbb: {  	v25 =	vadd.s32 $0x7FFF, v25;
	v24 =	vand.u32 $0x1, v24;
	[tilespmem:s23+$0x7400] =	vst v23;
	v18 =	vadd.f32 v18, v21  }
.Ltmp2:
0xbc: {  	v21 =	vand.u32 $0xFFFF0000, v28;
	v23 =	vand.u32 $0xFFFF0000, v25;
	v24 =	vadd.s32 v24, v34;
	(pc) =	sbr.rel @p0 .LBB2_6-.Ltmp2, $4  }
0xbd: {  	v21 =	vadd.f32 v21, v22;
	v22 =	vadd.f32 v33, v23;
	v23 =	vadd.s32 $0x7FFF, v24;
	[tilespmem:s23+$0x7450] =	vst v18  }
0xbe: {  	v17 =	vadd.s32 v19, v17;
	v19 =	vand.u32 $0x1, v36;
	v18 =	vand.u32 $0xFFFF0000, v23  }
0xbf: {  	v17 =	vadd.s32 $0x7FFF, v17;
	v23 =	vadd.s32 $0x7FFF, v26;
	[tilespmem:s23+$0x7020] =	vst v22;
	v22 =	vadd.s32 v19, v32  }
0xc0: {  	s24 =	sadd.s32 $0x80, s24;
	s26 =	smov.u32 s25;
	v19 =	vand.u32 $0xFFFF0000, v17;
	[tilespmem:s23+$0x7010] =	vst v21;
	v17 =	vadd.s32 $0x7FFF, v22;
	v21 =	vand.u32 $0xFFFF0000, v23  }
0xc1: {  	v16 =	vand.u32 $0x1, v16;
	v15 =	vadd.s32 $0x7FFF, v15  }
0xc2: {  	v12 =	vand.u32 $0xFFFF0000, v12;
	v13 =	vand.u32 $0x1, v13;
	v8 =	vadd.f32 v21, v8  }
0xc3: {  	v10 =	vadd.f32 v20, v10;
	v14 =	vadd.s32 $0x7FFF, v14;
	v5 =	vadd.s32 v7, v5  }
0xc4: {  	v9 =	vadd.s32 v16, v9;
	v15 =	vand.u32 $0xFFFF0000, v15;
	v12 =	vadd.f32 v18, v12  }
0xc5: {  	v6 =	vadd.s32 v13, v6;
	v13 =	vand.u32 $0xFFFF0000, v14;
	v5 =	vadd.s32 $0x7FFF, v5;
	[tilespmem:s23+$0x7060] =	vst v10  }
0xc6: {  	v15 =	vadd.f32 v19, v15;
	v9 =	vadd.s32 $0x7FFF, v9;
	v6 =	vadd.s32 $0x7FFF, v6;
	[tilespmem:s23+$0x7430] =	vst v8  }
0xc7: {  	v7 =	vadd.f32 v13, v11;
	v8 =	vand.u32 $0xFFFF0000, v17;
	v5 =	vand.u32 $0xFFFF0000, v5;
	[tilespmem:s23+$0x7030] =	vst v12  }
0xc8: {  	v9 =	vand.u32 $0xFFFF0000, v9;
	v6 =	vand.u32 $0xFFFF0000, v6;
	v5 =	vadd.f32 v5, v8;
	[tilespmem:s23+$0x7040] =	vst v15  }
0xc9: {  	v6 =	vadd.f32 v6, v9;
	[tilespmem:s23+$0x7050] =	vst v7  }
0xca: {  	[tilespmem:s23+$0x7070] =	vst v5  }
0xcb: {  	s31 =	simm.s32 $0x0;
	[tilespmem:s23+$0x7000] =	vst v6  }
0xcc: {  	[tilespmem:s15], [sflag:$0x1] =	stream.linear.gather [hbm4b:s8+s31], $0x7000, $0x38;
	[tilespmem:$0x19D80] =	vst v63  }
0xcd: {  	_ =	swait.ge [sflag:s13], $0x7000  }
0xce: {  	s24 =	sand.u32 $0x7800, s31;
	s23 =	sand.u32 $0x380, s31;
	[sflag:s13] =	ssyncset.done $0x0  }
0xcf: {  	s23 =	sor.u32 s24, s23;
	[sflag:s13] =	ssyncadd.s32 $0xFFFF9000  }
0xd0: {  	v5 =	vld [tilespmem:s23+$0xE040]  }
0xd1: {  	v7 =	vld [tilespmem:s23+$0xE030]  }
0xd2: {  	v11 =	vld [tilespmem:s23+$0xE020]  }
0xd3: {  	v19 =	vld [tilespmem:s23+$0xE050]  }
0xd4: {  	v6 =	vld [tilespmem:s23+$0xE060]  }
0xd5: {  	v13 =	vld [tilespmem:s23+$0xE400]  }
0xd6: {  	v21 =	vld [tilespmem:s23+$0xE420]  }
0xd7: {  	v8 =	vld [tilespmem:s23+$0xE440];
	_ =	sdelay $0x1  }
0xd8: {  	v10 =	vld [tilespmem:s23+$0xE070];
	v9 =	vshrl.u32 v11, $0x10  }
0xd9: {  	v16 =	vld [tilespmem:s23+$0xE450];
	v12 =	vshrl.u32 v7, $0x10;
	v14 =	vshrl.u32 v5, $0x10;
	v20 =	vshrl.u32 v19, $0x10  }
0xda: {  	v18 =	vld [tilespmem:s23+$0xE410];
	v24 =	vshrl.u32 v6, $0x10;
	v15 =	vshrl.u32 v13, $0x10;
	v26 =	vshrl.u32 v21, $0x10  }
0xdb: {  	v22 =	vld [tilespmem:s23+$0xE000];
	v17 =	vand.u32 $0x1, v9;
	v9 =	vand.u32 $0x1, v12;
	v12 =	vshrl.u32 v8, $0x10  }
0xdc: {  	v25 =	vld [tilespmem:s23+$0x400];
	v14 =	vand.u32 $0x1, v14;
	v28 =	vand.u32 $0x1, v20;
	v7 =	vadd.s32 v9, v7  }
0xdd: {  	v27 =	vld [tilespmem:s23+$0x30];
	v20 =	vand.u32 $0x1, v24;
	v23 =	vadd.s32 $0x7FFF, v7;
	v7 =	vshrl.u32 v10, $0x10  }
0xde: {  	v12 =	vand.u32 $0x1, v12;
	v9 =	vld [tilespmem:s23+$0x70];
	v14 =	vadd.s32 v14, v5;
	v7 =	vand.u32 $0x1, v7  }
0xdf: {  	v5 =	vld [tilespmem:s23+$0x10];
	v8 =	vadd.s32 v12, v8;
	v12 =	vand.u32 $0x1, v15;
	v7 =	vadd.s32 v7, v10  }
0xe0: {  	v15 =	vld [tilespmem:s23+$0xE430];
	v13 =	vadd.s32 v12, v13;
	v23 =	vand.u32 $0xFFFF0000, v23;
	v7 =	vadd.s32 $0x7FFF, v7  }
0xe1: {  	v10 =	vadd.s32 $0x7FFF, v8;
	v8 =	vld [tilespmem:s23+$0xE010];
	v12 =	vand.u32 $0xFFFF0000, v7;
	v7 =	vadd.s32 $0x7FFF, v13  }
0xe2: {  	v24 =	vand.u32 $0x1, v26;
	v27 =	vadd.f32 v23, v27;
	v23 =	vld [tilespmem:s23+$0x60];
	v7 =	vand.u32 $0xFFFF0000, v7  }
0xe3: {  	v26 =	vshrl.u32 v22, $0x10;
	v13 =	vadd.s32 v17, v11;
	v11 =	vld [tilespmem:s23+$0x50];
	v25 =	vadd.f32 v7, v25  }
0xe4: {  	v19 =	vadd.s32 v28, v19;
	v17 =	vshrl.u32 v18, $0x10;
	v29 =	vadd.s32 $0x7FFF, v13;
	v13 =	vld [tilespmem:s23+$0x40]  }
0xe5: {  	v14 =	vadd.s32 $0x7FFF, v14;
	v17 =	vand.u32 $0x1, v17;
	v7 =	vld [tilespmem:s23+$0x450];
	[tilespmem:s23+$0x400] =	vst v25;
	v25 =	vadd.s32 v24, v21  }
0xe6: {  	v24 =	vand.u32 $0x1, v26;
	v21 =	vand.u32 $0xFFFF0000, v29;
	v26 =	vld [tilespmem:s23+$0x420];
	v29 =	vshrl.u32 v16, $0x10  }
0xe7: {  	v18 =	vadd.s32 v17, v18;
	v17 =	vld [tilespmem:s23+$0x440];
	v24 =	vadd.s32 v24, v22;
	v29 =	vand.u32 $0x1, v29  }
0xe8: {  	v22 =	vld [tilespmem:s23+$0x20];
	v30 =	vadd.s32 $0x7FFF, v25;
	v16 =	vadd.s32 v29, v16;
	v29 =	vshrl.u32 v15, $0x10  }
0xe9: {  	s28 =	simm.s32 $0x100;
	s24 =	simm.s32 $0x80;
	v25 =	vld [tilespmem:s23+$0x430];
	v28 =	vand.u32 $0xFFFF0000, v30;
	v29 =	vand.u32 $0x1, v29;
	v16 =	vadd.s32 $0x7FFF, v16  }
.LBB2_8:
0xea: {  	s25 =	smov.u32 s28  }
0xeb: {  	s26 =	sand.u32 $0x7800, s28;
	s29 =	sand.u32 $0x380, s24;
	v30 =	vld [tilespmem:s23+$0x0];
	v24 =	vadd.s32 $0x7FFF, v24;
	[tilespmem:s23+$0x30] =	vst v27;
	v26 =	vadd.f32 v28, v26;
	v15 =	vadd.s32 v29, v15;
	s25 =	sadd.s32 $0x100, s28  }
0xec: {  	p0 =	sne.s32 s28, $0x6F00;
	v14 =	vand.u32 $0xFFFF0000, v14;
	v6 =	vadd.s32 v20, v6;
	s26 =	sor.u32 s26, s29;
	v15 =	vadd.s32 $0x7FFF, v15;
	v20 =	vld [tilespmem:s23+$0x410]  }
0xed: {  	v21 =	vadd.f32 v21, v22;
	v6 =	vadd.s32 $0x7FFF, v6;
	v15 =	vand.u32 $0xFFFF0000, v15;
	v27 =	vld [tilespmem:s26+$0xE040];
	[tilespmem:s23+$0x420] =	vst v26  }
0xee: {  	v24 =	vand.u32 $0xFFFF0000, v24;
	v6 =	vand.u32 $0xFFFF0000, v6;
	v15 =	vadd.f32 v15, v25;
	v22 =	vld [tilespmem:s26+$0xE030]  }
0xef: {  	v9 =	vadd.f32 v12, v9;
	v12 =	vadd.s32 $0x7FFF, v18;
	v6 =	vadd.f32 v6, v23;
	v25 =	vld [tilespmem:s26+$0xE020];
	[tilespmem:s23+$0x20] =	vst v21  }
0xf0: {  	v12 =	vand.u32 $0xFFFF0000, v12;
	v23 =	vshrl.u32 v8, $0x10;
	v21 =	vadd.f32 v24, v30;
	v18 =	vld [tilespmem:s26+$0xE440];
	[tilespmem:s23+$0x430] =	vst v15  }
0xf1: {  	v15 =	vadd.s32 $0x7FFF, v19;
	v28 =	vld [tilespmem:s26+$0xE450];
	[tilespmem:s23+$0x60] =	vst v6;
	v12 =	vadd.f32 v12, v20;
	v6 =	vand.u32 $0xFFFF0000, v10  }
0xf2: {  	v10 =	vand.u32 $0x1, v23;
	v15 =	vand.u32 $0xFFFF0000, v15;
	v19 =	vld [tilespmem:s26+$0xE050];
	v17 =	vadd.f32 v6, v17  }
0xf3: {  	v8 =	vadd.s32 v10, v8;
	v10 =	vadd.f32 v14, v13;
	v11 =	vadd.f32 v15, v11;
	v6 =	vld [tilespmem:s26+$0xE060];
	[tilespmem:s23+$0x70] =	vst v9  }
0xf4: {  	v14 =	vand.u32 $0xFFFF0000, v16;
	v8 =	vadd.s32 $0x7FFF, v8;
	v9 =	vshrl.u32 v25, $0x10;
	v13 =	vld [tilespmem:s26+$0xE070];
	[tilespmem:s23+$0x440] =	vst v17  }
0xf5: {  	v16 =	vand.u32 $0x1, v9;
	v9 =	vshrl.u32 v22, $0x10;
	v17 =	vld [tilespmem:s26+$0xE400];
	v15 =	vshrl.u32 v18, $0x10;
	[tilespmem:s23+$0x40] =	vst v10  }
0xf6: {  	v8 =	vand.u32 $0xFFFF0000, v8;
	v10 =	vshrl.u32 v27, $0x10;
	v9 =	vand.u32 $0x1, v9;
	v23 =	vld [tilespmem:s26+$0xE410]  }
0xf7: {  	v20 =	vand.u32 $0x1, v10;
	v10 =	vand.u32 $0x1, v15;
	v24 =	vld [tilespmem:s26+$0xE000];
	v9 =	vadd.s32 v9, v22;
	[tilespmem:s23+$0x0] =	vst v21  }
0xf8: {  	v7 =	vadd.f32 v14, v7;
	v21 =	vshrl.u32 v19, $0x10;
	v29 =	vadd.s32 $0x7FFF, v9;
	v22 =	vld [tilespmem:s26+$0xE420];
	[tilespmem:s23+$0x50] =	vst v11  }
0xf9: {  	v5 =	vadd.f32 v8, v5;
	v26 =	vshrl.u32 v6, $0x10;
	v9 =	vld [tilespmem:s26+$0x70];
	v11 =	vshrl.u32 v13, $0x10;
	[tilespmem:s23+$0x410] =	vst v12  }
0xfa: {  	v10 =	vadd.s32 v10, v18;
	v8 =	vand.u32 $0x1, v11;
	v30 =	vld [tilespmem:s26+$0x400];
	v11 =	vshrl.u32 v17, $0x10;
	[tilespmem:s23+$0x450] =	vst v7  }
0xfb: {  	v10 =	vadd.s32 $0x7FFF, v10;
	v7 =	vadd.s32 v8, v13;
	v11 =	vand.u32 $0x1, v11;
	v15 =	vld [tilespmem:s26+$0xE430];
	[tilespmem:s23+$0x10] =	vst v5;
	s23 =	smov.u32 s26  }
0xfc: {  	v12 =	vadd.s32 v20, v27;
	v8 =	vld [tilespmem:s23+$0xE010];
	v7 =	vadd.s32 $0x7FFF, v7;
	v11 =	vadd.s32 v11, v17  }
0xfd: {  	v14 =	vadd.s32 $0x7FFF, v12;
	v5 =	vld [tilespmem:s23+$0x10];
	v12 =	vand.u32 $0xFFFF0000, v7;
	v7 =	vadd.s32 $0x7FFF, v11  }
0xfe: {  	v13 =	vadd.s32 v16, v25;
	v16 =	vshrl.u32 v23, $0x10;
	v11 =	vld [tilespmem:s23+$0x50];
	v7 =	vand.u32 $0xFFFF0000, v7  }
0xff: {  	v16 =	vand.u32 $0x1, v16;
	v18 =	vshrl.u32 v22, $0x10;
	v17 =	vadd.f32 v7, v30;
	v7 =	vld [tilespmem:s23+$0x450]  }
0x100: {  	v20 =	vand.u32 $0x1, v26;
	v18 =	vand.u32 $0x1, v18;
	v30 =	vand.u32 $0x1, v21;
	v25 =	vld [tilespmem:s23+$0x30]  }
0x101: {  	v26 =	vadd.s32 $0x7FFF, v13;
	v21 =	vshrl.u32 v24, $0x10;
	v13 =	vld [tilespmem:s23+$0x40];
	[tilespmem:s23+$0x400] =	vst v17;
	v17 =	vadd.s32 v18, v22  }
.Ltmp3:
0x102: {  	v27 =	vshrl.u32 v28, $0x10;
	v18 =	vand.u32 $0x1, v21;
	v21 =	vand.u32 $0xFFFF0000, v26;
	v26 =	vld [tilespmem:s23+$0x420];
	(pc) =	sbr.rel @p0 .LBB2_8-.Ltmp3, $4  }
0x103: {  	v24 =	vadd.s32 v18, v24;
	v18 =	vadd.s32 v16, v23;
	v16 =	vand.u32 $0x1, v27;
	v22 =	vld [tilespmem:s23+$0x20]  }
0x104: {  	v23 =	vand.u32 $0xFFFF0000, v29;
	v29 =	vadd.s32 $0x7FFF, v17;
	v16 =	vadd.s32 v16, v28;
	v17 =	vld [tilespmem:s23+$0x440]  }
0x105: {  	v19 =	vadd.s32 v30, v19;
	v30 =	vshrl.u32 v15, $0x10;
	v27 =	vadd.f32 v23, v25;
	v25 =	vld [tilespmem:s23+$0x430]  }
0x106: {  	s24 =	sadd.s32 $0x80, s24;
	s28 =	smov.u32 s25;
	v28 =	vand.u32 $0xFFFF0000, v29;
	v29 =	vand.u32 $0x1, v30;
	v16 =	vadd.s32 $0x7FFF, v16;
	v23 =	vld [tilespmem:s23+$0x60]  }
0x107: {  	v15 =	vadd.s32 v29, v15;
	v26 =	vadd.f32 v28, v26  }
0x108: {  	v6 =	vadd.s32 v20, v6;
	[tilespmem:s23+$0x30] =	vst v27;
	v9 =	vadd.f32 v12, v9;
	v15 =	vadd.s32 $0x7FFF, v15  }
0x109: {  	v29 =	vld [tilespmem:s23+$0x0];
	v21 =	vadd.f32 v21, v22;
	v6 =	vadd.s32 $0x7FFF, v6;
	v15 =	vand.u32 $0xFFFF0000, v15;
	[tilespmem:s23+$0x420] =	vst v26  }
0x10a: {  	v14 =	vand.u32 $0xFFFF0000, v14;
	v6 =	vand.u32 $0xFFFF0000, v6;
	[tilespmem:s23+$0x70] =	vst v9;
	v15 =	vadd.f32 v15, v25  }
0x10b: {  	v20 =	vld [tilespmem:s23+$0x410];
	v10 =	vand.u32 $0xFFFF0000, v10;
	v22 =	vadd.s32 $0x7FFF, v24;
	[tilespmem:s23+$0x20] =	vst v21;
	v6 =	vadd.f32 v6, v23  }
0x10c: {  	v13 =	vadd.f32 v14, v13;
	v12 =	vand.u32 $0xFFFF0000, v22;
	[tilespmem:s23+$0x430] =	vst v15;
	v15 =	vadd.s32 $0x7FFF, v18  }
0x10d: {  	[tilespmem:s23+$0x60] =	vst v6;
	v6 =	vadd.f32 v10, v17;
	v10 =	vshrl.u32 v8, $0x10;
	v17 =	vadd.s32 $0x7FFF, v19  }
0x10e: {  	[tilespmem:s23+$0x40] =	vst v13;
	v9 =	vadd.f32 v12, v29;
	v10 =	vand.u32 $0x1, v10;
	v12 =	vand.u32 $0xFFFF0000, v17  }
0x10f: {  	[tilespmem:s23+$0x440] =	vst v6;
	v6 =	vand.u32 $0xFFFF0000, v15;
	v8 =	vadd.s32 v10, v8;
	v10 =	vadd.f32 v12, v11  }
0x110: {  	[tilespmem:s23+$0x0] =	vst v9;
	v11 =	vand.u32 $0xFFFF0000, v16;
	v6 =	vadd.f32 v6, v20;
	v8 =	vadd.s32 $0x7FFF, v8  }
0x111: {  	v7 =	vadd.f32 v11, v7;
	v8 =	vand.u32 $0xFFFF0000, v8;
	[tilespmem:s23+$0x50] =	vst v10  }
0x112: {  	v5 =	vadd.f32 v8, v5;
	[tilespmem:s23+$0x410] =	vst v6  }
0x113: {  	[tilespmem:s23+$0x450] =	vst v7  }
0x114: {  	s31 =	simm.s32 $0x0;
	[tilespmem:s23+$0x10] =	vst v5  }
0x115: {  	[tilespmem:s15], [sflag:$0x1] =	stream.linear.gather [hbm4b:s9+s31], $0x7000, $0x38;
	[tilespmem:$0x19D80] =	vst v63  }
0x116: {  	_ =	swait.ge [sflag:s13], $0x7000  }
0x117: {  	s24 =	sand.u32 $0x7800, s31;
	s23 =	sand.u32 $0x380, s31;
	[sflag:s13] =	ssyncset.done $0x0  }
0x118: {  	s23 =	sor.u32 s23, s24;
	[sflag:s13] =	ssyncadd.s32 $0xFFFF9000  }
0x119: {  	v5 =	vld [tilespmem:s23+$0xE040]  }
0x11a: {  	v7 =	vld [tilespmem:s23+$0xE030]  }
0x11b: {  	v11 =	vld [tilespmem:s23+$0xE020]  }
0x11c: {  	v19 =	vld [tilespmem:s23+$0xE050]  }
0x11d: {  	v6 =	vld [tilespmem:s23+$0xE060]  }
0x11e: {  	v13 =	vld [tilespmem:s23+$0xE400]  }
0x11f: {  	v21 =	vld [tilespmem:s23+$0xE420]  }
0x120: {  	v8 =	vld [tilespmem:s23+$0xE440];
	_ =	sdelay $0x1  }
0x121: {  	v10 =	vld [tilespmem:s23+$0xE070];
	v9 =	vshrl.u32 v11, $0x10  }
0x122: {  	v16 =	vld [tilespmem:s23+$0xE450];
	v12 =	vshrl.u32 v7, $0x10;
	v14 =	vshrl.u32 v5, $0x10;
	v20 =	vshrl.u32 v19, $0x10  }
0x123: {  	v18 =	vld [tilespmem:s23+$0xE410];
	v24 =	vshrl.u32 v6, $0x10;
	v15 =	vshrl.u32 v13, $0x10;
	v26 =	vshrl.u32 v21, $0x10  }
0x124: {  	v22 =	vld [tilespmem:s23+$0xE000];
	v17 =	vand.u32 $0x1, v9;
	v9 =	vand.u32 $0x1, v12;
	v12 =	vshrl.u32 v8, $0x10  }
0x125: {  	v25 =	vld [tilespmem:s23+$0x7400];
	v14 =	vand.u32 $0x1, v14;
	v28 =	vand.u32 $0x1, v20;
	v7 =	vadd.s32 v9, v7  }
0x126: {  	v27 =	vld [tilespmem:s23+$0x7030];
	v20 =	vand.u32 $0x1, v24;
	v23 =	vadd.s32 $0x7FFF, v7;
	v7 =	vshrl.u32 v10, $0x10  }
0x127: {  	v12 =	vand.u32 $0x1, v12;
	v9 =	vld [tilespmem:s23+$0x7070];
	v14 =	vadd.s32 v14, v5;
	v7 =	vand.u32 $0x1, v7  }
0x128: {  	v5 =	vld [tilespmem:s23+$0x7010];
	v8 =	vadd.s32 v12, v8;
	v12 =	vand.u32 $0x1, v15;
	v7 =	vadd.s32 v7, v10  }
0x129: {  	v15 =	vld [tilespmem:s23+$0xE430];
	v13 =	vadd.s32 v12, v13;
	v23 =	vand.u32 $0xFFFF0000, v23;
	v7 =	vadd.s32 $0x7FFF, v7  }
0x12a: {  	v10 =	vadd.s32 $0x7FFF, v8;
	v8 =	vld [tilespmem:s23+$0xE010];
	v12 =	vand.u32 $0xFFFF0000, v7;
	v7 =	vadd.s32 $0x7FFF, v13  }
0x12b: {  	v24 =	vand.u32 $0x1, v26;
	v27 =	vadd.f32 v23, v27;
	v23 =	vld [tilespmem:s23+$0x7060];
	v7 =	vand.u32 $0xFFFF0000, v7  }
0x12c: {  	v26 =	vshrl.u32 v22, $0x10;
	v13 =	vadd.s32 v17, v11;
	v11 =	vld [tilespmem:s23+$0x7050];
	v25 =	vadd.f32 v7, v25  }
0x12d: {  	v19 =	vadd.s32 v28, v19;
	v17 =	vshrl.u32 v18, $0x10;
	v29 =	vadd.s32 $0x7FFF, v13;
	v13 =	vld [tilespmem:s23+$0x7040]  }
0x12e: {  	v14 =	vadd.s32 $0x7FFF, v14;
	v17 =	vand.u32 $0x1, v17;
	v7 =	vld [tilespmem:s23+$0x7450];
	[tilespmem:s23+$0x7400] =	vst v25;
	v25 =	vadd.s32 v24, v21  }
0x12f: {  	v24 =	vand.u32 $0x1, v26;
	v21 =	vand.u32 $0xFFFF0000, v29;
	v26 =	vld [tilespmem:s23+$0x7420];
	v29 =	vshrl.u32 v16, $0x10  }
0x130: {  	v18 =	vadd.s32 v17, v18;
	v17 =	vld [tilespmem:s23+$0x7440];
	v24 =	vadd.s32 v24, v22;
	v29 =	vand.u32 $0x1, v29  }
0x131: {  	v22 =	vld [tilespmem:s23+$0x7020];
	v30 =	vadd.s32 $0x7FFF, v25;
	v16 =	vadd.s32 v29, v16;
	v29 =	vshrl.u32 v15, $0x10  }
0x132: {  	s28 =	simm.s32 $0x100;
	s24 =	simm.s32 $0x80;
	v25 =	vld [tilespmem:s23+$0x7430];
	v28 =	vand.u32 $0xFFFF0000, v30;
	v29 =	vand.u32 $0x1, v29;
	v16 =	vadd.s32 $0x7FFF, v16  }
.LBB2_10:
0x133: {  	s25 =	smov.u32 s28  }
0x134: {  	s26 =	sand.u32 $0x7800, s28;
	s29 =	sand.u32 $0x380, s24;
	v30 =	vld [tilespmem:s23+$0x7000];
	v24 =	vadd.s32 $0x7FFF, v24;
	[tilespmem:s23+$0x7030] =	vst v27;
	v26 =	vadd.f32 v28, v26;
	v15 =	vadd.s32 v29, v15;
	s25 =	sadd.s32 $0x100, s28  }
0x135: {  	p0 =	sne.s32 s28, $0x6F00;
	v14 =	vand.u32 $0xFFFF0000, v14;
	v6 =	vadd.s32 v20, v6;
	s26 =	sor.u32 s29, s26;
	v15 =	vadd.s32 $0x7FFF, v15;
	v20 =	vld [tilespmem:s23+$0x7410]  }
0x136: {  	v21 =	vadd.f32 v21, v22;
	v6 =	vadd.s32 $0x7FFF, v6;
	v15 =	vand.u32 $0xFFFF0000, v15;
	v27 =	vld [tilespmem:s26+$0xE040];
	[tilespmem:s23+$0x7420] =	vst v26  }
0x137: {  	v24 =	vand.u32 $0xFFFF0000, v24;
	v6 =	vand.u32 $0xFFFF0000, v6;
	v15 =	vadd.f32 v15, v25;
	v22 =	vld [tilespmem:s26+$0xE030]  }
0x138: {  	v9 =	vadd.f32 v12, v9;
	v12 =	vadd.s32 $0x7FFF, v18;
	v6 =	vadd.f32 v6, v23;
	v25 =	vld [tilespmem:s26+$0xE020];
	[tilespmem:s23+$0x7020] =	vst v21  }
0x139: {  	v12 =	vand.u32 $0xFFFF0000, v12;
	v23 =	vshrl.u32 v8, $0x10;
	v21 =	vadd.f32 v24, v30;
	v18 =	vld [tilespmem:s26+$0xE440];
	[tilespmem:s23+$0x7430] =	vst v15  }
0x13a: {  	v15 =	vadd.s32 $0x7FFF, v19;
	v28 =	vld [tilespmem:s26+$0xE450];
	[tilespmem:s23+$0x7060] =	vst v6;
	v12 =	vadd.f32 v12, v20;
	v6 =	vand.u32 $0xFFFF0000, v10  }
0x13b: {  	v10 =	vand.u32 $0x1, v23;
	v15 =	vand.u32 $0xFFFF0000, v15;
	v19 =	vld [tilespmem:s26+$0xE050];
	v17 =	vadd.f32 v6, v17  }
0x13c: {  	v8 =	vadd.s32 v10, v8;
	v10 =	vadd.f32 v14, v13;
	v11 =	vadd.f32 v15, v11;
	v6 =	vld [tilespmem:s26+$0xE060];
	[tilespmem:s23+$0x7070] =	vst v9  }
0x13d: {  	v14 =	vand.u32 $0xFFFF0000, v16;
	v8 =	vadd.s32 $0x7FFF, v8;
	v9 =	vshrl.u32 v25, $0x10;
	v13 =	vld [tilespmem:s26+$0xE070];
	[tilespmem:s23+$0x7440] =	vst v17  }
0x13e: {  	v16 =	vand.u32 $0x1, v9;
	v9 =	vshrl.u32 v22, $0x10;
	v17 =	vld [tilespmem:s26+$0xE400];
	v15 =	vshrl.u32 v18, $0x10;
	[tilespmem:s23+$0x7040] =	vst v10  }
0x13f: {  	v8 =	vand.u32 $0xFFFF0000, v8;
	v10 =	vshrl.u32 v27, $0x10;
	v9 =	vand.u32 $0x1, v9;
	v23 =	vld [tilespmem:s26+$0xE410]  }
0x140: {  	v20 =	vand.u32 $0x1, v10;
	v10 =	vand.u32 $0x1, v15;
	v24 =	vld [tilespmem:s26+$0xE000];
	v9 =	vadd.s32 v9, v22;
	[tilespmem:s23+$0x7000] =	vst v21  }
0x141: {  	v7 =	vadd.f32 v14, v7;
	v21 =	vshrl.u32 v19, $0x10;
	v29 =	vadd.s32 $0x7FFF, v9;
	v22 =	vld [tilespmem:s26+$0xE420];
	[tilespmem:s23+$0x7050] =	vst v11  }
0x142: {  	v5 =	vadd.f32 v8, v5;
	v26 =	vshrl.u32 v6, $0x10;
	v9 =	vld [tilespmem:s26+$0x7070];
	v11 =	vshrl.u32 v13, $0x10;
	[tilespmem:s23+$0x7410] =	vst v12  }
0x143: {  	v10 =	vadd.s32 v10, v18;
	v8 =	vand.u32 $0x1, v11;
	v30 =	vld [tilespmem:s26+$0x7400];
	v11 =	vshrl.u32 v17, $0x10;
	[tilespmem:s23+$0x7450] =	vst v7  }
0x144: {  	v10 =	vadd.s32 $0x7FFF, v10;
	v7 =	vadd.s32 v8, v13;
	v11 =	vand.u32 $0x1, v11;
	v15 =	vld [tilespmem:s26+$0xE430];
	[tilespmem:s23+$0x7010] =	vst v5;
	s23 =	smov.u32 s26  }
0x145: {  	v12 =	vadd.s32 v20, v27;
	v8 =	vld [tilespmem:s23+$0xE010];
	v7 =	vadd.s32 $0x7FFF, v7;
	v11 =	vadd.s32 v11, v17  }
0x146: {  	v14 =	vadd.s32 $0x7FFF, v12;
	v5 =	vld [tilespmem:s23+$0x7010];
	v12 =	vand.u32 $0xFFFF0000, v7;
	v7 =	vadd.s32 $0x7FFF, v11  }
0x147: {  	v13 =	vadd.s32 v16, v25;
	v16 =	vshrl.u32 v23, $0x10;
	v11 =	vld [tilespmem:s23+$0x7050];
	v7 =	vand.u32 $0xFFFF0000, v7  }
0x148: {  	v16 =	vand.u32 $0x1, v16;
	v18 =	vshrl.u32 v22, $0x10;
	v17 =	vadd.f32 v7, v30;
	v7 =	vld [tilespmem:s23+$0x7450]  }
0x149: {  	v20 =	vand.u32 $0x1, v26;
	v18 =	vand.u32 $0x1, v18;
	v30 =	vand.u32 $0x1, v21;
	v25 =	vld [tilespmem:s23+$0x7030]  }
0x14a: {  	v26 =	vadd.s32 $0x7FFF, v13;
	v21 =	vshrl.u32 v24, $0x10;
	v13 =	vld [tilespmem:s23+$0x7040];
	[tilespmem:s23+$0x7400] =	vst v17;
	v17 =	vadd.s32 v18, v22  }
.Ltmp4:
0x14b: {  	v27 =	vshrl.u32 v28, $0x10;
	v18 =	vand.u32 $0x1, v21;
	v21 =	vand.u32 $0xFFFF0000, v26;
	v26 =	vld [tilespmem:s23+$0x7420];
	(pc) =	sbr.rel @p0 .LBB2_10-.Ltmp4, $4  }
0x14c: {  	v24 =	vadd.s32 v18, v24;
	v18 =	vadd.s32 v16, v23;
	v16 =	vand.u32 $0x1, v27;
	v22 =	vld [tilespmem:s23+$0x7020]  }
0x14d: {  	v23 =	vand.u32 $0xFFFF0000, v29;
	v29 =	vadd.s32 $0x7FFF, v17;
	v16 =	vadd.s32 v16, v28;
	v17 =	vld [tilespmem:s23+$0x7440]  }
0x14e: {  	v19 =	vadd.s32 v30, v19;
	v30 =	vshrl.u32 v15, $0x10;
	v27 =	vadd.f32 v23, v25;
	v25 =	vld [tilespmem:s23+$0x7430]  }
0x14f: {  	s24 =	sadd.s32 $0x80, s24;
	s28 =	smov.u32 s25;
	v28 =	vand.u32 $0xFFFF0000, v29;
	v29 =	vand.u32 $0x1, v30;
	v16 =	vadd.s32 $0x7FFF, v16;
	v23 =	vld [tilespmem:s23+$0x7060]  }
0x150: {  	v15 =	vadd.s32 v29, v15;
	v26 =	vadd.f32 v28, v26  }
0x151: {  	v6 =	vadd.s32 v20, v6;
	[tilespmem:s23+$0x7030] =	vst v27;
	v54 =	vadd.s32 $0x7FFF, v24;
	v9 =	vadd.f32 v12, v9  }
0x152: {  	v14 =	vand.u32 $0xFFFF0000, v14;
	v10 =	vand.u32 $0xFFFF0000, v10;
	v21 =	vadd.f32 v21, v22;
	[tilespmem:s23+$0x7420] =	vst v26  }
0x153: {  	v63 =	vand.u32 $0xFFFF0000, v16;
	v6 =	vadd.s32 $0x7FFF, v6;
	v13 =	vadd.f32 v14, v13;
	[tilespmem:s23+$0x7070] =	vst v9  }
0x154: {  	v52 =	vld [tilespmem:s23+$0x7000];
	v58 =	vadd.s32 $0x7FFF, v19;
	v7 =	vadd.f32 v63, v7;
	v6 =	vand.u32 $0xFFFF0000, v6;
	[tilespmem:s23+$0x7020] =	vst v21  }
0x155: {  	v53 =	vld [tilespmem:s23+$0x7410];
	v56 =	vadd.s32 $0x7FFF, v18;
	v60 =	vand.u32 $0xFFFF0000, v58;
	[tilespmem:s23+$0x7040] =	vst v13;
	v6 =	vadd.f32 v6, v23  }
0x156: {  	v57 =	vshrl.u32 v8, $0x10;
	v15 =	vadd.s32 $0x7FFF, v15;
	v62 =	vadd.f32 v60, v11;
	[tilespmem:s23+$0x7450] =	vst v7  }
0x157: {  	v15 =	vand.u32 $0xFFFF0000, v15;
	[tilespmem:s23+$0x7060] =	vst v6;
	v6 =	vadd.f32 v10, v17;
	v10 =	vand.u32 $0x1, v57  }
0x158: {  	v55 =	vand.u32 $0xFFFF0000, v54;
	v15 =	vadd.f32 v15, v25;
	[tilespmem:s23+$0x7050] =	vst v62;
	v61 =	vadd.s32 v10, v8  }
0x159: {  	v59 =	vadd.f32 v55, v52;
	[tilespmem:s23+$0x7440] =	vst v6;
	v6 =	vand.u32 $0xFFFF0000, v56;
	v8 =	vadd.s32 $0x7FFF, v61  }
0x15a: {  	[tilespmem:s23+$0x7430] =	vst v15;
	v6 =	vadd.f32 v6, v53;
	v8 =	vand.u32 $0xFFFF0000, v8  }
0x15b: {  	[tilespmem:s23+$0x7000] =	vst v59;
	v5 =	vadd.f32 v8, v5  }
0x15c: {  	[tilespmem:s23+$0x7410] =	vst v6  }
0x15d: {  	s24 =	simm.s32 $0x0;
	[tilespmem:s23+$0x7010] =	vst v5;
	s23 =	simm.s32 $0x40  }
.LBB2_12:
0x15e: {  	p0 =	seq.s32 s23, $0x6E00;
	[tilespmem:s24+$0x15000] =	vst v0;
	s24 =	smov.u32 s23;
	s23 =	sadd.s32 $0x40, s23  }
.Ltmp5:
0x15f: {  	(pc) =	sbr.rel @!p0 .LBB2_12-.Ltmp5, $2  }
0x160: {  	_ =	sdelay $0x2  }
0x161: {  	s24 =	sshra.s32 s24, $0x2  }
0x162: {  	[tilespmem:s24+$0x15000] =	vst v0;
	s23 =	simm.s32 $0x0  }
.LBB2_14:
0x163: {  	s24 =	smov.u32 s23;
	p0 =	seq.s32 s23, $0x0  }
0x164: {  	s26 =	sadd.s32 $0xFFFFFFFF, s23;
	s25 =	sshll.u32 s23, $0x8;
	s28 =	sshll.u32 s23, $0x7  }
0x165: {  	s26 =	simm.s32 @p0 $0x1;
	p0 =	seq.s32 s23, $0xDF;
	s23 =	sadd.s32 $0x1, s23  }
0x166: {  	s30 =	sand.u32 $0xF800, s25;
	s29 =	sand.u32 $0x380, s28;
	s31 =	smov.u32 s23  }
0x167: {  	s28 =	sshll.u32 s26, $0x8;
	s0 =	sshll.u32 s26, $0x7;
	s26 =	sor.u32 s29, s30  }
0x168: {  	s31 =	simm.s32 @p0 $0xDE;
	s28 =	sand.u32 $0xFFFFF800, s28;
	s0 =	sand.u32 $0x380, s0;
	v5 =	vld [tilespmem:s26+$0x0]  }
0x169: {  	s28 =	sor.u32 s0, s28;
	s1 =	sshll.u32 s31, $0x8;
	s30 =	sshll.u32 s31, $0x7  }
0x16a: {  	s0 =	sand.u32 $0x1F800, s1;
	s30 =	sand.u32 $0x380, s30;
	v6 =	vld [tilespmem:s28+$0x0]  }
0x16b: {  	s30 =	sor.u32 s30, s0  }
0x16c: {  	v7 =	vld [tilespmem:s30+$0x0]  }
0x16d: {  	v5 =	vadd.f32 v5, v5;
	_ =	sdelay $0x1  }
0x16e: {  	v5 =	vadd.f32 v5, v6;
	_ =	sdelay $0x1  }
0x16f: {  	v5 =	vadd.f32 v5, v7  }
0x170: {  	v6 =	vsub.f32 v6, v7  }
0x171: {  	[tilespmem:$0x16C01] =	vst v5  }
0x172: {  	[tilespmem:$0x16D01] =	vst v6  }
0x173: {  	v5 =	vld [tilespmem:s26+$0x10];
	_ =	sdelay $0x1  }
0x174: {  	v6 =	vld [tilespmem:s28+$0x10]  }
0x175: {  	v7 =	vld [tilespmem:s30+$0x10];
	_ =	sdelay $0x1  }
0x176: {  	v5 =	vadd.f32 v5, v5;
	_ =	sdelay $0x1  }
0x177: {  	v5 =	vadd.f32 v5, v6  }
0x178: {  	v6 =	vsub.f32 v6, v7  }
0x179: {  	v5 =	vadd.f32 v5, v7  }
0x17a: {  	[tilespmem:$0x16D11] =	vst v6  }
0x17b: {  	[tilespmem:$0x16C11] =	vst v5  }
0x17c: {  	v5 =	vld [tilespmem:s26+$0x20];
	_ =	sdelay $0x1  }
0x17d: {  	v6 =	vld [tilespmem:s28+$0x20]  }
0x17e: {  	v7 =	vld [tilespmem:s30+$0x20];
	_ =	sdelay $0x1  }
0x17f: {  	v5 =	vadd.f32 v5, v5;
	_ =	sdelay $0x1  }
0x180: {  	v5 =	vadd.f32 v5, v6  }
0x181: {  	v6 =	vsub.f32 v6, v7  }
0x182: {  	v5 =	vadd.f32 v5, v7  }
0x183: {  	[tilespmem:$0x16D21] =	vst v6  }
0x184: {  	[tilespmem:$0x16C21] =	vst v5  }
0x185: {  	v5 =	vld [tilespmem:s26+$0x30];
	_ =	sdelay $0x1  }
0x186: {  	v6 =	vld [tilespmem:s28+$0x30]  }
0x187: {  	v7 =	vld [tilespmem:s30+$0x30];
	_ =	sdelay $0x1  }
0x188: {  	v5 =	vadd.f32 v5, v5;
	_ =	sdelay $0x1  }
0x189: {  	v5 =	vadd.f32 v5, v6  }
0x18a: {  	v6 =	vsub.f32 v6, v7  }
0x18b: {  	v5 =	vadd.f32 v5, v7  }
0x18c: {  	[tilespmem:$0x16D31] =	vst v6  }
0x18d: {  	[tilespmem:$0x16C31] =	vst v5  }
0x18e: {  	v5 =	vld [tilespmem:s26+$0x40];
	_ =	sdelay $0x1  }
0x18f: {  	v6 =	vld [tilespmem:s28+$0x40]  }
0x190: {  	v7 =	vld [tilespmem:s30+$0x40];
	_ =	sdelay $0x1  }
0x191: {  	v5 =	vadd.f32 v5, v5;
	_ =	sdelay $0x1  }
0x192: {  	v5 =	vadd.f32 v5, v6  }
0x193: {  	v6 =	vsub.f32 v6, v7  }
0x194: {  	v5 =	vadd.f32 v5, v7  }
0x195: {  	[tilespmem:$0x16D41] =	vst v6  }
0x196: {  	[tilespmem:$0x16C41] =	vst v5  }
0x197: {  	v5 =	vld [tilespmem:s26+$0x50];
	_ =	sdelay $0x1  }
0x198: {  	v6 =	vld [tilespmem:s28+$0x50]  }
0x199: {  	v7 =	vld [tilespmem:s30+$0x50];
	_ =	sdelay $0x1  }
0x19a: {  	v5 =	vadd.f32 v5, v5;
	_ =	sdelay $0x1  }
0x19b: {  	v5 =	vadd.f32 v5, v6  }
0x19c: {  	v6 =	vsub.f32 v6, v7  }
0x19d: {  	v5 =	vadd.f32 v5, v7  }
0x19e: {  	[tilespmem:$0x16D51] =	vst v6  }
0x19f: {  	[tilespmem:$0x16C51] =	vst v5  }
0x1a0: {  	v5 =	vld [tilespmem:s26+$0x60];
	_ =	sdelay $0x1  }
0x1a1: {  	v6 =	vld [tilespmem:s28+$0x60]  }
0x1a2: {  	v7 =	vld [tilespmem:s30+$0x60];
	_ =	sdelay $0x1  }
0x1a3: {  	v5 =	vadd.f32 v5, v5;
	_ =	sdelay $0x1  }
0x1a4: {  	v5 =	vadd.f32 v5, v6  }
0x1a5: {  	v6 =	vsub.f32 v6, v7  }
0x1a6: {  	v5 =	vadd.f32 v5, v7  }
0x1a7: {  	[tilespmem:$0x16D61] =	vst v6  }
0x1a8: {  	[tilespmem:$0x16C61] =	vst v5  }
0x1a9: {  	v5 =	vld [tilespmem:s26+$0x70];
	_ =	sdelay $0x1  }
0x1aa: {  	v6 =	vld [tilespmem:s28+$0x70]  }
0x1ab: {  	v7 =	vld [tilespmem:s30+$0x70];
	_ =	sdelay $0x1  }
0x1ac: {  	v5 =	vadd.f32 v5, v5;
	_ =	sdelay $0x1  }
0x1ad: {  	v5 =	vadd.f32 v5, v6  }
0x1ae: {  	v6 =	vsub.f32 v6, v7  }
0x1af: {  	v5 =	vadd.f32 v5, v7  }
0x1b0: {  	[tilespmem:$0x16D71] =	vst v6  }
0x1b1: {  	[tilespmem:$0x16C71] =	vst v5  }
0x1b2: {  	v5 =	vld [tilespmem:s26+$0x400];
	_ =	sdelay $0x1  }
0x1b3: {  	v6 =	vld [tilespmem:s28+$0x400]  }
0x1b4: {  	v7 =	vld [tilespmem:s30+$0x400];
	_ =	sdelay $0x1  }
0x1b5: {  	v5 =	vadd.f32 v5, v5;
	_ =	sdelay $0x1  }
0x1b6: {  	v5 =	vadd.f32 v5, v6  }
0x1b7: {  	v6 =	vsub.f32 v6, v7  }
0x1b8: {  	v5 =	vadd.f32 v5, v7  }
0x1b9: {  	[tilespmem:$0x16D81] =	vst v6  }
0x1ba: {  	[tilespmem:$0x16C81] =	vst v5  }
0x1bb: {  	v5 =	vld [tilespmem:s26+$0x410];
	_ =	sdelay $0x1  }
0x1bc: {  	v6 =	vld [tilespmem:s28+$0x410]  }
0x1bd: {  	v7 =	vld [tilespmem:s30+$0x410];
	_ =	sdelay $0x1  }
0x1be: {  	v5 =	vadd.f32 v5, v5;
	_ =	sdelay $0x1  }
0x1bf: {  	v5 =	vadd.f32 v5, v6  }
0x1c0: {  	v6 =	vsub.f32 v6, v7  }
0x1c1: {  	v5 =	vadd.f32 v5, v7  }
0x1c2: {  	[tilespmem:$0x16D91] =	vst v6  }
0x1c3: {  	[tilespmem:$0x16C91] =	vst v5  }
0x1c4: {  	v5 =	vld [tilespmem:s26+$0x420];
	_ =	sdelay $0x1  }
0x1c5: {  	v6 =	vld [tilespmem:s28+$0x420]  }
0x1c6: {  	v7 =	vld [tilespmem:s30+$0x420];
	_ =	sdelay $0x1  }
0x1c7: {  	v5 =	vadd.f32 v5, v5;
	_ =	sdelay $0x1  }
0x1c8: {  	v5 =	vadd.f32 v5, v6  }
0x1c9: {  	v6 =	vsub.f32 v6, v7  }
0x1ca: {  	v5 =	vadd.f32 v5, v7  }
0x1cb: {  	[tilespmem:$0x16DA1] =	vst v6  }
0x1cc: {  	[tilespmem:$0x16CA1] =	vst v5  }
0x1cd: {  	v5 =	vld [tilespmem:s26+$0x430];
	_ =	sdelay $0x1  }
0x1ce: {  	v6 =	vld [tilespmem:s28+$0x430]  }
0x1cf: {  	v7 =	vld [tilespmem:s30+$0x430];
	_ =	sdelay $0x1  }
0x1d0: {  	v5 =	vadd.f32 v5, v5;
	_ =	sdelay $0x1  }
0x1d1: {  	v5 =	vadd.f32 v5, v6  }
0x1d2: {  	v6 =	vsub.f32 v6, v7  }
0x1d3: {  	v5 =	vadd.f32 v5, v7  }
0x1d4: {  	[tilespmem:$0x16DB1] =	vst v6  }
0x1d5: {  	[tilespmem:$0x16CB1] =	vst v5  }
0x1d6: {  	v5 =	vld [tilespmem:s26+$0x440];
	_ =	sdelay $0x1  }
0x1d7: {  	v6 =	vld [tilespmem:s28+$0x440]  }
0x1d8: {  	v7 =	vld [tilespmem:s30+$0x440];
	_ =	sdelay $0x1  }
0x1d9: {  	v5 =	vadd.f32 v5, v5;
	_ =	sdelay $0x1  }
0x1da: {  	v5 =	vadd.f32 v5, v6  }
0x1db: {  	v6 =	vsub.f32 v6, v7  }
0x1dc: {  	v5 =	vadd.f32 v5, v7  }
0x1dd: {  	[tilespmem:$0x16DC1] =	vst v6  }
0x1de: {  	[tilespmem:$0x16CC1] =	vst v5  }
0x1df: {  	v5 =	vld [tilespmem:s26+$0x450];
	_ =	sdelay $0x1  }
0x1e0: {  	v6 =	vld [tilespmem:s28+$0x450]  }
0x1e1: {  	v7 =	vld [tilespmem:s30+$0x450];
	_ =	sdelay $0x1  }
0x1e2: {  	v5 =	vadd.f32 v5, v5;
	_ =	sdelay $0x1  }
0x1e3: {  	v5 =	vadd.f32 v5, v6  }
0x1e4: {  	v6 =	vsub.f32 v6, v7  }
0x1e5: {  	v5 =	vadd.f32 v5, v7  }
0x1e6: {  	[tilespmem:$0x16DD1] =	vst v6  }
0x1e7: {  	[tilespmem:$0x16CD1] =	vst v5  }
0x1e8: {  	v5 =	vld.idx.msk [tilespmem:v1+s16+$0x0], $0xffff;
	_ =	sdelay $0x4  }
0x1e9: {  	[tilespmem:v2+s16+$0x0] =	vst.idx.msk $0x3, v5  }
0x1ea: {  	v5 =	vld.idx.msk [tilespmem:v1+s17+$0x0], $0xffff;
	_ =	sdelay $0x1  }
0x1eb: {  	s26 =	sshrl.u32 s24, $0x3  }
0x1ec: {  	s31 =	sand.u32 $0x800, s25;
	s0 =	smul.u32 $0x1C, s26  }
0x1ed: {  	s25 =	simm.s32 $0xFFFFFFFE;
	s24 =	sadd.s32 $0x16E00, s31;
	s28 =	simm.s32 $0x16D12  }
0x1ee: {  	s30 =	simm.s32 $0x0;
	s26 =	simm.s32 $0x16C12;
	v6 =	vmov s29;
	s29 =	simm.s32 $0x0;
	[tilespmem:v2+s17+$0x0] =	vst.idx.msk $0x3, v5;
	v5 =	vmov s0  }
.LBB2_15:
0x1ef: {  	v7 =	vld [tilespmem:s28+$0xFFFFFFEF]  }
0x1f0: {  	v8 =	vld [tilespmem:s26+$0xFFFFFFEE]  }
0x1f1: {  	v9 =	vld [tilespmem:s28+$0xFFFFFFEE]  }
0x1f2: {  	v10 =	vld [tilespmem:s26+$0xFFFFFFF0]  }
0x1f3: {  	v11 =	vld [tilespmem:s28+$0xFFFFFFF0]  }
0x1f4: {  	v7 =	vadd.f32 v7, v7;
	_ =	sdelay $0x1  }
0x1f5: {  	v7 =	vadd.f32 v7, v9;
	_ =	sdelay $0x1  }
0x1f6: {  	v8 =	vsub.f32 v8, v10;
	v7 =	vadd.f32 v7, v11;
	_ =	sdelay $0x1  }
0x1f7: {  	v21 =	vmul.f32 v8, v8;
	v22 =	vmul.f32 v7, v7  }
0x1f8: {  	vm0 =	vlt.f32 v8, $0.0e+00;
	vm1 =	veq.f32 v8, $0.0e+00;
	vm2 =	vlt.f32 v7, $0.0e+00  }
0x1f9: {  	v13 =	vsub.f32 $0.0e+00, v8;
	vm1 =	vmand vm1, vm2;
	v9 =	vadd.f32 v22, v21  }
0x1fa: {  	v14 =	vsub.f32 $0.0e+00, v7;
	vm0 =	vmor vm0, vm1  }
0x1fb: {  	v8 =	vsel vm0, v13, v8;
	v10 =	vshra.s32 v9, $0x1;
	v23 =	vmul.f32 $5.000000000e-01, v9  }
0x1fc: {  	v7 =	vsel vm0, v14, v7;
	v24 =	vmul.f32 $9.396926160e-01, v8;
	v10 =	vsub.s32 $0x5F3759DF, v10  }
0x1fd: {  	v25 =	vmul.f32 $3.420201540e-01, v7;
	v12 =	vmul.f32 v10, v23  }
0x1fe: {  	v27 =	vmul.f32 $7.660444370e-01, v8;
	v15 =	vmul.f32 $6.427876350e-01, v7  }
0x1ff: {  	v29 =	vmul.f32 $5.000000000e-01, v8;
	v12 =	vmul.f32 v10, v12  }
0x200: {  	v30 =	vmul.f32 $8.660253880e-01, v7;
	v8 =	vmul.f32 $1.736481790e-01, v8;
	v26 =	vsub.f32 v24, v25  }
0x201: {  	v7 =	vmul.f32 $9.848077290e-01, v7;
	v28 =	vsub.f32 v27, v15;
	v12 =	vsub.f32 $1.500000000e+00, v12  }
0x202: {  	v13 =	vadd.f32 v15, v27;
	v32 =	vsub.f32 v29, v30  }
0x203: {  	v34 =	vsub.f32 v8, v7;
	v10 =	vmul.f32 v10, v12;
	v12 =	vadd.f32 v25, v24  }
0x204: {  	v7 =	vadd.f32 v7, v8;
	vm9 =	vge.f32 v26, $0.0e+00;
	vm11 =	vge.f32 v28, $0.0e+00  }
0x205: {  	vm12 =	vle.f32 v13, $0.0e+00;
	vm13 =	vge.f32 v32, $0.0e+00;
	vm10 =	vle.f32 v12, $0.0e+00  }
0x206: {  	vm15 =	vge.f32 v34, $0.0e+00;
	v14 =	vsel vm9, $0x1, v3;
	v16 =	vsel vm10, $0x1, v3  }
0x207: {  	v31 =	vsel vm11, $0x1, v3;
	v12 =	vadd.f32 v30, v29;
	v14 =	vadd.s32 v16, v14  }
0x208: {  	v33 =	vsel vm12, $0x1, v3;
	v35 =	vsel vm13, $0x1, v3;
	v14 =	vadd.s32 v31, v14  }
0x209: {  	v11 =	vmul.f32 v10, v23;
	vm14 =	vle.f32 v12, $0.0e+00;
	v14 =	vadd.s32 v33, v14  }
0x20a: {  	vm4 =	vle.f32 v7, $0.0e+00;
	v12 =	vsel vm14, $0x1, v3;
	v8 =	vadd.s32 v35, v14  }
0x20b: {  	s0 =	sand.u32 $0x400, s30;
	v36 =	vsel vm15, $0x1, v3;
	v11 =	vmul.f32 v11, v10;
	v8 =	vadd.s32 v12, v8  }
0x20c: {  	s1 =	sand.u32 $0x60, s29;
	s31 =	sadd.s32 s0, s24;
	v7 =	vadd.s32 v36, v8;
	v8 =	vsel vm4, $0x1, v3  }
0x20d: {  	s0 =	sadd.s32 s1, s31;
	v11 =	vsub.f32 $1.500000000e+00, v11;
	v7 =	vadd.s32 v8, v7;
	v8 =	vor.u32 s29, v4  }
0x20e: {  	v37 =	vld.idx.msk [tilespmem:v6+s0+$0x0 ss:$0x1], $0xffff;
	v8 =	vshrl.u32 v8, $0x3;
	v7 =	vmul.u32 $0x310, v7  }
0x20f: {  	v10 =	vmul.f32 v11, v10;
	v8 =	vadd.s32 v5, v8  }
0x210: {  	v7 =	vadd.s32 v7, v8  }
0x211: {  	v8 =	vmul.f32 v10, v9;
	_ =	sdelay $0x1  }
0x212: {  	v8 =	vmul.f32 v8, v37;
	_ =	sdelay $0x1  }
0x213: {  	[tilespmem:v7+s18+$0x0] =	vst.idx.add.f32.msk $0xffff, v8  }
0x214: {  	v7 =	vld [tilespmem:s28+$0xFFFFFFFF]  }
0x215: {  	v8 =	vld [tilespmem:s26+$0xFFFFFFFE]  }
0x216: {  	v38 =	vld [tilespmem:s28+$0xFFFFFFFE]  }
0x217: {  	v39 =	vld [tilespmem:s26+$0x0]  }
0x218: {  	v40 =	vld [tilespmem:s28+$0x0]  }
0x219: {  	v7 =	vadd.f32 v7, v7;
	_ =	sdelay $0x1  }
0x21a: {  	v7 =	vadd.f32 v7, v38;
	_ =	sdelay $0x1  }
0x21b: {  	v8 =	vsub.f32 v8, v39;
	v7 =	vadd.f32 v7, v40;
	_ =	sdelay $0x1  }
0x21c: {  	v41 =	vmul.f32 v8, v8;
	vm5 =	vlt.f32 v8, $0.0e+00;
	v42 =	vmul.f32 v7, v7  }
0x21d: {  	vm6 =	veq.f32 v8, $0.0e+00;
	v44 =	vsub.f32 $0.0e+00, v8;
	vm7 =	vlt.f32 v7, $0.0e+00  }
0x21e: {  	v45 =	vsub.f32 $0.0e+00, v7;
	vm1 =	vmand vm6, vm7;
	v9 =	vadd.f32 v42, v41  }
0x21f: {  	vm0 =	vmor vm5, vm1  }
0x220: {  	v8 =	vsel vm0, v44, v8;
	v7 =	vsel vm0, v45, v7;
	v43 =	vmul.f32 $5.000000000e-01, v9  }
0x221: {  	v12 =	vmul.f32 $9.396926160e-01, v8;
	v13 =	vmul.f32 $3.420201540e-01, v7  }
0x222: {  	v48 =	vmul.f32 $7.660444370e-01, v8;
	v49 =	vmul.f32 $6.427876350e-01, v7  }
0x223: {  	v53 =	vmul.f32 $5.000000000e-01, v8;
	v17 =	vmul.f32 $8.660253880e-01, v7  }
0x224: {  	v10 =	vshra.s32 v9, $0x1;
	v8 =	vmul.f32 $1.736481790e-01, v8;
	v7 =	vmul.f32 $9.848077290e-01, v7  }
0x225: {  	v10 =	vsub.s32 $0x5F3759DF, v10;
	v47 =	vsub.f32 v12, v13;
	v12 =	vadd.f32 v13, v12  }
0x226: {  	v46 =	vmul.f32 v10, v43;
	v50 =	vsub.f32 v48, v49;
	v13 =	vadd.f32 v49, v48  }
0x227: {  	v55 =	vsub.f32 v53, v17;
	v57 =	vsub.f32 v8, v7  }
0x228: {  	v7 =	vadd.f32 v7, v8;
	v14 =	vmul.f32 v10, v46;
	vm8 =	vge.f32 v47, $0.0e+00  }
0x229: {  	vm9 =	vle.f32 v12, $0.0e+00;
	vm10 =	vge.f32 v50, $0.0e+00;
	v12 =	vadd.f32 v17, v53  }
0x22a: {  	vm11 =	vle.f32 v13, $0.0e+00;
	vm12 =	vge.f32 v55, $0.0e+00;
	v14 =	vsub.f32 $1.500000000e+00, v14  }
0x22b: {  	vm14 =	vge.f32 v57, $0.0e+00;
	v51 =	vsel vm8, $0x1, v3;
	v52 =	vsel vm9, $0x1, v3  }
0x22c: {  	v54 =	vsel vm10, $0x1, v3;
	v10 =	vmul.f32 v10, v14;
	v14 =	vadd.s32 v52, v51  }
0x22d: {  	v13 =	vsel vm11, $0x1, v3;
	v56 =	vsel vm12, $0x1, v3;
	v14 =	vadd.s32 v54, v14  }
0x22e: {  	vm13 =	vle.f32 v12, $0.0e+00;
	v11 =	vmul.f32 v10, v43;
	v13 =	vadd.s32 v13, v14  }
0x22f: {  	vm15 =	vle.f32 v7, $0.0e+00;
	v58 =	vsel vm13, $0x1, v3;
	v13 =	vadd.s32 v56, v13  }
0x230: {  	s0 =	sadd.s32 $0x10, s29;
	v59 =	vsel vm14, $0x1, v3;
	v8 =	vmul.f32 v11, v10;
	v11 =	vadd.s32 v58, v13  }
0x231: {  	s1 =	sand.u32 $0x70, s0;
	v60 =	vsel vm15, $0x1, v3;
	v7 =	vadd.s32 v59, v11  }
0x232: {  	v61 =	vor.u32 s0, v4;
	s1 =	sadd.s32 s1, s31;
	v8 =	vsub.f32 $1.500000000e+00, v8;
	v7 =	vadd.s32 v60, v7  }
0x233: {  	v62 =	vld.idx.msk [tilespmem:v6+s1+$0x0 ss:$0x1], $0xffff;
	v11 =	vshrl.u32 v61, $0x3;
	v7 =	vmul.u32 $0x310, v7  }
0x234: {  	s25 =	sadd.s32 $0x2, s25;
	v63 =	vadd.s32 v5, v11;
	v8 =	vmul.f32 v8, v10  }
0x235: {  	p0 =	slt.u32 s25, $0xC;
	v7 =	vadd.s32 v7, v63  }
.Ltmp6:
0x236: {  	v8 =	vmul.f32 v8, v9;
	(pc) =	sbr.rel @p0 .LBB2_15-.Ltmp6, $4  }
0x237: {  	_ = 	snop  }
0x238: {  	v8 =	vmul.f32 v8, v62  }
0x239: {  	s30 =	sadd.s32 $0x100, s30  }
0x23a: {  	s29 =	sadd.s32 $0x20, s29;
	s26 =	sadd.s32 $0x20, s26;
	s28 =	sadd.s32 $0x20, s28;
	[tilespmem:v7+s18+$0x0] =	vst.idx.add.f32.msk $0xffff, v8  }
0x23b: {  	p0 =	seq.s32 s23, $0xE0  }
.Ltmp7:
0x23c: {  	_ = 	snop;
	(pc) =	sbr.rel @!p0 .LBB2_14-.Ltmp7, $1  }
0x23d: {  	_ =	sdelay $0x3  }
0x23e: {  	s24 =	simm.s32 $0x15C40  }
0x23f: {  	v5 =	vld [tilespmem:s24+$0xFFFFF3C0]  }
0x240: {  	v6 =	vld [tilespmem:s24+$0xFFFFF6D0];
	_ =	sdelay $0x1  }
0x241: {  	v7 =	vld [tilespmem:s24+$0xFFFFF9E0];
	_ =	sdelay $0x1  }
0x242: {  	v8 =	vld [tilespmem:s24+$0xFFFFFCF0]  }
0x243: {  	v9 =	vmul.f32 v5, v5;
	v10 =	vmul.f32 v6, v6  }
0x244: {  	v11 =	vld [tilespmem:s24+$0x0]  }
0x245: {  	v54 =	vmul.f32 v7, v7;
	v9 =	vadd.f32 v10, v9  }
0x246: {  	v12 =	vld [tilespmem:s24+$0x310]  }
0x247: {  	v55 =	vmul.f32 v8, v8;
	v9 =	vadd.f32 v54, v9  }
0x248: {  	v13 =	vld [tilespmem:s24+$0x620]  }
0x249: {  	v56 =	vmul.f32 v11, v11;
	v9 =	vadd.f32 v55, v9  }
0x24a: {  	s25 =	simm.s32 $0x0;
	v14 =	vld [tilespmem:s24+$0x930]  }
0x24b: {  	s0 =	sand.u32 $0x3F0, s25;
	v57 =	vmul.f32 v12, v12;
	v9 =	vadd.f32 v56, v9  }
0x24c: {  	v15 =	vld [tilespmem:s0+$0x16880]  }
0x24d: {  	v58 =	vmul.f32 v13, v13;
	v9 =	vadd.f32 v57, v9;
	_ =	sdelay $0x1  }
0x24e: {  	v59 =	vmul.f32 v14, v14;
	v9 =	vadd.f32 v58, v9;
	_ =	sdelay $0x1  }
0x24f: {  	v60 =	vmul.f32 v15, v15;
	v9 =	vadd.f32 v59, v9;
	_ =	sdelay $0x1  }
0x250: {  	v9 =	vadd.f32 v60, v9;
	_ =	sdelay $0x1  }
0x251: {  	v10 =	vshra.s32 v9, $0x1;
	v9 =	vmul.f32 $5.000000000e-01, v9  }
0x252: {  	v10 =	vsub.s32 $0x5F3759DF, v10  }
0x253: {  	v16 =	vmul.f32 v10, v9;
	_ =	sdelay $0x1  }
0x254: {  	v16 =	vmul.f32 v10, v16;
	_ =	sdelay $0x1  }
0x255: {  	v16 =	vsub.f32 $1.500000000e+00, v16;
	_ =	sdelay $0x1  }
0x256: {  	v10 =	vmul.f32 v10, v16;
	_ =	sdelay $0x1  }
0x257: {  	s23 =	simm.s32 $0x17E00;
	v9 =	vmul.f32 v10, v9  }
0x258: {  	v61 =	vld [tilespmem:s23+$0x0]  }
0x259: {  	v9 =	vmul.f32 v9, v10;
	_ =	sdelay $0x1  }
0x25a: {  	v9 =	vsub.f32 $1.500000000e+00, v9;
	_ =	sdelay $0x1  }
0x25b: {  	v62 =	vadd.s32 $0x4, v61;
	v9 =	vmul.f32 v9, v10  }
0x25c: {  	v17 =	vadd.s32 $0x8, v61  }
0x25d: {  	v18 =	vadd.s32 $0xC, v61;
	v5 =	vmul.f32 v9, v5  }
0x25e: {  	v19 =	vadd.s32 $0x10, v61;
	v6 =	vmul.f32 v9, v6  }
0x25f: {  	[tilespmem:v61+s19+$0x0] =	vst.idx.msk $0xffff, v5;
	v5 =	vmul.f32 v9, v7;
	v7 =	vadd.s32 $0x14, v61  }
0x260: {  	[tilespmem:v62+s19+$0x0] =	vst.idx.msk $0xffff, v6;
	v6 =	vmul.f32 v9, v8;
	v8 =	vadd.s32 $0x18, v61  }
0x261: {  	[tilespmem:v17+s19+$0x0] =	vst.idx.msk $0xffff, v5;
	v5 =	vmul.f32 v9, v11  }
0x262: {  	[tilespmem:v18+s19+$0x0] =	vst.idx.msk $0xffff, v6;
	v6 =	vmul.f32 v9, v12  }
0x263: {  	[tilespmem:v19+s19+$0x0] =	vst.idx.msk $0xffff, v5;
	v5 =	vmul.f32 v9, v13  }
0x264: {  	v63 =	vadd.s32 $0x1C, v61;
	[tilespmem:v7+s19+$0x0] =	vst.idx.msk $0xffff, v6  }
0x265: {  	[tilespmem:v8+s19+$0x0] =	vst.idx.msk $0xffff, v5;
	v5 =	vadd.s32 $0x20, v61;
	_ =	sdelay $0x1  }
0x266: {  	v7 =	vmul.f32 v9, v14  }
0x267: {  	v6 =	vmul.f32 v9, v15  }
0x268: {  	s25 =	simm.s32 $0x10;
	[tilespmem:v63+s19+$0x0] =	vst.idx.msk $0xffff, v7  }
.LBB2_18:
0x269: {  	p0 =	sne.s32 s25, $0x300;
	[tilespmem:v5+s19+$0x0] =	vst.idx.msk $0xffff, v6;
	s23 =	sadd.s32 $0x10, s23;
	s24 =	sadd.s32 $0x10, s24  }
0x26a: {  	s0 =	smov.u32 s25;
	s25 =	sadd.s32 $0x10, s25;
	v5 =	vld [tilespmem:s24+$0xFFFFF3C0]  }
0x26b: {  	v6 =	vld [tilespmem:s24+$0xFFFFF6D0];
	_ =	sdelay $0x1  }
0x26c: {  	v7 =	vld [tilespmem:s24+$0xFFFFF9E0];
	_ =	sdelay $0x1  }
0x26d: {  	v8 =	vld [tilespmem:s24+$0xFFFFFCF0]  }
0x26e: {  	v9 =	vmul.f32 v5, v5;
	v10 =	vmul.f32 v6, v6  }
0x26f: {  	v11 =	vld [tilespmem:s24+$0x0]  }
0x270: {  	v9 =	vadd.f32 v10, v9;
	v10 =	vmul.f32 v7, v7  }
0x271: {  	v12 =	vld [tilespmem:s24+$0x310]  }
0x272: {  	v9 =	vadd.f32 v10, v9;
	v10 =	vmul.f32 v8, v8  }
0x273: {  	v13 =	vld [tilespmem:s24+$0x620]  }
0x274: {  	v9 =	vadd.f32 v10, v9;
	v10 =	vmul.f32 v11, v11  }
0x275: {  	v14 =	vld [tilespmem:s24+$0x930]  }
0x276: {  	s0 =	sand.u32 $0x3F0, s0;
	v9 =	vadd.f32 v10, v9;
	v10 =	vmul.f32 v12, v12  }
0x277: {  	v15 =	vld [tilespmem:s0+$0x16880]  }
0x278: {  	v9 =	vadd.f32 v10, v9;
	v10 =	vmul.f32 v13, v13;
	_ =	sdelay $0x1  }
0x279: {  	v9 =	vadd.f32 v10, v9;
	v10 =	vmul.f32 v14, v14;
	_ =	sdelay $0x1  }
0x27a: {  	v9 =	vadd.f32 v10, v9;
	v10 =	vmul.f32 v15, v15;
	_ =	sdelay $0x1  }
0x27b: {  	v9 =	vadd.f32 v10, v9;
	_ =	sdelay $0x1  }
0x27c: {  	v10 =	vshra.s32 v9, $0x1;
	v9 =	vmul.f32 $5.000000000e-01, v9  }
0x27d: {  	v10 =	vsub.s32 $0x5F3759DF, v10  }
0x27e: {  	v16 =	vmul.f32 v10, v9;
	_ =	sdelay $0x1  }
0x27f: {  	v16 =	vmul.f32 v10, v16;
	_ =	sdelay $0x1  }
0x280: {  	v16 =	vsub.f32 $1.500000000e+00, v16;
	_ =	sdelay $0x1  }
0x281: {  	v10 =	vmul.f32 v10, v16;
	_ =	sdelay $0x1  }
0x282: {  	v9 =	vmul.f32 v10, v9  }
0x283: {  	v16 =	vld [tilespmem:s23+$0x0]  }
0x284: {  	v9 =	vmul.f32 v9, v10;
	_ =	sdelay $0x1  }
0x285: {  	v9 =	vsub.f32 $1.500000000e+00, v9;
	_ =	sdelay $0x1  }
0x286: {  	v9 =	vmul.f32 v9, v10;
	v10 =	vadd.s32 $0x4, v16  }
0x287: {  	v17 =	vadd.s32 $0x8, v16  }
0x288: {  	v18 =	vadd.s32 $0xC, v16;
	v5 =	vmul.f32 v9, v5;
	v6 =	vmul.f32 v9, v6  }
0x289: {  	v19 =	vadd.s32 $0x10, v16  }
0x28a: {  	[tilespmem:v16+s19+$0x0] =	vst.idx.msk $0xffff, v5;
	v5 =	vmul.f32 v9, v7;
	v7 =	vadd.s32 $0x14, v16  }
0x28b: {  	[tilespmem:v10+s19+$0x0] =	vst.idx.msk $0xffff, v6;
	v6 =	vmul.f32 v9, v8;
	v8 =	vadd.s32 $0x18, v16  }
0x28c: {  	v10 =	vmul.f32 v9, v11;
	v11 =	vadd.s32 $0x1C, v16;
	[tilespmem:v17+s19+$0x0] =	vst.idx.msk $0xffff, v5  }
.Ltmp8:
0x28d: {  	v5 =	vadd.s32 $0x20, v16;
	[tilespmem:v18+s19+$0x0] =	vst.idx.msk $0xffff, v6;
	v6 =	vmul.f32 v9, v12;
	(pc) =	sbr.rel @p0 .LBB2_18-.Ltmp8, $4  }
0x28e: {  	[tilespmem:v19+s19+$0x0] =	vst.idx.msk $0xffff, v10;
	v10 =	vmul.f32 v9, v13  }
0x28f: {  	[tilespmem:v7+s19+$0x0] =	vst.idx.msk $0xffff, v6;
	v7 =	vmul.f32 v9, v14  }
0x290: {  	v6 =	vmul.f32 v9, v15;
	[tilespmem:v8+s19+$0x0] =	vst.idx.msk $0xffff, v10  }
0x291: {  	[tilespmem:v11+s19+$0x0] =	vst.idx.msk $0xffff, v7  }
0x292: {  	_ =	sdelay $0x1  }
0x293: {  	s22 =	sadd.s32 $0x1, s22  }
0x294: {  	p0 =	sne.s32 s22, s11  }
.Ltmp9:
0x295: {  	[tilespmem:v5+s19+$0x0] =	vst.idx.msk $0xffff, v6;
	(pc) =	sbr.rel @p0 .LBB2_1-.Ltmp9, $4  }
0x296: {  	[hbm4b:s10+s20] =	stream.strided.scatter [tilespmem:s19], [sflag:$0x1], $0x1C00, s21, s20, $0x38;
	[tilespmem:$0x19D80] =	vst v63  }
0x297: {  	_ =	swait.ge [sflag:s13], $0x1C00  }
0x298: {  	[sflag:s13] =	ssyncset.done $0x0  }
0x299: {  	[sflag:s13] =	ssyncadd.s32 $0xFFFFE400  }
0x29a: {  	_ =	sfence.sel $0x180000  }
0x29b: {  	[bflag:$0x0] =	sbarrier.arrive $0xFFFF  }
0x29c: {  	_ =	strace $0x90000047  }
0x29d: {  	s0 =	stileid.u32;
	[bflag:$0x2] =	sbarrier.arrive $0xFFFF  }
0x29e: {  	p0 =	sne.s32 s0, $0x0;
	s0 =	rddreg [dreg:$0x3]  }
0x29f: {  	s0 =	sadd.s32 @!p0 $0x100000, s0  }
0x2a0: {  	[sflag:s0] =	ssyncadd.tile.s32 @!p0 $0x1;
	_ =	shalt  }
.Lfunc_end2:
_tile_overlayer_lowered:
.L_overlay_start_2:
0x2a1: {  	(tag) =	ssettag $0x2  }
0x2a2: {  	s0 =	rddreg [dreg:$0x0];
	s2 =	stileid.u32  }
0x2a3: {  	s1 =	rddreg [dreg:$0x1];
	p0 =	sne.s32 s2, $0x0  }
0x2a4: {  	s3 =	rddreg [dreg:$0x2];
	[bflag:$0x3] =	sbarrier.arrive $0xFFFF;
	s2 =	simm.s32 @!p0 $0x1C01  }
0x2a5: {  	[timem:s3], [sflag:s2] =	dma.local @!p0 [hbm:s0], s1  }
0x2a6: {  	s0 =	simm.s32 @!p0 $0x1  }
0x2a7: {  	_ =	swait.ge @!p0 [sflag:s0], s1  }
0x2a8: {  	s1 =	ssub.s32 @!p0 $0x0, s1;
	[sflag:s0] =	ssyncset.done @!p0 $0x0  }
0x2a9: {  	[sflag:s0] =	ssyncadd.s32 @!p0 s1  }
0x2aa: {  	[bflag:$0x3] =	sbarrier.arrive $0xFFFF  }
0x2ab: {  	_ =	shalt  }

</sc_bundles>
